<compile_context>
chip_gen: v7x
topology: tpu7x:2x2x1
jax: 0.10.2.dev20260603
libtpu: 0.0.44.dev20260713+nightly
codegen_flags: <defaults>
</compile_context>

<pallas_src>
import numpy as np
import jax
import jax.numpy as jnp
from jax import lax
from jax.experimental import pallas as pl
from jax.experimental.pallas import tpu as pltpu
from jax.experimental.pallas import tpu_sc as plsc

N = 10000
E = 320000
D = 128
NCORES = 2
NSUB = 16
NW = NCORES * NSUB
CH = 128
NCH = 80
EPT = NCH * CH
EPAD = EPT * NW
NPAD = 10240
STRIPE = NPAD // NSUB
ICH = STRIPE // CH
CROWS = NPAD // D

_MESH = plsc.VectorSubcoreMesh(core_axis_name="c", subcore_axis_name="s")
_SC_PARAMS = pltpu.CompilerParams(needs_layout_passes=False)


def _make_sc_agg(with_counts):
    out_type = [jax.ShapeDtypeStruct((NCORES * NPAD, D), jnp.float32)]
    scratch = [
        pltpu.VMEM_SHARED((NPAD, D), jnp.float32),
        pltpu.VMEM((CH,), jnp.int32),
        pltpu.VMEM((CH,), jnp.int32),
        pltpu.VMEM((CH,), jnp.int32),
        pltpu.VMEM((CH,), jnp.int32),
        pltpu.VMEM((CH, D), jnp.float32),
        pltpu.VMEM((CH, D), jnp.float32),
        pltpu.SemaphoreType.DMA,
        pltpu.SemaphoreType.DMA,
        pltpu.SemaphoreType.DMA,
        pltpu.SemaphoreType.DMA,
    ]
    if with_counts:
        out_type.append(jax.ShapeDtypeStruct((NCORES * CH, D), jnp.float32))
        scratch += [
            pltpu.VMEM_SHARED((CH, D), jnp.float32),
            pltpu.VMEM((NPAD,), jnp.float32),
        ]

    def body(y_hbm, src_hbm, dst_hbm, rowidx_hbm, z_hbm, *rest):
        if with_counts:
            (z1_hbm, p_hbm, cnt_hbm, acc, src0, dst0, src1, dst1,
             rows0, rows1, gs0, gs1, ss0, ss1, cacc, hist) = rest
        else:
            (p_hbm, acc, src0, dst0, src1, dst1,
             rows0, rows1, gs0, gs1, ss0, ss1) = rest
        cid = lax.axis_index("c")
        sid = lax.axis_index("s")
        w = cid * NSUB + sid
        s0 = sid * STRIPE

        pltpu.sync_copy(z_hbm, rows0)
        for k in range(ICH):
            pltpu.sync_copy(rowidx_hbm.at[pl.ds(s0 + k * CH, CH)], dst0)
            pltpu.sync_copy(rows0, acc.at[dst0])
        if with_counts:
            pltpu.sync_copy(z1_hbm, hist)
            pltpu.sync_copy(rowidx_hbm.at[pl.ds(0, CH)], dst0)

            @pl.when(sid == 0)
            def _():
                pltpu.sync_copy(rows0, cacc.at[dst0])
        plsc.subcore_barrier()

        e0 = w * EPT
        srcs = (src0, src1)
        dsts = (dst0, dst1)
        rows = (rows0, rows1)
        gsems = (gs0, gs1)
        ssems = (ss0, ss1)
        vone = jnp.ones((16,), jnp.float32)

        def load_and_gather(par, c):
            base = pl.multiple_of(e0 + c * CH, CH)
            pltpu.sync_copy(src_hbm.at[pl.ds(base, CH)], srcs[par])
            pltpu.sync_copy(dst_hbm.at[pl.ds(base, CH)], dsts[par])
            pltpu.async_copy(y_hbm.at[srcs[par]], rows[par], gsems[par])
            if with_counts:
                for j in range(CH // 16):
                    dvec = dsts[par][pl.ds(j * 16, 16)]
                    plsc.addupdate_scatter(hist, [dvec], vone)

        def wait_gather(par):
            pltpu.make_async_copy(y_hbm.at[srcs[par]], rows[par],
                                  gsems[par]).wait()

        def start_scatter(par):
            pltpu.async_copy(rows[par], acc.at[dsts[par]], ssems[par],
                             add=True)

        def wait_scatter(par):
            pltpu.make_async_copy(rows[par], acc.at[dsts[par]],
                                  ssems[par]).wait()

        load_and_gather(0, 0)
        load_and_gather(1, 1)

        def step(g, carry):
            c = 2 * g
            wait_gather(0)
            start_scatter(0)
            wait_gather(1)
            start_scatter(1)
            wait_scatter(0)
            load_and_gather(0, c + 2)
            wait_scatter(1)
            load_and_gather(1, c + 3)
            return carry

        lax.fori_loop(0, NCH // 2 - 1, step, 0)
        wait_gather(0)
        start_scatter(0)
        wait_gather(1)
        start_scatter(1)
        wait_scatter(0)
        wait_scatter(1)
        if with_counts:
            pltpu.sync_copy(z_hbm, rows0)

            def pack(r, carry):
                for j in range(D // 16):
                    rows0[r, pl.ds(j * 16, 16)] = (
                        hist[pl.ds(r * D + j * 16, 16)])
                return carry

            lax.fori_loop(0, CROWS, pack, 0)
            pltpu.sync_copy(rowidx_hbm.at[pl.ds(0, CH)], dst0)
            pltpu.sync_copy(rows0, cacc.at[dst0], add=True)
        plsc.subcore_barrier()

        o0 = cid * NPAD + s0
        for k in range(ICH):
            pltpu.sync_copy(rowidx_hbm.at[pl.ds(s0 + k * CH, CH)], dst0)
            pltpu.sync_copy(acc.at[dst0], rows0)
            pltpu.sync_copy(rows0, p_hbm.at[pl.ds(o0 + k * CH, CH)])
        if with_counts:
            @pl.when(sid == 0)
            def _():
                pltpu.sync_copy(rowidx_hbm.at[pl.ds(0, CH)], dst0)
                pltpu.sync_copy(cacc.at[dst0], rows0)
                pltpu.sync_copy(rows0, cnt_hbm.at[pl.ds(cid * CH, CH)])

    return pl.kernel(
        body,
        out_type=tuple(out_type) if with_counts else out_type[0],
        mesh=_MESH,
        scratch_types=scratch,
        compiler_params=_SC_PARAMS,
    )


_sc_agg_counts = _make_sc_agg(True)
_sc_agg = _make_sc_agg(False)

RB = 1280
_GRID = (NPAD // RB,)


def _dotT(a, w):
    return lax.dot_general(a, w, (((1,), (1,)), ((), ())),
                           precision=lax.Precision.HIGHEST)


def _cnt_col(c0, c1, eq, msk):
    cb = c0 + c1
    expanded = lax.dot_general(eq, cb, (((1,), (0,)), ((), ())),
                               precision=lax.Precision.HIGHEST)
    col = jnp.sum(expanded * msk, axis=1, keepdims=True)
    return jnp.maximum(col, 1.0)


def _tc_prep_body(x_ref, wl_ref, wr_ref, b_ref, y_ref, r_ref):
    xb = x_ref[...]
    y_ref[...] = _dotT(xb, wl_ref[...])
    r_ref[...] = _dotT(xb, wr_ref[...]) + b_ref[...]


def _tc_mid_body(p0_ref, p1_ref, c0_ref, c1_ref, r1_ref, eq_ref, msk_ref,
                 wl_ref, wr_ref, b_ref, y2_ref, r2_ref):
    cnt = _cnt_col(c0_ref[...], c1_ref[...], eq_ref[...], msk_ref[...])
    h = jnp.maximum((p0_ref[...] + p1_ref[...]) / cnt + r1_ref[...], 0.0)
    y2_ref[...] = _dotT(h, wl_ref[...])
    r2_ref[...] = _dotT(h, wr_ref[...]) + b_ref[...]


def _tc_fin_body(q0_ref, q1_ref, c0_ref, c1_ref, r2_ref, eq_ref, msk_ref,
                 out_ref):
    cnt = _cnt_col(c0_ref[...], c1_ref[...], eq_ref[...], msk_ref[...])
    out_ref[...] = (q0_ref[...] + q1_ref[...]) / cnt + r2_ref[...]


_row_spec = pl.BlockSpec((RB, D), lambda i: (i, 0))
_cnt_spec = pl.BlockSpec((CROWS, D), lambda i: (0, 0))
_eq_spec = pl.BlockSpec((RB, CROWS), lambda i: (i, 0))
_w_spec = pl.BlockSpec((D, D), lambda i: (0, 0))
_b_spec = pl.BlockSpec((1, D), lambda i: (0, 0))

_tc_prep = pl.pallas_call(
    _tc_prep_body, grid=_GRID,
    in_specs=[_row_spec, _w_spec, _w_spec, _b_spec],
    out_specs=[_row_spec, _row_spec],
    out_shape=[jax.ShapeDtypeStruct((NPAD, D), jnp.float32)] * 2,
)

_tc_mid = pl.pallas_call(
    _tc_mid_body, grid=_GRID,
    in_specs=[_row_spec, _row_spec, _cnt_spec, _cnt_spec, _row_spec,
              _eq_spec, _row_spec, _w_spec, _w_spec, _b_spec],
    out_specs=[_row_spec, _row_spec],
    out_shape=[jax.ShapeDtypeStruct((NPAD, D), jnp.float32)] * 2,
)

_tc_fin = pl.pallas_call(
    _tc_fin_body, grid=_GRID,
    in_specs=[_row_spec, _row_spec, _cnt_spec, _cnt_spec, _row_spec,
              _eq_spec, _row_spec],
    out_specs=_row_spec,
    out_shape=jax.ShapeDtypeStruct((NPAD, D), jnp.float32),
)

_EQ = np.asarray(
    np.arange(NPAD)[:, None] // D == np.arange(CROWS)[None, :],
    dtype=np.float32)
_MSK = np.asarray(
    np.arange(RB)[:, None] % D == np.arange(D)[None, :], dtype=np.float32)


def kernel(x, edge_index, W1l, b1, W1r, W2l, b2, W2r):
    src = edge_index[0].astype(jnp.int32)
    dst = edge_index[1].astype(jnp.int32)
    pad = EPAD - E
    pad_src = jnp.asarray(np.arange(pad) % N, dtype=jnp.int32)
    pad_dst = jnp.asarray(N + np.arange(pad) % (NPAD - N), dtype=jnp.int32)
    srcp = jnp.concatenate([src, pad_src])
    dstp = jnp.concatenate([dst, pad_dst])
    zacc = jnp.zeros((CH, D), jnp.float32)
    zflat = jnp.zeros((NPAD,), jnp.float32)
    rowidx = jnp.arange(NPAD, dtype=jnp.int32)
    xp = jnp.concatenate([x, jnp.zeros((NPAD - N, D), jnp.float32)])

    y1, r1 = _tc_prep(xp, W1l, W1r, b1.reshape(1, D))
    p, cnt = _sc_agg_counts(y1, srcp, dstp, rowidx, zacc, zflat)
    eq = jnp.asarray(_EQ)
    msk = jnp.asarray(_MSK)
    pr = p.reshape(NCORES, NPAD, D)
    c0, c1 = cnt[:CROWS], cnt[CH:CH + CROWS]
    y2, r2 = _tc_mid(pr[0], pr[1], c0, c1, r1, eq, msk,
                     W2l, W2r, b2.reshape(1, D))
    q = _sc_agg(y2, srcp, dstp, rowidx, zacc).reshape(NCORES, NPAD, D)
    return _tc_fin(q[0], q[1], c0, c1, r2, eq, msk)[:N]

# --- scband reference (transcript-rebuilt; emitter-appended) ---
"""Pipeline reference for scband-graph-sage-50371376447710 (READ-ONLY COPY).

The authoritative reference and input builder live on the scoring server;
editing this copy changes nothing except your own understanding.
"""

import jax, jax.numpy as jnp
import numpy as np

N_NODES = 10000
N_EDGES = 320000
D_IN = 128
D_HID = 128
D_OUT = 128


def setup_inputs(seed: int = 0) -> dict:
    key = jax.random.key(seed)
    ks = jax.random.split(key, 9)
    x = jax.random.normal(ks[0], (N_NODES, D_IN), dtype=jnp.float32)
    edge_index = jax.random.randint(ks[1], (2, N_EDGES), 0, N_NODES, dtype=jnp.int64 if jax.config.jax_enable_x64 else jnp.int32)
    # SAGEConv layer 1 params (lin_l applied to aggregated neighbors with bias, lin_r applied to root)
    s1 = 1.0 / np.sqrt(D_IN)
    W1l = jax.random.uniform(ks[2], (D_HID, D_IN), dtype=jnp.float32, minval=-s1, maxval=s1)
    b1 = jax.random.uniform(ks[3], (D_HID,), dtype=jnp.float32, minval=-s1, maxval=s1)
    W1r = jax.random.uniform(ks[4], (D_HID, D_IN), dtype=jnp.float32, minval=-s1, maxval=s1)
    # SAGEConv layer 2 params
    s2 = 1.0 / np.sqrt(D_HID)
    W2l = jax.random.uniform(ks[5], (D_OUT, D_HID), dtype=jnp.float32, minval=-s2, maxval=s2)
    b2 = jax.random.uniform(ks[6], (D_OUT,), dtype=jnp.float32, minval=-s2, maxval=s2)
    W2r = jax.random.uniform(ks[7], (D_OUT, D_HID), dtype=jnp.float32, minval=-s2, maxval=s2)
    return {"x": x, "edge_index": edge_index, "W1l": W1l, "b1": b1, "W1r": W1r, "W2l": W2l, "b2": b2, "W2r": W2r}


def _sage_conv(x, edge_index, Wl, bl, Wr):
    src = edge_index[0]
    dst = edge_index[1]
    msgs = jnp.take(x, src, axis=0)  # gather neighbor features
    summed = jax.ops.segment_sum(msgs, dst, num_segments=N_NODES)
    cnt = jax.ops.segment_sum(jnp.ones((msgs.shape[0],), dtype=x.dtype), dst, num_segments=N_NODES)
    mean = summed / jnp.clip(cnt, 1.0, None)[:, None]
    return mean @ Wl.T + bl + x @ Wr.T


def reference(x, edge_index, W1l, b1, W1r, W2l, b2, W2r):
    h = _sage_conv(x, edge_index, W1l, b1, W1r)
    h = jax.nn.relu(h)
    out = _sage_conv(h, edge_index, W2l, b2, W2r)
    return out

if __name__ == "__main__":
    import jax
    _d = setup_inputs()
    print(jax.jit(kernel)(*tuple(_d.values())))

</pallas_src>

<mosaic_0001>
#map = affine_map<(d0, d1) -> (0, 0)>
#map1 = affine_map<(d0, d1) -> (0)>
module attributes {stable_mosaic.version = 14 : i64} {
  func.func @body(%arg0: i32, %arg1: i32, %arg2: memref<10240x128xf32, #tpu.memory_space<hbm>>, %arg3: memref<327680xi32, #tpu.memory_space<hbm>>, %arg4: memref<327680xi32, #tpu.memory_space<hbm>>, %arg5: memref<10240xi32, #tpu.memory_space<hbm>>, %arg6: memref<128x128xf32, #tpu.memory_space<hbm>>, %arg7: memref<10240xf32, #tpu.memory_space<hbm>>, %arg8: memref<20480x128xf32, #tpu.memory_space<hbm>>, %arg9: memref<256x128xf32, #tpu.memory_space<hbm>>, %arg10: memref<10240x128xf32, #tpu.memory_space<vmem_shared>>, %arg11: memref<128xi32, #tpu.memory_space<vmem>>, %arg12: memref<128xi32, #tpu.memory_space<vmem>>, %arg13: memref<128xi32, #tpu.memory_space<vmem>>, %arg14: memref<128xi32, #tpu.memory_space<vmem>>, %arg15: memref<128x128xf32, #tpu.memory_space<vmem>>, %arg16: memref<128x128xf32, #tpu.memory_space<vmem>>, %arg17: memref<!tpu.dma_semaphore, #tpu.memory_space<semaphore_mem>>, %arg18: memref<!tpu.dma_semaphore, #tpu.memory_space<semaphore_mem>>, %arg19: memref<!tpu.dma_semaphore, #tpu.memory_space<semaphore_mem>>, %arg20: memref<!tpu.dma_semaphore, #tpu.memory_space<semaphore_mem>>, %arg21: memref<128x128xf32, #tpu.memory_space<vmem_shared>>, %arg22: memref<10240xf32, #tpu.memory_space<vmem>>) attributes {dimension_semantics = [#tpu.dimension_semantics<core_parallel>, #tpu.dimension_semantics<subcore_parallel>], iteration_bounds = array<i64: 2, 16>, scalar_prefetch = 0 : i64, scratch_operands = 13 : i64, tpu.core_type = #tpu.core_type<sc_vector_subcore>, window_params = [{transform_indices = #map}, {transform_indices = #map1}, {transform_indices = #map1}, {transform_indices = #map1}, {transform_indices = #map}, {transform_indices = #map1}, {transform_indices = #map}, {transform_indices = #map}]} {
    %mul3A = arith.constant 16 : i32
    %mul3A_0 = arith.muli %arg0, %mul3A : i32
    %add3A = arith.addi %mul3A_0, %arg1 : i32
    %mul3A_1 = arith.constant 640 : i32
    %mul3A_2 = arith.muli %arg1, %mul3A_1 : i32
    "tpu.region"() ({
      %run_scoped3A = tpu.sem_alloc : memref<!tpu.dma_semaphore, #tpu.memory_space<semaphore_mem>>
      tpu.enqueue_dma source(%arg6 : memref<128x128xf32, #tpu.memory_space<hbm>>) target(%arg15 : memref<128x128xf32, #tpu.memory_space<vmem>>) target_semaphore(%run_scoped3A : memref<!tpu.dma_semaphore, #tpu.memory_space<semaphore_mem>>)
      tpu.wait_dma2 semaphore(%run_scoped3A : memref<!tpu.dma_semaphore, #tpu.memory_space<semaphore_mem>>) src(%arg6 : memref<128x128xf32, #tpu.memory_space<hbm>>) dst(%arg15 : memref<128x128xf32, #tpu.memory_space<vmem>>)
      tpu.yield
    }) : () -> ()
    %add3A_3 = arith.constant 0 : i32
    %add3A_4 = arith.addi %mul3A_2, %add3A_3 : i32
    "tpu.region"() ({
      %run_scoped3A = tpu.sem_alloc : memref<!tpu.dma_semaphore, #tpu.memory_space<semaphore_mem>>
      %dma_start3A_116 = tpu.memref_slice %arg5[%add3A_4] : memref<10240xi32, #tpu.memory_space<hbm>> -> memref<128xi32, #tpu.memory_space<hbm>>
      %dma_start3A_117 = tpu.memref_slice %arg5[%add3A_4] : memref<10240xi32, #tpu.memory_space<hbm>> -> memref<128xi32, #tpu.memory_space<hbm>>
      tpu.enqueue_dma source(%dma_start3A_117 : memref<128xi32, #tpu.memory_space<hbm>>) target(%arg12 : memref<128xi32, #tpu.memory_space<vmem>>) target_semaphore(%run_scoped3A : memref<!tpu.dma_semaphore, #tpu.memory_space<semaphore_mem>>)
      %dma_wait3A_118 = tpu.memref_slice %arg5[%add3A_4] : memref<10240xi32, #tpu.memory_space<hbm>> -> memref<128xi32, #tpu.memory_space<hbm>>
      %dma_wait3A_119 = tpu.memref_slice %arg5[%add3A_4] : memref<10240xi32, #tpu.memory_space<hbm>> -> memref<128xi32, #tpu.memory_space<hbm>>
      tpu.wait_dma2 semaphore(%run_scoped3A : memref<!tpu.dma_semaphore, #tpu.memory_space<semaphore_mem>>) src(%dma_wait3A_119 : memref<128xi32, #tpu.memory_space<hbm>>) dst(%arg12 : memref<128xi32, #tpu.memory_space<vmem>>)
      tpu.yield
    }) : () -> ()
    "tpu.region"() ({
      %run_scoped3A = tpu.sem_alloc : memref<!tpu.dma_semaphore, #tpu.memory_space<semaphore_mem>>
      %dma_start3A_116 = arith.constant 0 : i32
      %dma_start3A_117 = arith.constant 0 : i32
      %dma_start3A_118 = tpu.memref_slice %arg10[%dma_start3A_116, %dma_start3A_117] : memref<10240x128xf32, #tpu.memory_space<vmem_shared>> -> memref<10240x128xf32, #tpu.memory_space<vmem_shared>>
      tpu.enqueue_indirect_dma source(%arg15 : memref<128x128xf32, #tpu.memory_space<vmem>>) target(%dma_start3A_118 : memref<10240x128xf32, #tpu.memory_space<vmem_shared>>) offsets(%arg12 : memref<128xi32, #tpu.memory_space<vmem>>) semaphore(%run_scoped3A : memref<!tpu.dma_semaphore, #tpu.memory_space<semaphore_mem>>)
      %dma_wait3A_119 = arith.constant 0 : i32
      %dma_wait3A_120 = arith.constant 0 : i32
      %dma_wait3A_121 = tpu.memref_slice %arg10[%dma_wait3A_119, %dma_wait3A_120] : memref<10240x128xf32, #tpu.memory_space<vmem_shared>> -> memref<10240x128xf32, #tpu.memory_space<vmem_shared>>
      tpu.wait_indirect_dma semaphore(%run_scoped3A : memref<!tpu.dma_semaphore, #tpu.memory_space<semaphore_mem>>) src(%arg15 : memref<128x128xf32, #tpu.memory_space<vmem>>) dst(%dma_wait3A_121 : memref<10240x128xf32, #tpu.memory_space<vmem_shared>>)
      tpu.yield
    }) : () -> ()
    %add3A_5 = arith.constant 128 : i32
    %add3A_6 = arith.addi %mul3A_2, %add3A_5 : i32
    "tpu.region"() ({
      %run_scoped3A = tpu.sem_alloc : memref<!tpu.dma_semaphore, #tpu.memory_space<semaphore_mem>>
      %dma_start3A_116 = tpu.memref_slice %arg5[%add3A_6] : memref<10240xi32, #tpu.memory_space<hbm>> -> memref<128xi32, #tpu.memory_space<hbm>>
      %dma_start3A_117 = tpu.memref_slice %arg5[%add3A_6] : memref<10240xi32, #tpu.memory_space<hbm>> -> memref<128xi32, #tpu.memory_space<hbm>>
      tpu.enqueue_dma source(%dma_start3A_117 : memref<128xi32, #tpu.memory_space<hbm>>) target(%arg12 : memref<128xi32, #tpu.memory_space<vmem>>) target_semaphore(%run_scoped3A : memref<!tpu.dma_semaphore, #tpu.memory_space<semaphore_mem>>)
      %dma_wait3A_118 = tpu.memref_slice %arg5[%add3A_6] : memref<10240xi32, #tpu.memory_space<hbm>> -> memref<128xi32, #tpu.memory_space<hbm>>
      %dma_wait3A_119 = tpu.memref_slice %arg5[%add3A_6] : memref<10240xi32, #tpu.memory_space<hbm>> -> memref<128xi32, #tpu.memory_space<hbm>>
      tpu.wait_dma2 semaphore(%run_scoped3A : memref<!tpu.dma_semaphore, #tpu.memory_space<semaphore_mem>>) src(%dma_wait3A_119 : memref<128xi32, #tpu.memory_space<hbm>>) dst(%arg12 : memref<128xi32, #tpu.memory_space<vmem>>)
      tpu.yield
    }) : () -> ()
    "tpu.region"() ({
      %run_scoped3A = tpu.sem_alloc : memref<!tpu.dma_semaphore, #tpu.memory_space<semaphore_mem>>
      %dma_start3A_116 = arith.constant 0 : i32
      %dma_start3A_117 = arith.constant 0 : i32
      %dma_start3A_118 = tpu.memref_slice %arg10[%dma_start3A_116, %dma_start3A_117] : memref<10240x128xf32, #tpu.memory_space<vmem_shared>> -> memref<10240x128xf32, #tpu.memory_space<vmem_shared>>
      tpu.enqueue_indirect_dma source(%arg15 : memref<128x128xf32, #tpu.memory_space<vmem>>) target(%dma_start3A_118 : memref<10240x128xf32, #tpu.memory_space<vmem_shared>>) offsets(%arg12 : memref<128xi32, #tpu.memory_space<vmem>>) semaphore(%run_scoped3A : memref<!tpu.dma_semaphore, #tpu.memory_space<semaphore_mem>>)
      %dma_wait3A_119 = arith.constant 0 : i32
      %dma_wait3A_120 = arith.constant 0 : i32
      %dma_wait3A_121 = tpu.memref_slice %arg10[%dma_wait3A_119, %dma_wait3A_120] : memref<10240x128xf32, #tpu.memory_space<vmem_shared>> -> memref<10240x128xf32, #tpu.memory_space<vmem_shared>>
      tpu.wait_indirect_dma semaphore(%run_scoped3A : memref<!tpu.dma_semaphore, #tpu.memory_space<semaphore_mem>>) src(%arg15 : memref<128x128xf32, #tpu.memory_space<vmem>>) dst(%dma_wait3A_121 : memref<10240x128xf32, #tpu.memory_space<vmem_shared>>)
      tpu.yield
    }) : () -> ()
    %add3A_7 = arith.constant 256 : i32
    %add3A_8 = arith.addi %mul3A_2, %add3A_7 : i32
    "tpu.region"() ({
      %run_scoped3A = tpu.sem_alloc : memref<!tpu.dma_semaphore, #tpu.memory_space<semaphore_mem>>
      %dma_start3A_116 = tpu.memref_slice %arg5[%add3A_8] : memref<10240xi32, #tpu.memory_space<hbm>> -> memref<128xi32, #tpu.memory_space<hbm>>
      %dma_start3A_117 = tpu.memref_slice %arg5[%add3A_8] : memref<10240xi32, #tpu.memory_space<hbm>> -> memref<128xi32, #tpu.memory_space<hbm>>
      tpu.enqueue_dma source(%dma_start3A_117 : memref<128xi32, #tpu.memory_space<hbm>>) target(%arg12 : memref<128xi32, #tpu.memory_space<vmem>>) target_semaphore(%run_scoped3A : memref<!tpu.dma_semaphore, #tpu.memory_space<semaphore_mem>>)
      %dma_wait3A_118 = tpu.memref_slice %arg5[%add3A_8] : memref<10240xi32, #tpu.memory_space<hbm>> -> memref<128xi32, #tpu.memory_space<hbm>>
      %dma_wait3A_119 = tpu.memref_slice %arg5[%add3A_8] : memref<10240xi32, #tpu.memory_space<hbm>> -> memref<128xi32, #tpu.memory_space<hbm>>
      tpu.wait_dma2 semaphore(%run_scoped3A : memref<!tpu.dma_semaphore, #tpu.memory_space<semaphore_mem>>) src(%dma_wait3A_119 : memref<128xi32, #tpu.memory_space<hbm>>) dst(%arg12 : memref<128xi32, #tpu.memory_space<vmem>>)
      tpu.yield
    }) : () -> ()
    "tpu.region"() ({
      %run_scoped3A = tpu.sem_alloc : memref<!tpu.dma_semaphore, #tpu.memory_space<semaphore_mem>>
      %dma_start3A_116 = arith.constant 0 : i32
      %dma_start3A_117 = arith.constant 0 : i32
      %dma_start3A_118 = tpu.memref_slice %arg10[%dma_start3A_116, %dma_start3A_117] : memref<10240x128xf32, #tpu.memory_space<vmem_shared>> -> memref<10240x128xf32, #tpu.memory_space<vmem_shared>>
      tpu.enqueue_indirect_dma source(%arg15 : memref<128x128xf32, #tpu.memory_space<vmem>>) target(%dma_start3A_118 : memref<10240x128xf32, #tpu.memory_space<vmem_shared>>) offsets(%arg12 : memref<128xi32, #tpu.memory_space<vmem>>) semaphore(%run_scoped3A : memref<!tpu.dma_semaphore, #tpu.memory_space<semaphore_mem>>)
      %dma_wait3A_119 = arith.constant 0 : i32
      %dma_wait3A_120 = arith.constant 0 : i32
      %dma_wait3A_121 = tpu.memref_slice %arg10[%dma_wait3A_119, %dma_wait3A_120] : memref<10240x128xf32, #tpu.memory_space<vmem_shared>> -> memref<10240x128xf32, #tpu.memory_space<vmem_shared>>
      tpu.wait_indirect_dma semaphore(%run_scoped3A : memref<!tpu.dma_semaphore, #tpu.memory_space<semaphore_mem>>) src(%arg15 : memref<128x128xf32, #tpu.memory_space<vmem>>) dst(%dma_wait3A_121 : memref<10240x128xf32, #tpu.memory_space<vmem_shared>>)
      tpu.yield
    }) : () -> ()
    %add3A_9 = arith.constant 384 : i32
    %add3A_10 = arith.addi %mul3A_2, %add3A_9 : i32
    "tpu.region"() ({
      %run_scoped3A = tpu.sem_alloc : memref<!tpu.dma_semaphore, #tpu.memory_space<semaphore_mem>>
      %dma_start3A_116 = tpu.memref_slice %arg5[%add3A_10] : memref<10240xi32, #tpu.memory_space<hbm>> -> memref<128xi32, #tpu.memory_space<hbm>>
      %dma_start3A_117 = tpu.memref_slice %arg5[%add3A_10] : memref<10240xi32, #tpu.memory_space<hbm>> -> memref<128xi32, #tpu.memory_space<hbm>>
      tpu.enqueue_dma source(%dma_start3A_117 : memref<128xi32, #tpu.memory_space<hbm>>) target(%arg12 : memref<128xi32, #tpu.memory_space<vmem>>) target_semaphore(%run_scoped3A : memref<!tpu.dma_semaphore, #tpu.memory_space<semaphore_mem>>)
      %dma_wait3A_118 = tpu.memref_slice %arg5[%add3A_10] : memref<10240xi32, #tpu.memory_space<hbm>> -> memref<128xi32, #tpu.memory_space<hbm>>
      %dma_wait3A_119 = tpu.memref_slice %arg5[%add3A_10] : memref<10240xi32, #tpu.memory_space<hbm>> -> memref<128xi32, #tpu.memory_space<hbm>>
      tpu.wait_dma2 semaphore(%run_scoped3A : memref<!tpu.dma_semaphore, #tpu.memory_space<semaphore_mem>>) src(%dma_wait3A_119 : memref<128xi32, #tpu.memory_space<hbm>>) dst(%arg12 : memref<128xi32, #tpu.memory_space<vmem>>)
      tpu.yield
    }) : () -> ()
    "tpu.region"() ({
      %run_scoped3A = tpu.sem_alloc : memref<!tpu.dma_semaphore, #tpu.memory_space<semaphore_mem>>
      %dma_start3A_116 = arith.constant 0 : i32
      %dma_start3A_117 = arith.constant 0 : i32
      %dma_start3A_118 = tpu.memref_slice %arg10[%dma_start3A_116, %dma_start3A_117] : memref<10240x128xf32, #tpu.memory_space<vmem_shared>> -> memref<10240x128xf32, #tpu.memory_space<vmem_shared>>
      tpu.enqueue_indirect_dma source(%arg15 : memref<128x128xf32, #tpu.memory_space<vmem>>) target(%dma_start3A_118 : memref<10240x128xf32, #tpu.memory_space<vmem_shared>>) offsets(%arg12 : memref<128xi32, #tpu.memory_space<vmem>>) semaphore(%run_scoped3A : memref<!tpu.dma_semaphore, #tpu.memory_space<semaphore_mem>>)
      %dma_wait3A_119 = arith.constant 0 : i32
      %dma_wait3A_120 = arith.constant 0 : i32
      %dma_wait3A_121 = tpu.memref_slice %arg10[%dma_wait3A_119, %dma_wait3A_120] : memref<10240x128xf32, #tpu.memory_space<vmem_shared>> -> memref<10240x128xf32, #tpu.memory_space<vmem_shared>>
      tpu.wait_indirect_dma semaphore(%run_scoped3A : memref<!tpu.dma_semaphore, #tpu.memory_space<semaphore_mem>>) src(%arg15 : memref<128x128xf32, #tpu.memory_space<vmem>>) dst(%dma_wait3A_121 : memref<10240x128xf32, #tpu.memory_space<vmem_shared>>)
      tpu.yield
    }) : () -> ()
    %add3A_11 = arith.constant 512 : i32
    %add3A_12 = arith.addi %mul3A_2, %add3A_11 : i32
    "tpu.region"() ({
      %run_scoped3A = tpu.sem_alloc : memref<!tpu.dma_semaphore, #tpu.memory_space<semaphore_mem>>
      %dma_start3A_116 = tpu.memref_slice %arg5[%add3A_12] : memref<10240xi32, #tpu.memory_space<hbm>> -> memref<128xi32, #tpu.memory_space<hbm>>
      %dma_start3A_117 = tpu.memref_slice %arg5[%add3A_12] : memref<10240xi32, #tpu.memory_space<hbm>> -> memref<128xi32, #tpu.memory_space<hbm>>
      tpu.enqueue_dma source(%dma_start3A_117 : memref<128xi32, #tpu.memory_space<hbm>>) target(%arg12 : memref<128xi32, #tpu.memory_space<vmem>>) target_semaphore(%run_scoped3A : memref<!tpu.dma_semaphore, #tpu.memory_space<semaphore_mem>>)
      %dma_wait3A_118 = tpu.memref_slice %arg5[%add3A_12] : memref<10240xi32, #tpu.memory_space<hbm>> -> memref<128xi32, #tpu.memory_space<hbm>>
      %dma_wait3A_119 = tpu.memref_slice %arg5[%add3A_12] : memref<10240xi32, #tpu.memory_space<hbm>> -> memref<128xi32, #tpu.memory_space<hbm>>
      tpu.wait_dma2 semaphore(%run_scoped3A : memref<!tpu.dma_semaphore, #tpu.memory_space<semaphore_mem>>) src(%dma_wait3A_119 : memref<128xi32, #tpu.memory_space<hbm>>) dst(%arg12 : memref<128xi32, #tpu.memory_space<vmem>>)
      tpu.yield
    }) : () -> ()
    "tpu.region"() ({
      %run_scoped3A = tpu.sem_alloc : memref<!tpu.dma_semaphore, #tpu.memory_space<semaphore_mem>>
      %dma_start3A_116 = arith.constant 0 : i32
      %dma_start3A_117 = arith.constant 0 : i32
      %dma_start3A_118 = tpu.memref_slice %arg10[%dma_start3A_116, %dma_start3A_117] : memref<10240x128xf32, #tpu.memory_space<vmem_shared>> -> memref<10240x128xf32, #tpu.memory_space<vmem_shared>>
      tpu.enqueue_indirect_dma source(%arg15 : memref<128x128xf32, #tpu.memory_space<vmem>>) target(%dma_start3A_118 : memref<10240x128xf32, #tpu.memory_space<vmem_shared>>) offsets(%arg12 : memref<128xi32, #tpu.memory_space<vmem>>) semaphore(%run_scoped3A : memref<!tpu.dma_semaphore, #tpu.memory_space<semaphore_mem>>)
      %dma_wait3A_119 = arith.constant 0 : i32
      %dma_wait3A_120 = arith.constant 0 : i32
      %dma_wait3A_121 = tpu.memref_slice %arg10[%dma_wait3A_119, %dma_wait3A_120] : memref<10240x128xf32, #tpu.memory_space<vmem_shared>> -> memref<10240x128xf32, #tpu.memory_space<vmem_shared>>
      tpu.wait_indirect_dma semaphore(%run_scoped3A : memref<!tpu.dma_semaphore, #tpu.memory_space<semaphore_mem>>) src(%arg15 : memref<128x128xf32, #tpu.memory_space<vmem>>) dst(%dma_wait3A_121 : memref<10240x128xf32, #tpu.memory_space<vmem_shared>>)
      tpu.yield
    }) : () -> ()
    "tpu.region"() ({
      %run_scoped3A = tpu.sem_alloc : memref<!tpu.dma_semaphore, #tpu.memory_space<semaphore_mem>>
      tpu.enqueue_dma source(%arg7 : memref<10240xf32, #tpu.memory_space<hbm>>) target(%arg22 : memref<10240xf32, #tpu.memory_space<vmem>>) target_semaphore(%run_scoped3A : memref<!tpu.dma_semaphore, #tpu.memory_space<semaphore_mem>>)
      tpu.wait_dma2 semaphore(%run_scoped3A : memref<!tpu.dma_semaphore, #tpu.memory_space<semaphore_mem>>) src(%arg7 : memref<10240xf32, #tpu.memory_space<hbm>>) dst(%arg22 : memref<10240xf32, #tpu.memory_space<vmem>>)
      tpu.yield
    }) : () -> ()
    "tpu.region"() ({
      %run_scoped3A = tpu.sem_alloc : memref<!tpu.dma_semaphore, #tpu.memory_space<semaphore_mem>>
      %dma_start3A_116 = arith.constant 0 : i32
      %dma_start3A_117 = tpu.memref_slice %arg5[%dma_start3A_116] : memref<10240xi32, #tpu.memory_space<hbm>> -> memref<128xi32, #tpu.memory_space<hbm>>
      %dma_start3A_118 = arith.constant 0 : i32
      %dma_start3A_119 = tpu.memref_slice %arg5[%dma_start3A_118] : memref<10240xi32, #tpu.memory_space<hbm>> -> memref<128xi32, #tpu.memory_space<hbm>>
      tpu.enqueue_dma source(%dma_start3A_119 : memref<128xi32, #tpu.memory_space<hbm>>) target(%arg12 : memref<128xi32, #tpu.memory_space<vmem>>) target_semaphore(%run_scoped3A : memref<!tpu.dma_semaphore, #tpu.memory_space<semaphore_mem>>)
      %dma_wait3A_120 = arith.constant 0 : i32
      %dma_wait3A_121 = tpu.memref_slice %arg5[%dma_wait3A_120] : memref<10240xi32, #tpu.memory_space<hbm>> -> memref<128xi32, #tpu.memory_space<hbm>>
      %dma_wait3A_122 = arith.constant 0 : i32
      %dma_wait3A_123 = tpu.memref_slice %arg5[%dma_wait3A_122] : memref<10240xi32, #tpu.memory_space<hbm>> -> memref<128xi32, #tpu.memory_space<hbm>>
      tpu.wait_dma2 semaphore(%run_scoped3A : memref<!tpu.dma_semaphore, #tpu.memory_space<semaphore_mem>>) src(%dma_wait3A_123 : memref<128xi32, #tpu.memory_space<hbm>>) dst(%arg12 : memref<128xi32, #tpu.memory_space<vmem>>)
      tpu.yield
    }) : () -> ()
    %eq3A = arith.constant 0 : i32
    %eq3A_13 = arith.cmpi eq, %arg1, %eq3A : i32
    %convert_element_type3A = arith.extui %eq3A_13 : i1 to i32
    %cond3A = arith.constant 0 : i32
    %cond3A_14 = arith.cmpi ne, %convert_element_type3A, %cond3A : i32
    scf.if %cond3A_14 {
      "tpu.region"() ({
        %run_scoped3A = tpu.sem_alloc : memref<!tpu.dma_semaphore, #tpu.memory_space<semaphore_mem>>
        %dma_start3A_116 = arith.constant 0 : i32
        %dma_start3A_117 = arith.constant 0 : i32
        %dma_start3A_118 = tpu.memref_slice %arg21[%dma_start3A_116, %dma_start3A_117] : memref<128x128xf32, #tpu.memory_space<vmem_shared>> -> memref<128x128xf32, #tpu.memory_space<vmem_shared>>
        tpu.enqueue_indirect_dma source(%arg15 : memref<128x128xf32, #tpu.memory_space<vmem>>) target(%dma_start3A_118 : memref<128x128xf32, #tpu.memory_space<vmem_shared>>) offsets(%arg12 : memref<128xi32, #tpu.memory_space<vmem>>) semaphore(%run_scoped3A : memref<!tpu.dma_semaphore, #tpu.memory_space<semaphore_mem>>)
        %dma_wait3A_119 = arith.constant 0 : i32
        %dma_wait3A_120 = arith.constant 0 : i32
        %dma_wait3A_121 = tpu.memref_slice %arg21[%dma_wait3A_119, %dma_wait3A_120] : memref<128x128xf32, #tpu.memory_space<vmem_shared>> -> memref<128x128xf32, #tpu.memory_space<vmem_shared>>
        tpu.wait_indirect_dma semaphore(%run_scoped3A : memref<!tpu.dma_semaphore, #tpu.memory_space<semaphore_mem>>) src(%arg15 : memref<128x128xf32, #tpu.memory_space<vmem>>) dst(%dma_wait3A_121 : memref<128x128xf32, #tpu.memory_space<vmem_shared>>)
        tpu.yield
      }) : () -> ()
    } else {
    }
    %barrier3A = arith.constant 0 : index
    tpu.barrier barrier_id(%barrier3A)
    %mul3A_15 = arith.constant 10240 : i32
    %mul3A_16 = arith.muli %add3A, %mul3A_15 : i32
    %broadcast_in_dim3A = arith.constant 1.000000e+00 : f32
    %broadcast_in_dim3A_17 = vector.broadcast %broadcast_in_dim3A : f32 to vector<16xf32>
    %add3A_18 = arith.constant 0 : i32
    %add3A_19 = arith.addi %mul3A_16, %add3A_18 : i32
    %multiple_of3A = tpu.assume_multiple %add3A_19, 128 : i32
    "tpu.region"() ({
      %run_scoped3A = tpu.sem_alloc : memref<!tpu.dma_semaphore, #tpu.memory_space<semaphore_mem>>
      %dma_start3A_116 = tpu.memref_slice %arg3[%multiple_of3A] : memref<327680xi32, #tpu.memory_space<hbm>> -> memref<128xi32, #tpu.memory_space<hbm>>
      %dma_start3A_117 = tpu.memref_slice %arg3[%multiple_of3A] : memref<327680xi32, #tpu.memory_space<hbm>> -> memref<128xi32, #tpu.memory_space<hbm>>
      tpu.enqueue_dma source(%dma_start3A_117 : memref<128xi32, #tpu.memory_space<hbm>>) target(%arg11 : memref<128xi32, #tpu.memory_space<vmem>>) target_semaphore(%run_scoped3A : memref<!tpu.dma_semaphore, #tpu.memory_space<semaphore_mem>>)
      %dma_wait3A_118 = tpu.memref_slice %arg3[%multiple_of3A] : memref<327680xi32, #tpu.memory_space<hbm>> -> memref<128xi32, #tpu.memory_space<hbm>>
      %dma_wait3A_119 = tpu.memref_slice %arg3[%multiple_of3A] : memref<327680xi32, #tpu.memory_space<hbm>> -> memref<128xi32, #tpu.memory_space<hbm>>
      tpu.wait_dma2 semaphore(%run_scoped3A : memref<!tpu.dma_semaphore, #tpu.memory_space<semaphore_mem>>) src(%dma_wait3A_119 : memref<128xi32, #tpu.memory_space<hbm>>) dst(%arg11 : memref<128xi32, #tpu.memory_space<vmem>>)
      tpu.yield
    }) : () -> ()
    "tpu.region"() ({
      %run_scoped3A = tpu.sem_alloc : memref<!tpu.dma_semaphore, #tpu.memory_space<semaphore_mem>>
      %dma_start3A_116 = tpu.memref_slice %arg4[%multiple_of3A] : memref<327680xi32, #tpu.memory_space<hbm>> -> memref<128xi32, #tpu.memory_space<hbm>>
      %dma_start3A_117 = tpu.memref_slice %arg4[%multiple_of3A] : memref<327680xi32, #tpu.memory_space<hbm>> -> memref<128xi32, #tpu.memory_space<hbm>>
      tpu.enqueue_dma source(%dma_start3A_117 : memref<128xi32, #tpu.memory_space<hbm>>) target(%arg12 : memref<128xi32, #tpu.memory_space<vmem>>) target_semaphore(%run_scoped3A : memref<!tpu.dma_semaphore, #tpu.memory_space<semaphore_mem>>)
      %dma_wait3A_118 = tpu.memref_slice %arg4[%multiple_of3A] : memref<327680xi32, #tpu.memory_space<hbm>> -> memref<128xi32, #tpu.memory_space<hbm>>
      %dma_wait3A_119 = tpu.memref_slice %arg4[%multiple_of3A] : memref<327680xi32, #tpu.memory_space<hbm>> -> memref<128xi32, #tpu.memory_space<hbm>>
      tpu.wait_dma2 semaphore(%run_scoped3A : memref<!tpu.dma_semaphore, #tpu.memory_space<semaphore_mem>>) src(%dma_wait3A_119 : memref<128xi32, #tpu.memory_space<hbm>>) dst(%arg12 : memref<128xi32, #tpu.memory_space<vmem>>)
      tpu.yield
    }) : () -> ()
    %dma_start3A = arith.constant 0 : i32
    %dma_start3A_20 = arith.constant 0 : i32
    %dma_start3A_21 = tpu.memref_slice %arg2[%dma_start3A, %dma_start3A_20] : memref<10240x128xf32, #tpu.memory_space<hbm>> -> memref<10240x128xf32, #tpu.memory_space<hbm>>
    tpu.enqueue_indirect_dma source(%dma_start3A_21 : memref<10240x128xf32, #tpu.memory_space<hbm>>) target(%arg15 : memref<128x128xf32, #tpu.memory_space<vmem>>) offsets(%arg11 : memref<128xi32, #tpu.memory_space<vmem>>) semaphore(%arg17 : memref<!tpu.dma_semaphore, #tpu.memory_space<semaphore_mem>>)
    %get3A = arith.constant 0 : index
    %get3A_22 = tpu.vector_load %arg12[%get3A] {strides = array<i32>} : memref<128xi32, #tpu.memory_space<vmem>>, vector<16xi32>,
    tpu.vector_store_idx %arg22[%get3A_22], %broadcast_in_dim3A_17 {add = true} : memref<10240xf32, #tpu.memory_space<vmem>>[vector<16xi32>], vector<16xf32>,
    %get3A_23 = arith.constant 16 : index
    %get3A_24 = tpu.vector_load %arg12[%get3A_23] {strides = array<i32>} : memref<128xi32, #tpu.memory_space<vmem>>, vector<16xi32>,
    tpu.vector_store_idx %arg22[%get3A_24], %broadcast_in_dim3A_17 {add = true} : memref<10240xf32, #tpu.memory_space<vmem>>[vector<16xi32>], vector<16xf32>,
    %get3A_25 = arith.constant 32 : index
    %get3A_26 = tpu.vector_load %arg12[%get3A_25] {strides = array<i32>} : memref<128xi32, #tpu.memory_space<vmem>>, vector<16xi32>,
    tpu.vector_store_idx %arg22[%get3A_26], %broadcast_in_dim3A_17 {add = true} : memref<10240xf32, #tpu.memory_space<vmem>>[vector<16xi32>], vector<16xf32>,
    %get3A_27 = arith.constant 48 : index
    %get3A_28 = tpu.vector_load %arg12[%get3A_27] {strides = array<i32>} : memref<128xi32, #tpu.memory_space<vmem>>, vector<16xi32>,
    tpu.vector_store_idx %arg22[%get3A_28], %broadcast_in_dim3A_17 {add = true} : memref<10240xf32, #tpu.memory_space<vmem>>[vector<16xi32>], vector<16xf32>,
    %get3A_29 = arith.constant 64 : index
    %get3A_30 = tpu.vector_load %arg12[%get3A_29] {strides = array<i32>} : memref<128xi32, #tpu.memory_space<vmem>>, vector<16xi32>,
    tpu.vector_store_idx %arg22[%get3A_30], %broadcast_in_dim3A_17 {add = true} : memref<10240xf32, #tpu.memory_space<vmem>>[vector<16xi32>], vector<16xf32>,
    %get3A_31 = arith.constant 80 : index
    %get3A_32 = tpu.vector_load %arg12[%get3A_31] {strides = array<i32>} : memref<128xi32, #tpu.memory_space<vmem>>, vector<16xi32>,
    tpu.vector_store_idx %arg22[%get3A_32], %broadcast_in_dim3A_17 {add = true} : memref<10240xf32, #tpu.memory_space<vmem>>[vector<16xi32>], vector<16xf32>,
    %get3A_33 = arith.constant 96 : index
    %get3A_34 = tpu.vector_load %arg12[%get3A_33] {strides = array<i32>} : memref<128xi32, #tpu.memory_space<vmem>>, vector<16xi32>,
    tpu.vector_store_idx %arg22[%get3A_34], %broadcast_in_dim3A_17 {add = true} : memref<10240xf32, #tpu.memory_space<vmem>>[vector<16xi32>], vector<16xf32>,
    %get3A_35 = arith.constant 112 : index
    %get3A_36 = tpu.vector_load %arg12[%get3A_35] {strides = array<i32>} : memref<128xi32, #tpu.memory_space<vmem>>, vector<16xi32>,
    tpu.vector_store_idx %arg22[%get3A_36], %broadcast_in_dim3A_17 {add = true} : memref<10240xf32, #tpu.memory_space<vmem>>[vector<16xi32>], vector<16xf32>,
    %add3A_37 = arith.constant 128 : i32
    %add3A_38 = arith.addi %mul3A_16, %add3A_37 : i32
    %multiple_of3A_39 = tpu.assume_multiple %add3A_38, 128 : i32
    "tpu.region"() ({
      %run_scoped3A = tpu.sem_alloc : memref<!tpu.dma_semaphore, #tpu.memory_space<semaphore_mem>>
      %dma_start3A_116 = tpu.memref_slice %arg3[%multiple_of3A_39] : memref<327680xi32, #tpu.memory_space<hbm>> -> memref<128xi32, #tpu.memory_space<hbm>>
      %dma_start3A_117 = tpu.memref_slice %arg3[%multiple_of3A_39] : memref<327680xi32, #tpu.memory_space<hbm>> -> memref<128xi32, #tpu.memory_space<hbm>>
      tpu.enqueue_dma source(%dma_start3A_117 : memref<128xi32, #tpu.memory_space<hbm>>) target(%arg13 : memref<128xi32, #tpu.memory_space<vmem>>) target_semaphore(%run_scoped3A : memref<!tpu.dma_semaphore, #tpu.memory_space<semaphore_mem>>)
      %dma_wait3A_118 = tpu.memref_slice %arg3[%multiple_of3A_39] : memref<327680xi32, #tpu.memory_space<hbm>> -> memref<128xi32, #tpu.memory_space<hbm>>
      %dma_wait3A_119 = tpu.memref_slice %arg3[%multiple_of3A_39] : memref<327680xi32, #tpu.memory_space<hbm>> -> memref<128xi32, #tpu.memory_space<hbm>>
      tpu.wait_dma2 semaphore(%run_scoped3A : memref<!tpu.dma_semaphore, #tpu.memory_space<semaphore_mem>>) src(%dma_wait3A_119 : memref<128xi32, #tpu.memory_space<hbm>>) dst(%arg13 : memref<128xi32, #tpu.memory_space<vmem>>)
      tpu.yield
    }) : () -> ()
    "tpu.region"() ({
      %run_scoped3A = tpu.sem_alloc : memref<!tpu.dma_semaphore, #tpu.memory_space<semaphore_mem>>
      %dma_start3A_116 = tpu.memref_slice %arg4[%multiple_of3A_39] : memref<327680xi32, #tpu.memory_space<hbm>> -> memref<128xi32, #tpu.memory_space<hbm>>
      %dma_start3A_117 = tpu.memref_slice %arg4[%multiple_of3A_39] : memref<327680xi32, #tpu.memory_space<hbm>> -> memref<128xi32, #tpu.memory_space<hbm>>
      tpu.enqueue_dma source(%dma_start3A_117 : memref<128xi32, #tpu.memory_space<hbm>>) target(%arg14 : memref<128xi32, #tpu.memory_space<vmem>>) target_semaphore(%run_scoped3A : memref<!tpu.dma_semaphore, #tpu.memory_space<semaphore_mem>>)
      %dma_wait3A_118 = tpu.memref_slice %arg4[%multiple_of3A_39] : memref<327680xi32, #tpu.memory_space<hbm>> -> memref<128xi32, #tpu.memory_space<hbm>>
      %dma_wait3A_119 = tpu.memref_slice %arg4[%multiple_of3A_39] : memref<327680xi32, #tpu.memory_space<hbm>> -> memref<128xi32, #tpu.memory_space<hbm>>
      tpu.wait_dma2 semaphore(%run_scoped3A : memref<!tpu.dma_semaphore, #tpu.memory_space<semaphore_mem>>) src(%dma_wait3A_119 : memref<128xi32, #tpu.memory_space<hbm>>) dst(%arg14 : memref<128xi32, #tpu.memory_space<vmem>>)
      tpu.yield
    }) : () -> ()
    %dma_start3A_40 = arith.constant 0 : i32
    %dma_start3A_41 = arith.constant 0 : i32
    %dma_start3A_42 = tpu.memref_slice %arg2[%dma_start3A_40, %dma_start3A_41] : memref<10240x128xf32, #tpu.memory_space<hbm>> -> memref<10240x128xf32, #tpu.memory_space<hbm>>
    tpu.enqueue_indirect_dma source(%dma_start3A_42 : memref<10240x128xf32, #tpu.memory_space<hbm>>) target(%arg16 : memref<128x128xf32, #tpu.memory_space<vmem>>) offsets(%arg13 : memref<128xi32, #tpu.memory_space<vmem>>) semaphore(%arg18 : memref<!tpu.dma_semaphore, #tpu.memory_space<semaphore_mem>>)
    %get3A_43 = arith.constant 0 : index
    %get3A_44 = tpu.vector_load %arg14[%get3A_43] {strides = array<i32>} : memref<128xi32, #tpu.memory_space<vmem>>, vector<16xi32>,
    tpu.vector_store_idx %arg22[%get3A_44], %broadcast_in_dim3A_17 {add = true} : memref<10240xf32, #tpu.memory_space<vmem>>[vector<16xi32>], vector<16xf32>,
    %get3A_45 = arith.constant 16 : index
    %get3A_46 = tpu.vector_load %arg14[%get3A_45] {strides = array<i32>} : memref<128xi32, #tpu.memory_space<vmem>>, vector<16xi32>,
    tpu.vector_store_idx %arg22[%get3A_46], %broadcast_in_dim3A_17 {add = true} : memref<10240xf32, #tpu.memory_space<vmem>>[vector<16xi32>], vector<16xf32>,
    %get3A_47 = arith.constant 32 : index
    %get3A_48 = tpu.vector_load %arg14[%get3A_47] {strides = array<i32>} : memref<128xi32, #tpu.memory_space<vmem>>, vector<16xi32>,
    tpu.vector_store_idx %arg22[%get3A_48], %broadcast_in_dim3A_17 {add = true} : memref<10240xf32, #tpu.memory_space<vmem>>[vector<16xi32>], vector<16xf32>,
    %get3A_49 = arith.constant 48 : index
    %get3A_50 = tpu.vector_load %arg14[%get3A_49] {strides = array<i32>} : memref<128xi32, #tpu.memory_space<vmem>>, vector<16xi32>,
    tpu.vector_store_idx %arg22[%get3A_50], %broadcast_in_dim3A_17 {add = true} : memref<10240xf32, #tpu.memory_space<vmem>>[vector<16xi32>], vector<16xf32>,
    %get3A_51 = arith.constant 64 : index
    %get3A_52 = tpu.vector_load %arg14[%get3A_51] {strides = array<i32>} : memref<128xi32, #tpu.memory_space<vmem>>, vector<16xi32>,
    tpu.vector_store_idx %arg22[%get3A_52], %broadcast_in_dim3A_17 {add = true} : memref<10240xf32, #tpu.memory_space<vmem>>[vector<16xi32>], vector<16xf32>,
    %get3A_53 = arith.constant 80 : index
    %get3A_54 = tpu.vector_load %arg14[%get3A_53] {strides = array<i32>} : memref<128xi32, #tpu.memory_space<vmem>>, vector<16xi32>,
    tpu.vector_store_idx %arg22[%get3A_54], %broadcast_in_dim3A_17 {add = true} : memref<10240xf32, #tpu.memory_space<vmem>>[vector<16xi32>], vector<16xf32>,
    %get3A_55 = arith.constant 96 : index
    %get3A_56 = tpu.vector_load %arg14[%get3A_55] {strides = array<i32>} : memref<128xi32, #tpu.memory_space<vmem>>, vector<16xi32>,
    tpu.vector_store_idx %arg22[%get3A_56], %broadcast_in_dim3A_17 {add = true} : memref<10240xf32, #tpu.memory_space<vmem>>[vector<16xi32>], vector<16xf32>,
    %get3A_57 = arith.constant 112 : index
    %get3A_58 = tpu.vector_load %arg14[%get3A_57] {strides = array<i32>} : memref<128xi32, #tpu.memory_space<vmem>>, vector<16xi32>,
    tpu.vector_store_idx %arg22[%get3A_58], %broadcast_in_dim3A_17 {add = true} : memref<10240xf32, #tpu.memory_space<vmem>>[vector<16xi32>], vector<16xf32>,
    %scan3A = arith.constant 0 : i32
    %scan3A_59 = arith.constant 0 : i32
    %scan3A_60 = arith.constant 39 : i32
    %scan3A_61 = arith.addi %scan3A_59, %scan3A_60 : i32
    %scan3A_62 = arith.constant 1 : i32
    scf.for %scan3A_116 = %scan3A_59 to %scan3A_61 step %scan3A_62  : i32 {
      %mul3A_117 = arith.constant 2 : i32
      %mul3A_118 = arith.muli %mul3A_117, %scan3A_116 : i32
      %dma_wait3A_119 = arith.constant 0 : i32
      %dma_wait3A_120 = arith.constant 0 : i32
      %dma_wait3A_121 = tpu.memref_slice %arg2[%dma_wait3A_119, %dma_wait3A_120] : memref<10240x128xf32, #tpu.memory_space<hbm>> -> memref<10240x128xf32, #tpu.memory_space<hbm>>
      tpu.wait_indirect_dma semaphore(%arg17 : memref<!tpu.dma_semaphore, #tpu.memory_space<semaphore_mem>>) src(%dma_wait3A_121 : memref<10240x128xf32, #tpu.memory_space<hbm>>) dst(%arg15 : memref<128x128xf32, #tpu.memory_space<vmem>>)
      %dma_start3A_122 = arith.constant 0 : i32
      %dma_start3A_123 = arith.constant 0 : i32
      %dma_start3A_124 = tpu.memref_slice %arg10[%dma_start3A_122, %dma_start3A_123] : memref<10240x128xf32, #tpu.memory_space<vmem_shared>> -> memref<10240x128xf32, #tpu.memory_space<vmem_shared>>
      tpu.enqueue_indirect_dma source(%arg15 : memref<128x128xf32, #tpu.memory_space<vmem>>) target(%dma_start3A_124 : memref<10240x128xf32, #tpu.memory_space<vmem_shared>>) offsets(%arg12 : memref<128xi32, #tpu.memory_space<vmem>>) semaphore(%arg19 : memref<!tpu.dma_semaphore, #tpu.memory_space<semaphore_mem>>) {add = true}
      %dma_wait3A_125 = arith.constant 0 : i32
      %dma_wait3A_126 = arith.constant 0 : i32
      %dma_wait3A_127 = tpu.memref_slice %arg2[%dma_wait3A_125, %dma_wait3A_126] : memref<10240x128xf32, #tpu.memory_space<hbm>> -> memref<10240x128xf32, #tpu.memory_space<hbm>>
      tpu.wait_indirect_dma semaphore(%arg18 : memref<!tpu.dma_semaphore, #tpu.memory_space<semaphore_mem>>) src(%dma_wait3A_127 : memref<10240x128xf32, #tpu.memory_space<hbm>>) dst(%arg16 : memref<128x128xf32, #tpu.memory_space<vmem>>)
      %dma_start3A_128 = arith.constant 0 : i32
      %dma_start3A_129 = arith.constant 0 : i32
      %dma_start3A_130 = tpu.memref_slice %arg10[%dma_start3A_128, %dma_start3A_129] : memref<10240x128xf32, #tpu.memory_space<vmem_shared>> -> memref<10240x128xf32, #tpu.memory_space<vmem_shared>>
      tpu.enqueue_indirect_dma source(%arg16 : memref<128x128xf32, #tpu.memory_space<vmem>>) target(%dma_start3A_130 : memref<10240x128xf32, #tpu.memory_space<vmem_shared>>) offsets(%arg14 : memref<128xi32, #tpu.memory_space<vmem>>) semaphore(%arg20 : memref<!tpu.dma_semaphore, #tpu.memory_space<semaphore_mem>>) {add = true}
      %dma_wait3A_131 = arith.constant 0 : i32
      %dma_wait3A_132 = arith.constant 0 : i32
      %dma_wait3A_133 = tpu.memref_slice %arg10[%dma_wait3A_131, %dma_wait3A_132] : memref<10240x128xf32, #tpu.memory_space<vmem_shared>> -> memref<10240x128xf32, #tpu.memory_space<vmem_shared>>
      tpu.wait_indirect_dma semaphore(%arg19 : memref<!tpu.dma_semaphore, #tpu.memory_space<semaphore_mem>>) src(%arg15 : memref<128x128xf32, #tpu.memory_space<vmem>>) dst(%dma_wait3A_133 : memref<10240x128xf32, #tpu.memory_space<vmem_shared>>)
      %add3A_134 = arith.constant 2 : i32
      %add3A_135 = arith.addi %mul3A_118, %add3A_134 : i32
      %mul3A_136 = arith.constant 128 : i32
      %mul3A_137 = arith.muli %add3A_135, %mul3A_136 : i32
      %add3A_138 = arith.addi %mul3A_16, %mul3A_137 : i32
      %multiple_of3A_139 = tpu.assume_multiple %add3A_138, 128 : i32
      "tpu.region"() ({
        %run_scoped3A = tpu.sem_alloc : memref<!tpu.dma_semaphore, #tpu.memory_space<semaphore_mem>>
        %dma_start3A_187 = tpu.memref_slice %arg3[%multiple_of3A_139] : memref<327680xi32, #tpu.memory_space<hbm>> -> memref<128xi32, #tpu.memory_space<hbm>>
        %dma_start3A_188 = tpu.memref_slice %arg3[%multiple_of3A_139] : memref<327680xi32, #tpu.memory_space<hbm>> -> memref<128xi32, #tpu.memory_space<hbm>>
        tpu.enqueue_dma source(%dma_start3A_188 : memref<128xi32, #tpu.memory_space<hbm>>) target(%arg11 : memref<128xi32, #tpu.memory_space<vmem>>) target_semaphore(%run_scoped3A : memref<!tpu.dma_semaphore, #tpu.memory_space<semaphore_mem>>)
        %dma_wait3A_189 = tpu.memref_slice %arg3[%multiple_of3A_139] : memref<327680xi32, #tpu.memory_space<hbm>> -> memref<128xi32, #tpu.memory_space<hbm>>
        %dma_wait3A_190 = tpu.memref_slice %arg3[%multiple_of3A_139] : memref<327680xi32, #tpu.memory_space<hbm>> -> memref<128xi32, #tpu.memory_space<hbm>>
        tpu.wait_dma2 semaphore(%run_scoped3A : memref<!tpu.dma_semaphore, #tpu.memory_space<semaphore_mem>>) src(%dma_wait3A_190 : memref<128xi32, #tpu.memory_space<hbm>>) dst(%arg11 : memref<128xi32, #tpu.memory_space<vmem>>)
        tpu.yield
      }) : () -> ()
      "tpu.region"() ({
        %run_scoped3A = tpu.sem_alloc : memref<!tpu.dma_semaphore, #tpu.memory_space<semaphore_mem>>
        %dma_start3A_187 = tpu.memref_slice %arg4[%multiple_of3A_139] : memref<327680xi32, #tpu.memory_space<hbm>> -> memref<128xi32, #tpu.memory_space<hbm>>
        %dma_start3A_188 = tpu.memref_slice %arg4[%multiple_of3A_139] : memref<327680xi32, #tpu.memory_space<hbm>> -> memref<128xi32, #tpu.memory_space<hbm>>
        tpu.enqueue_dma source(%dma_start3A_188 : memref<128xi32, #tpu.memory_space<hbm>>) target(%arg12 : memref<128xi32, #tpu.memory_space<vmem>>) target_semaphore(%run_scoped3A : memref<!tpu.dma_semaphore, #tpu.memory_space<semaphore_mem>>)
        %dma_wait3A_189 = tpu.memref_slice %arg4[%multiple_of3A_139] : memref<327680xi32, #tpu.memory_space<hbm>> -> memref<128xi32, #tpu.memory_space<hbm>>
        %dma_wait3A_190 = tpu.memref_slice %arg4[%multiple_of3A_139] : memref<327680xi32, #tpu.memory_space<hbm>> -> memref<128xi32, #tpu.memory_space<hbm>>
        tpu.wait_dma2 semaphore(%run_scoped3A : memref<!tpu.dma_semaphore, #tpu.memory_space<semaphore_mem>>) src(%dma_wait3A_190 : memref<128xi32, #tpu.memory_space<hbm>>) dst(%arg12 : memref<128xi32, #tpu.memory_space<vmem>>)
        tpu.yield
      }) : () -> ()
      %dma_start3A_140 = arith.constant 0 : i32
      %dma_start3A_141 = arith.constant 0 : i32
      %dma_start3A_142 = tpu.memref_slice %arg2[%dma_start3A_140, %dma_start3A_141] : memref<10240x128xf32, #tpu.memory_space<hbm>> -> memref<10240x128xf32, #tpu.memory_space<hbm>>
      tpu.enqueue_indirect_dma source(%dma_start3A_142 : memref<10240x128xf32, #tpu.memory_space<hbm>>) target(%arg15 : memref<128x128xf32, #tpu.memory_space<vmem>>) offsets(%arg11 : memref<128xi32, #tpu.memory_space<vmem>>) semaphore(%arg17 : memref<!tpu.dma_semaphore, #tpu.memory_space<semaphore_mem>>)
      %get3A_143 = arith.constant 0 : index
      %get3A_144 = tpu.vector_load %arg12[%get3A_143] {strides = array<i32>} : memref<128xi32, #tpu.memory_space<vmem>>, vector<16xi32>,
      tpu.vector_store_idx %arg22[%get3A_144], %broadcast_in_dim3A_17 {add = true} : memref<10240xf32, #tpu.memory_space<vmem>>[vector<16xi32>], vector<16xf32>,
      %get3A_145 = arith.constant 16 : index
      %get3A_146 = tpu.vector_load %arg12[%get3A_145] {strides = array<i32>} : memref<128xi32, #tpu.memory_space<vmem>>, vector<16xi32>,
      tpu.vector_store_idx %arg22[%get3A_146], %broadcast_in_dim3A_17 {add = true} : memref<10240xf32, #tpu.memory_space<vmem>>[vector<16xi32>], vector<16xf32>,
      %get3A_147 = arith.constant 32 : index
      %get3A_148 = tpu.vector_load %arg12[%get3A_147] {strides = array<i32>} : memref<128xi32, #tpu.memory_space<vmem>>, vector<16xi32>,
      tpu.vector_store_idx %arg22[%get3A_148], %broadcast_in_dim3A_17 {add = true} : memref<10240xf32, #tpu.memory_space<vmem>>[vector<16xi32>], vector<16xf32>,
      %get3A_149 = arith.constant 48 : index
      %get3A_150 = tpu.vector_load %arg12[%get3A_149] {strides = array<i32>} : memref<128xi32, #tpu.memory_space<vmem>>, vector<16xi32>,
      tpu.vector_store_idx %arg22[%get3A_150], %broadcast_in_dim3A_17 {add = true} : memref<10240xf32, #tpu.memory_space<vmem>>[vector<16xi32>], vector<16xf32>,
      %get3A_151 = arith.constant 64 : index
      %get3A_152 = tpu.vector_load %arg12[%get3A_151] {strides = array<i32>} : memref<128xi32, #tpu.memory_space<vmem>>, vector<16xi32>,
      tpu.vector_store_idx %arg22[%get3A_152], %broadcast_in_dim3A_17 {add = true} : memref<10240xf32, #tpu.memory_space<vmem>>[vector<16xi32>], vector<16xf32>,
      %get3A_153 = arith.constant 80 : index
      %get3A_154 = tpu.vector_load %arg12[%get3A_153] {strides = array<i32>} : memref<128xi32, #tpu.memory_space<vmem>>, vector<16xi32>,
      tpu.vector_store_idx %arg22[%get3A_154], %broadcast_in_dim3A_17 {add = true} : memref<10240xf32, #tpu.memory_space<vmem>>[vector<16xi32>], vector<16xf32>,
      %get3A_155 = arith.constant 96 : index
      %get3A_156 = tpu.vector_load %arg12[%get3A_155] {strides = array<i32>} : memref<128xi32, #tpu.memory_space<vmem>>, vector<16xi32>,
      tpu.vector_store_idx %arg22[%get3A_156], %broadcast_in_dim3A_17 {add = true} : memref<10240xf32, #tpu.memory_space<vmem>>[vector<16xi32>], vector<16xf32>,
      %get3A_157 = arith.constant 112 : index
      %get3A_158 = tpu.vector_load %arg12[%get3A_157] {strides = array<i32>} : memref<128xi32, #tpu.memory_space<vmem>>, vector<16xi32>,
      tpu.vector_store_idx %arg22[%get3A_158], %broadcast_in_dim3A_17 {add = true} : memref<10240xf32, #tpu.memory_space<vmem>>[vector<16xi32>], vector<16xf32>,
      %dma_wait3A_159 = arith.constant 0 : i32
      %dma_wait3A_160 = arith.constant 0 : i32
      %dma_wait3A_161 = tpu.memref_slice %arg10[%dma_wait3A_159, %dma_wait3A_160] : memref<10240x128xf32, #tpu.memory_space<vmem_shared>> -> memref<10240x128xf32, #tpu.memory_space<vmem_shared>>
      tpu.wait_indirect_dma semaphore(%arg20 : memref<!tpu.dma_semaphore, #tpu.memory_space<semaphore_mem>>) src(%arg16 : memref<128x128xf32, #tpu.memory_space<vmem>>) dst(%dma_wait3A_161 : memref<10240x128xf32, #tpu.memory_space<vmem_shared>>)
      %add3A_162 = arith.constant 3 : i32
      %add3A_163 = arith.addi %mul3A_118, %add3A_162 : i32
      %mul3A_164 = arith.constant 128 : i32
      %mul3A_165 = arith.muli %add3A_163, %mul3A_164 : i32
      %add3A_166 = arith.addi %mul3A_16, %mul3A_165 : i32
      %multiple_of3A_167 = tpu.assume_multiple %add3A_166, 128 : i32
      "tpu.region"() ({
        %run_scoped3A = tpu.sem_alloc : memref<!tpu.dma_semaphore, #tpu.memory_space<semaphore_mem>>
        %dma_start3A_187 = tpu.memref_slice %arg3[%multiple_of3A_167] : memref<327680xi32, #tpu.memory_space<hbm>> -> memref<128xi32, #tpu.memory_space<hbm>>
        %dma_start3A_188 = tpu.memref_slice %arg3[%multiple_of3A_167] : memref<327680xi32, #tpu.memory_space<hbm>> -> memref<128xi32, #tpu.memory_space<hbm>>
        tpu.enqueue_dma source(%dma_start3A_188 : memref<128xi32, #tpu.memory_space<hbm>>) target(%arg13 : memref<128xi32, #tpu.memory_space<vmem>>) target_semaphore(%run_scoped3A : memref<!tpu.dma_semaphore, #tpu.memory_space<semaphore_mem>>)
        %dma_wait3A_189 = tpu.memref_slice %arg3[%multiple_of3A_167] : memref<327680xi32, #tpu.memory_space<hbm>> -> memref<128xi32, #tpu.memory_space<hbm>>
        %dma_wait3A_190 = tpu.memref_slice %arg3[%multiple_of3A_167] : memref<327680xi32, #tpu.memory_space<hbm>> -> memref<128xi32, #tpu.memory_space<hbm>>
        tpu.wait_dma2 semaphore(%run_scoped3A : memref<!tpu.dma_semaphore, #tpu.memory_space<semaphore_mem>>) src(%dma_wait3A_190 : memref<128xi32, #tpu.memory_space<hbm>>) dst(%arg13 : memref<128xi32, #tpu.memory_space<vmem>>)
        tpu.yield
      }) : () -> ()
      "tpu.region"() ({
        %run_scoped3A = tpu.sem_alloc : memref<!tpu.dma_semaphore, #tpu.memory_space<semaphore_mem>>
        %dma_start3A_187 = tpu.memref_slice %arg4[%multiple_of3A_167] : memref<327680xi32, #tpu.memory_space<hbm>> -> memref<128xi32, #tpu.memory_space<hbm>>
        %dma_start3A_188 = tpu.memref_slice %arg4[%multiple_of3A_167] : memref<327680xi32, #tpu.memory_space<hbm>> -> memref<128xi32, #tpu.memory_space<hbm>>
        tpu.enqueue_dma source(%dma_start3A_188 : memref<128xi32, #tpu.memory_space<hbm>>) target(%arg14 : memref<128xi32, #tpu.memory_space<vmem>>) target_semaphore(%run_scoped3A : memref<!tpu.dma_semaphore, #tpu.memory_space<semaphore_mem>>)
        %dma_wait3A_189 = tpu.memref_slice %arg4[%multiple_of3A_167] : memref<327680xi32, #tpu.memory_space<hbm>> -> memref<128xi32, #tpu.memory_space<hbm>>
        %dma_wait3A_190 = tpu.memref_slice %arg4[%multiple_of3A_167] : memref<327680xi32, #tpu.memory_space<hbm>> -> memref<128xi32, #tpu.memory_space<hbm>>
        tpu.wait_dma2 semaphore(%run_scoped3A : memref<!tpu.dma_semaphore, #tpu.memory_space<semaphore_mem>>) src(%dma_wait3A_190 : memref<128xi32, #tpu.memory_space<hbm>>) dst(%arg14 : memref<128xi32, #tpu.memory_space<vmem>>)
        tpu.yield
      }) : () -> ()
      %dma_start3A_168 = arith.constant 0 : i32
      %dma_start3A_169 = arith.constant 0 : i32
      %dma_start3A_170 = tpu.memref_slice %arg2[%dma_start3A_168, %dma_start3A_169] : memref<10240x128xf32, #tpu.memory_space<hbm>> -> memref<10240x128xf32, #tpu.memory_space<hbm>>
      tpu.enqueue_indirect_dma source(%dma_start3A_170 : memref<10240x128xf32, #tpu.memory_space<hbm>>) target(%arg16 : memref<128x128xf32, #tpu.memory_space<vmem>>) offsets(%arg13 : memref<128xi32, #tpu.memory_space<vmem>>) semaphore(%arg18 : memref<!tpu.dma_semaphore, #tpu.memory_space<semaphore_mem>>)
      %get3A_171 = arith.constant 0 : index
      %get3A_172 = tpu.vector_load %arg14[%get3A_171] {strides = array<i32>} : memref<128xi32, #tpu.memory_space<vmem>>, vector<16xi32>,
      tpu.vector_store_idx %arg22[%get3A_172], %broadcast_in_dim3A_17 {add = true} : memref<10240xf32, #tpu.memory_space<vmem>>[vector<16xi32>], vector<16xf32>,
      %get3A_173 = arith.constant 16 : index
      %get3A_174 = tpu.vector_load %arg14[%get3A_173] {strides = array<i32>} : memref<128xi32, #tpu.memory_space<vmem>>, vector<16xi32>,
      tpu.vector_store_idx %arg22[%get3A_174], %broadcast_in_dim3A_17 {add = true} : memref<10240xf32, #tpu.memory_space<vmem>>[vector<16xi32>], vector<16xf32>,
      %get3A_175 = arith.constant 32 : index
      %get3A_176 = tpu.vector_load %arg14[%get3A_175] {strides = array<i32>} : memref<128xi32, #tpu.memory_space<vmem>>, vector<16xi32>,
      tpu.vector_store_idx %arg22[%get3A_176], %broadcast_in_dim3A_17 {add = true} : memref<10240xf32, #tpu.memory_space<vmem>>[vector<16xi32>], vector<16xf32>,
      %get3A_177 = arith.constant 48 : index
      %get3A_178 = tpu.vector_load %arg14[%get3A_177] {strides = array<i32>} : memref<128xi32, #tpu.memory_space<vmem>>, vector<16xi32>,
      tpu.vector_store_idx %arg22[%get3A_178], %broadcast_in_dim3A_17 {add = true} : memref<10240xf32, #tpu.memory_space<vmem>>[vector<16xi32>], vector<16xf32>,
      %get3A_179 = arith.constant 64 : index
      %get3A_180 = tpu.vector_load %arg14[%get3A_179] {strides = array<i32>} : memref<128xi32, #tpu.memory_space<vmem>>, vector<16xi32>,
      tpu.vector_store_idx %arg22[%get3A_180], %broadcast_in_dim3A_17 {add = true} : memref<10240xf32, #tpu.memory_space<vmem>>[vector<16xi32>], vector<16xf32>,
      %get3A_181 = arith.constant 80 : index
      %get3A_182 = tpu.vector_load %arg14[%get3A_181] {strides = array<i32>} : memref<128xi32, #tpu.memory_space<vmem>>, vector<16xi32>,
      tpu.vector_store_idx %arg22[%get3A_182], %broadcast_in_dim3A_17 {add = true} : memref<10240xf32, #tpu.memory_space<vmem>>[vector<16xi32>], vector<16xf32>,
      %get3A_183 = arith.constant 96 : index
      %get3A_184 = tpu.vector_load %arg14[%get3A_183] {strides = array<i32>} : memref<128xi32, #tpu.memory_space<vmem>>, vector<16xi32>,
      tpu.vector_store_idx %arg22[%get3A_184], %broadcast_in_dim3A_17 {add = true} : memref<10240xf32, #tpu.memory_space<vmem>>[vector<16xi32>], vector<16xf32>,
      %get3A_185 = arith.constant 112 : index
      %get3A_186 = tpu.vector_load %arg14[%get3A_185] {strides = array<i32>} : memref<128xi32, #tpu.memory_space<vmem>>, vector<16xi32>,
      tpu.vector_store_idx %arg22[%get3A_186], %broadcast_in_dim3A_17 {add = true} : memref<10240xf32, #tpu.memory_space<vmem>>[vector<16xi32>], vector<16xf32>,
    }
    %scan3A_63 = arith.constant 39 : i32
    %dma_wait3A = arith.constant 0 : i32
    %dma_wait3A_64 = arith.constant 0 : i32
    %dma_wait3A_65 = tpu.memref_slice %arg2[%dma_wait3A, %dma_wait3A_64] : memref<10240x128xf32, #tpu.memory_space<hbm>> -> memref<10240x128xf32, #tpu.memory_space<hbm>>
    tpu.wait_indirect_dma semaphore(%arg17 : memref<!tpu.dma_semaphore, #tpu.memory_space<semaphore_mem>>) src(%dma_wait3A_65 : memref<10240x128xf32, #tpu.memory_space<hbm>>) dst(%arg15 : memref<128x128xf32, #tpu.memory_space<vmem>>)
    %dma_start3A_66 = arith.constant 0 : i32
    %dma_start3A_67 = arith.constant 0 : i32
    %dma_start3A_68 = tpu.memref_slice %arg10[%dma_start3A_66, %dma_start3A_67] : memref<10240x128xf32, #tpu.memory_space<vmem_shared>> -> memref<10240x128xf32, #tpu.memory_space<vmem_shared>>
    tpu.enqueue_indirect_dma source(%arg15 : memref<128x128xf32, #tpu.memory_space<vmem>>) target(%dma_start3A_68 : memref<10240x128xf32, #tpu.memory_space<vmem_shared>>) offsets(%arg12 : memref<128xi32, #tpu.memory_space<vmem>>) semaphore(%arg19 : memref<!tpu.dma_semaphore, #tpu.memory_space<semaphore_mem>>) {add = true}
    %dma_wait3A_69 = arith.constant 0 : i32
    %dma_wait3A_70 = arith.constant 0 : i32
    %dma_wait3A_71 = tpu.memref_slice %arg2[%dma_wait3A_69, %dma_wait3A_70] : memref<10240x128xf32, #tpu.memory_space<hbm>> -> memref<10240x128xf32, #tpu.memory_space<hbm>>
    tpu.wait_indirect_dma semaphore(%arg18 : memref<!tpu.dma_semaphore, #tpu.memory_space<semaphore_mem>>) src(%dma_wait3A_71 : memref<10240x128xf32, #tpu.memory_space<hbm>>) dst(%arg16 : memref<128x128xf32, #tpu.memory_space<vmem>>)
    %dma_start3A_72 = arith.constant 0 : i32
    %dma_start3A_73 = arith.constant 0 : i32
    %dma_start3A_74 = tpu.memref_slice %arg10[%dma_start3A_72, %dma_start3A_73] : memref<10240x128xf32, #tpu.memory_space<vmem_shared>> -> memref<10240x128xf32, #tpu.memory_space<vmem_shared>>
    tpu.enqueue_indirect_dma source(%arg16 : memref<128x128xf32, #tpu.memory_space<vmem>>) target(%dma_start3A_74 : memref<10240x128xf32, #tpu.memory_space<vmem_shared>>) offsets(%arg14 : memref<128xi32, #tpu.memory_space<vmem>>) semaphore(%arg20 : memref<!tpu.dma_semaphore, #tpu.memory_space<semaphore_mem>>) {add = true}
    %dma_wait3A_75 = arith.constant 0 : i32
    %dma_wait3A_76 = arith.constant 0 : i32
    %dma_wait3A_77 = tpu.memref_slice %arg10[%dma_wait3A_75, %dma_wait3A_76] : memref<10240x128xf32, #tpu.memory_space<vmem_shared>> -> memref<10240x128xf32, #tpu.memory_space<vmem_shared>>
    tpu.wait_indirect_dma semaphore(%arg19 : memref<!tpu.dma_semaphore, #tpu.memory_space<semaphore_mem>>) src(%arg15 : memref<128x128xf32, #tpu.memory_space<vmem>>) dst(%dma_wait3A_77 : memref<10240x128xf32, #tpu.memory_space<vmem_shared>>)
    %dma_wait3A_78 = arith.constant 0 : i32
    %dma_wait3A_79 = arith.constant 0 : i32
    %dma_wait3A_80 = tpu.memref_slice %arg10[%dma_wait3A_78, %dma_wait3A_79] : memref<10240x128xf32, #tpu.memory_space<vmem_shared>> -> memref<10240x128xf32, #tpu.memory_space<vmem_shared>>
    tpu.wait_indirect_dma semaphore(%arg20 : memref<!tpu.dma_semaphore, #tpu.memory_space<semaphore_mem>>) src(%arg16 : memref<128x128xf32, #tpu.memory_space<vmem>>) dst(%dma_wait3A_80 : memref<10240x128xf32, #tpu.memory_space<vmem_shared>>)
    "tpu.region"() ({
      %run_scoped3A = tpu.sem_alloc : memref<!tpu.dma_semaphore, #tpu.memory_space<semaphore_mem>>
      tpu.enqueue_dma source(%arg6 : memref<128x128xf32, #tpu.memory_space<hbm>>) target(%arg15 : memref<128x128xf32, #tpu.memory_space<vmem>>) target_semaphore(%run_scoped3A : memref<!tpu.dma_semaphore, #tpu.memory_space<semaphore_mem>>)
      tpu.wait_dma2 semaphore(%run_scoped3A : memref<!tpu.dma_semaphore, #tpu.memory_space<semaphore_mem>>) src(%arg6 : memref<128x128xf32, #tpu.memory_space<hbm>>) dst(%arg15 : memref<128x128xf32, #tpu.memory_space<vmem>>)
      tpu.yield
    }) : () -> ()
    %scan3A_81 = arith.constant 0 : i32
    %scan3A_82 = arith.constant 0 : i32
    %scan3A_83 = arith.constant 80 : i32
    %scan3A_84 = arith.addi %scan3A_82, %scan3A_83 : i32
    %scan3A_85 = arith.constant 1 : i32
    scf.for %scan3A_116 = %scan3A_82 to %scan3A_84 step %scan3A_85  : i32 {
      %mul3A_117 = arith.constant 128 : i32
      %mul3A_118 = arith.muli %scan3A_116, %mul3A_117 : i32
      %add3A_119 = arith.constant 0 : i32
      %add3A_120 = arith.addi %mul3A_118, %add3A_119 : i32
      %get3A_121 = arith.index_cast %add3A_120 : i32 to index
      %get3A_122 = tpu.vector_load %arg22[%get3A_121] {strides = array<i32>} : memref<10240xf32, #tpu.memory_space<vmem>>, vector<16xf32>,
      %swap3A = arith.index_cast %scan3A_116 : i32 to index
      %swap3A_123 = arith.constant 0 : index
      %swap3A_124 = tpu.vector_load %arg15[%swap3A, %swap3A_123] {strides = array<i32>} : memref<128x128xf32, #tpu.memory_space<vmem>>, vector<16xf32>,
      tpu.vector_store %arg15[%swap3A, %swap3A_123], %get3A_122 {strides = array<i32>} : memref<128x128xf32, #tpu.memory_space<vmem>>, vector<16xf32>,
      %mul3A_125 = arith.constant 128 : i32
      %mul3A_126 = arith.muli %scan3A_116, %mul3A_125 : i32
      %add3A_127 = arith.constant 16 : i32
      %add3A_128 = arith.addi %mul3A_126, %add3A_127 : i32
      %get3A_129 = arith.index_cast %add3A_128 : i32 to index
      %get3A_130 = tpu.vector_load %arg22[%get3A_129] {strides = array<i32>} : memref<10240xf32, #tpu.memory_space<vmem>>, vector<16xf32>,
      %swap3A_131 = arith.index_cast %scan3A_116 : i32 to index
      %swap3A_132 = arith.constant 16 : index
      %swap3A_133 = tpu.vector_load %arg15[%swap3A_131, %swap3A_132] {strides = array<i32>} : memref<128x128xf32, #tpu.memory_space<vmem>>, vector<16xf32>,
      tpu.vector_store %arg15[%swap3A_131, %swap3A_132], %get3A_130 {strides = array<i32>} : memref<128x128xf32, #tpu.memory_space<vmem>>, vector<16xf32>,
      %mul3A_134 = arith.constant 128 : i32
      %mul3A_135 = arith.muli %scan3A_116, %mul3A_134 : i32
      %add3A_136 = arith.constant 32 : i32
      %add3A_137 = arith.addi %mul3A_135, %add3A_136 : i32
      %get3A_138 = arith.index_cast %add3A_137 : i32 to index
      %get3A_139 = tpu.vector_load %arg22[%get3A_138] {strides = array<i32>} : memref<10240xf32, #tpu.memory_space<vmem>>, vector<16xf32>,
      %swap3A_140 = arith.index_cast %scan3A_116 : i32 to index
      %swap3A_141 = arith.constant 32 : index
      %swap3A_142 = tpu.vector_load %arg15[%swap3A_140, %swap3A_141] {strides = array<i32>} : memref<128x128xf32, #tpu.memory_space<vmem>>, vector<16xf32>,
      tpu.vector_store %arg15[%swap3A_140, %swap3A_141], %get3A_139 {strides = array<i32>} : memref<128x128xf32, #tpu.memory_space<vmem>>, vector<16xf32>,
      %mul3A_143 = arith.constant 128 : i32
      %mul3A_144 = arith.muli %scan3A_116, %mul3A_143 : i32
      %add3A_145 = arith.constant 48 : i32
      %add3A_146 = arith.addi %mul3A_144, %add3A_145 : i32
      %get3A_147 = arith.index_cast %add3A_146 : i32 to index
      %get3A_148 = tpu.vector_load %arg22[%get3A_147] {strides = array<i32>} : memref<10240xf32, #tpu.memory_space<vmem>>, vector<16xf32>,
      %swap3A_149 = arith.index_cast %scan3A_116 : i32 to index
      %swap3A_150 = arith.constant 48 : index
      %swap3A_151 = tpu.vector_load %arg15[%swap3A_149, %swap3A_150] {strides = array<i32>} : memref<128x128xf32, #tpu.memory_space<vmem>>, vector<16xf32>,
      tpu.vector_store %arg15[%swap3A_149, %swap3A_150], %get3A_148 {strides = array<i32>} : memref<128x128xf32, #tpu.memory_space<vmem>>, vector<16xf32>,
      %mul3A_152 = arith.constant 128 : i32
      %mul3A_153 = arith.muli %scan3A_116, %mul3A_152 : i32
      %add3A_154 = arith.constant 64 : i32
      %add3A_155 = arith.addi %mul3A_153, %add3A_154 : i32
      %get3A_156 = arith.index_cast %add3A_155 : i32 to index
      %get3A_157 = tpu.vector_load %arg22[%get3A_156] {strides = array<i32>} : memref<10240xf32, #tpu.memory_space<vmem>>, vector<16xf32>,
      %swap3A_158 = arith.index_cast %scan3A_116 : i32 to index
      %swap3A_159 = arith.constant 64 : index
      %swap3A_160 = tpu.vector_load %arg15[%swap3A_158, %swap3A_159] {strides = array<i32>} : memref<128x128xf32, #tpu.memory_space<vmem>>, vector<16xf32>,
      tpu.vector_store %arg15[%swap3A_158, %swap3A_159], %get3A_157 {strides = array<i32>} : memref<128x128xf32, #tpu.memory_space<vmem>>, vector<16xf32>,
      %mul3A_161 = arith.constant 128 : i32
      %mul3A_162 = arith.muli %scan3A_116, %mul3A_161 : i32
      %add3A_163 = arith.constant 80 : i32
      %add3A_164 = arith.addi %mul3A_162, %add3A_163 : i32
      %get3A_165 = arith.index_cast %add3A_164 : i32 to index
      %get3A_166 = tpu.vector_load %arg22[%get3A_165] {strides = array<i32>} : memref<10240xf32, #tpu.memory_space<vmem>>, vector<16xf32>,
      %swap3A_167 = arith.index_cast %scan3A_116 : i32 to index
      %swap3A_168 = arith.constant 80 : index
      %swap3A_169 = tpu.vector_load %arg15[%swap3A_167, %swap3A_168] {strides = array<i32>} : memref<128x128xf32, #tpu.memory_space<vmem>>, vector<16xf32>,
      tpu.vector_store %arg15[%swap3A_167, %swap3A_168], %get3A_166 {strides = array<i32>} : memref<128x128xf32, #tpu.memory_space<vmem>>, vector<16xf32>,
      %mul3A_170 = arith.constant 128 : i32
      %mul3A_171 = arith.muli %scan3A_116, %mul3A_170 : i32
      %add3A_172 = arith.constant 96 : i32
      %add3A_173 = arith.addi %mul3A_171, %add3A_172 : i32
      %get3A_174 = arith.index_cast %add3A_173 : i32 to index
      %get3A_175 = tpu.vector_load %arg22[%get3A_174] {strides = array<i32>} : memref<10240xf32, #tpu.memory_space<vmem>>, vector<16xf32>,
      %swap3A_176 = arith.index_cast %scan3A_116 : i32 to index
      %swap3A_177 = arith.constant 96 : index
      %swap3A_178 = tpu.vector_load %arg15[%swap3A_176, %swap3A_177] {strides = array<i32>} : memref<128x128xf32, #tpu.memory_space<vmem>>, vector<16xf32>,
      tpu.vector_store %arg15[%swap3A_176, %swap3A_177], %get3A_175 {strides = array<i32>} : memref<128x128xf32, #tpu.memory_space<vmem>>, vector<16xf32>,
      %mul3A_179 = arith.constant 128 : i32
      %mul3A_180 = arith.muli %scan3A_116, %mul3A_179 : i32
      %add3A_181 = arith.constant 112 : i32
      %add3A_182 = arith.addi %mul3A_180, %add3A_181 : i32
      %get3A_183 = arith.index_cast %add3A_182 : i32 to index
      %get3A_184 = tpu.vector_load %arg22[%get3A_183] {strides = array<i32>} : memref<10240xf32, #tpu.memory_space<vmem>>, vector<16xf32>,
      %swap3A_185 = arith.index_cast %scan3A_116 : i32 to index
      %swap3A_186 = arith.constant 112 : index
      %swap3A_187 = tpu.vector_load %arg15[%swap3A_185, %swap3A_186] {strides = array<i32>} : memref<128x128xf32, #tpu.memory_space<vmem>>, vector<16xf32>,
      tpu.vector_store %arg15[%swap3A_185, %swap3A_186], %get3A_184 {strides = array<i32>} : memref<128x128xf32, #tpu.memory_space<vmem>>, vector<16xf32>,
    }
    %scan3A_86 = arith.constant 80 : i32
    "tpu.region"() ({
      %run_scoped3A = tpu.sem_alloc : memref<!tpu.dma_semaphore, #tpu.memory_space<semaphore_mem>>
      %dma_start3A_116 = arith.constant 0 : i32
      %dma_start3A_117 = tpu.memref_slice %arg5[%dma_start3A_116] : memref<10240xi32, #tpu.memory_space<hbm>> -> memref<128xi32, #tpu.memory_space<hbm>>
      %dma_start3A_118 = arith.constant 0 : i32
      %dma_start3A_119 = tpu.memref_slice %arg5[%dma_start3A_118] : memref<10240xi32, #tpu.memory_space<hbm>> -> memref<128xi32, #tpu.memory_space<hbm>>
      tpu.enqueue_dma source(%dma_start3A_119 : memref<128xi32, #tpu.memory_space<hbm>>) target(%arg12 : memref<128xi32, #tpu.memory_space<vmem>>) target_semaphore(%run_scoped3A : memref<!tpu.dma_semaphore, #tpu.memory_space<semaphore_mem>>)
      %dma_wait3A_120 = arith.constant 0 : i32
      %dma_wait3A_121 = tpu.memref_slice %arg5[%dma_wait3A_120] : memref<10240xi32, #tpu.memory_space<hbm>> -> memref<128xi32, #tpu.memory_space<hbm>>
      %dma_wait3A_122 = arith.constant 0 : i32
      %dma_wait3A_123 = tpu.memref_slice %arg5[%dma_wait3A_122] : memref<10240xi32, #tpu.memory_space<hbm>> -> memref<128xi32, #tpu.memory_space<hbm>>
      tpu.wait_dma2 semaphore(%run_scoped3A : memref<!tpu.dma_semaphore, #tpu.memory_space<semaphore_mem>>) src(%dma_wait3A_123 : memref<128xi32, #tpu.memory_space<hbm>>) dst(%arg12 : memref<128xi32, #tpu.memory_space<vmem>>)
      tpu.yield
    }) : () -> ()
    "tpu.region"() ({
      %run_scoped3A = tpu.sem_alloc : memref<!tpu.dma_semaphore, #tpu.memory_space<semaphore_mem>>
      %dma_start3A_116 = arith.constant 0 : i32
      %dma_start3A_117 = arith.constant 0 : i32
      %dma_start3A_118 = tpu.memref_slice %arg21[%dma_start3A_116, %dma_start3A_117] : memref<128x128xf32, #tpu.memory_space<vmem_shared>> -> memref<128x128xf32, #tpu.memory_space<vmem_shared>>
      tpu.enqueue_indirect_dma source(%arg15 : memref<128x128xf32, #tpu.memory_space<vmem>>) target(%dma_start3A_118 : memref<128x128xf32, #tpu.memory_space<vmem_shared>>) offsets(%arg12 : memref<128xi32, #tpu.memory_space<vmem>>) semaphore(%run_scoped3A : memref<!tpu.dma_semaphore, #tpu.memory_space<semaphore_mem>>) {add = true}
      %dma_wait3A_119 = arith.constant 0 : i32
      %dma_wait3A_120 = arith.constant 0 : i32
      %dma_wait3A_121 = tpu.memref_slice %arg21[%dma_wait3A_119, %dma_wait3A_120] : memref<128x128xf32, #tpu.memory_space<vmem_shared>> -> memref<128x128xf32, #tpu.memory_space<vmem_shared>>
      tpu.wait_indirect_dma semaphore(%run_scoped3A : memref<!tpu.dma_semaphore, #tpu.memory_space<semaphore_mem>>) src(%arg15 : memref<128x128xf32, #tpu.memory_space<vmem>>) dst(%dma_wait3A_121 : memref<128x128xf32, #tpu.memory_space<vmem_shared>>)
      tpu.yield
    }) : () -> ()
    %barrier3A_87 = arith.constant 0 : index
    tpu.barrier barrier_id(%barrier3A_87)
    %mul3A_88 = arith.constant 10240 : i32
    %mul3A_89 = arith.muli %arg0, %mul3A_88 : i32
    %add3A_90 = arith.addi %mul3A_89, %mul3A_2 : i32
    %add3A_91 = arith.constant 0 : i32
    %add3A_92 = arith.addi %mul3A_2, %add3A_91 : i32
    "tpu.region"() ({
      %run_scoped3A = tpu.sem_alloc : memref<!tpu.dma_semaphore, #tpu.memory_space<semaphore_mem>>
      %dma_start3A_116 = tpu.memref_slice %arg5[%add3A_92] : memref<10240xi32, #tpu.memory_space<hbm>> -> memref<128xi32, #tpu.memory_space<hbm>>
      %dma_start3A_117 = tpu.memref_slice %arg5[%add3A_92] : memref<10240xi32, #tpu.memory_space<hbm>> -> memref<128xi32, #tpu.memory_space<hbm>>
      tpu.enqueue_dma source(%dma_start3A_117 : memref<128xi32, #tpu.memory_space<hbm>>) target(%arg12 : memref<128xi32, #tpu.memory_space<vmem>>) target_semaphore(%run_scoped3A : memref<!tpu.dma_semaphore, #tpu.memory_space<semaphore_mem>>)
      %dma_wait3A_118 = tpu.memref_slice %arg5[%add3A_92] : memref<10240xi32, #tpu.memory_space<hbm>> -> memref<128xi32, #tpu.memory_space<hbm>>
      %dma_wait3A_119 = tpu.memref_slice %arg5[%add3A_92] : memref<10240xi32, #tpu.memory_space<hbm>> -> memref<128xi32, #tpu.memory_space<hbm>>
      tpu.wait_dma2 semaphore(%run_scoped3A : memref<!tpu.dma_semaphore, #tpu.memory_space<semaphore_mem>>) src(%dma_wait3A_119 : memref<128xi32, #tpu.memory_space<hbm>>) dst(%arg12 : memref<128xi32, #tpu.memory_space<vmem>>)
      tpu.yield
    }) : () -> ()
    "tpu.region"() ({
      %run_scoped3A = tpu.sem_alloc : memref<!tpu.dma_semaphore, #tpu.memory_space<semaphore_mem>>
      %dma_start3A_116 = arith.constant 0 : i32
      %dma_start3A_117 = arith.constant 0 : i32
      %dma_start3A_118 = tpu.memref_slice %arg10[%dma_start3A_116, %dma_start3A_117] : memref<10240x128xf32, #tpu.memory_space<vmem_shared>> -> memref<10240x128xf32, #tpu.memory_space<vmem_shared>>
      tpu.enqueue_indirect_dma source(%dma_start3A_118 : memref<10240x128xf32, #tpu.memory_space<vmem_shared>>) target(%arg15 : memref<128x128xf32, #tpu.memory_space<vmem>>) offsets(%arg12 : memref<128xi32, #tpu.memory_space<vmem>>) semaphore(%run_scoped3A : memref<!tpu.dma_semaphore, #tpu.memory_space<semaphore_mem>>)
      %dma_wait3A_119 = arith.constant 0 : i32
      %dma_wait3A_120 = arith.constant 0 : i32
      %dma_wait3A_121 = tpu.memref_slice %arg10[%dma_wait3A_119, %dma_wait3A_120] : memref<10240x128xf32, #tpu.memory_space<vmem_shared>> -> memref<10240x128xf32, #tpu.memory_space<vmem_shared>>
      tpu.wait_indirect_dma semaphore(%run_scoped3A : memref<!tpu.dma_semaphore, #tpu.memory_space<semaphore_mem>>) src(%dma_wait3A_121 : memref<10240x128xf32, #tpu.memory_space<vmem_shared>>) dst(%arg15 : memref<128x128xf32, #tpu.memory_space<vmem>>)
      tpu.yield
    }) : () -> ()
    %add3A_93 = arith.constant 0 : i32
    %add3A_94 = arith.addi %add3A_90, %add3A_93 : i32
    "tpu.region"() ({
      %run_scoped3A = tpu.sem_alloc : memref<!tpu.dma_semaphore, #tpu.memory_space<semaphore_mem>>
      %dma_start3A_116 = arith.constant 0 : i32
      %dma_start3A_117 = tpu.memref_slice %arg8[%add3A_94, %dma_start3A_116] : memref<20480x128xf32, #tpu.memory_space<hbm>> -> memref<128x128xf32, #tpu.memory_space<hbm>>
      %dma_start3A_118 = arith.constant 0 : i32
      %dma_start3A_119 = tpu.memref_slice %arg8[%add3A_94, %dma_start3A_118] : memref<20480x128xf32, #tpu.memory_space<hbm>> -> memref<128x128xf32, #tpu.memory_space<hbm>>
      tpu.enqueue_dma source(%arg15 : memref<128x128xf32, #tpu.memory_space<vmem>>) target(%dma_start3A_119 : memref<128x128xf32, #tpu.memory_space<hbm>>) target_semaphore(%run_scoped3A : memref<!tpu.dma_semaphore, #tpu.memory_space<semaphore_mem>>)
      %dma_wait3A_120 = arith.constant 0 : i32
      %dma_wait3A_121 = tpu.memref_slice %arg8[%add3A_94, %dma_wait3A_120] : memref<20480x128xf32, #tpu.memory_space<hbm>> -> memref<128x128xf32, #tpu.memory_space<hbm>>
      %dma_wait3A_122 = arith.constant 0 : i32
      %dma_wait3A_123 = tpu.memref_slice %arg8[%add3A_94, %dma_wait3A_122] : memref<20480x128xf32, #tpu.memory_space<hbm>> -> memref<128x128xf32, #tpu.memory_space<hbm>>
      tpu.wait_dma2 semaphore(%run_scoped3A : memref<!tpu.dma_semaphore, #tpu.memory_space<semaphore_mem>>) src(%arg15 : memref<128x128xf32, #tpu.memory_space<vmem>>) dst(%dma_wait3A_123 : memref<128x128xf32, #tpu.memory_space<hbm>>)
      tpu.yield
    }) : () -> ()
    %add3A_95 = arith.constant 128 : i32
    %add3A_96 = arith.addi %mul3A_2, %add3A_95 : i32
    "tpu.region"() ({
      %run_scoped3A = tpu.sem_alloc : memref<!tpu.dma_semaphore, #tpu.memory_space<semaphore_mem>>
      %dma_start3A_116 = tpu.memref_slice %arg5[%add3A_96] : memref<10240xi32, #tpu.memory_space<hbm>> -> memref<128xi32, #tpu.memory_space<hbm>>
      %dma_start3A_117 = tpu.memref_slice %arg5[%add3A_96] : memref<10240xi32, #tpu.memory_space<hbm>> -> memref<128xi32, #tpu.memory_space<hbm>>
      tpu.enqueue_dma source(%dma_start3A_117 : memref<128xi32, #tpu.memory_space<hbm>>) target(%arg12 : memref<128xi32, #tpu.memory_space<vmem>>) target_semaphore(%run_scoped3A : memref<!tpu.dma_semaphore, #tpu.memory_space<semaphore_mem>>)
      %dma_wait3A_118 = tpu.memref_slice %arg5[%add3A_96] : memref<10240xi32, #tpu.memory_space<hbm>> -> memref<128xi32, #tpu.memory_space<hbm>>
      %dma_wait3A_119 = tpu.memref_slice %arg5[%add3A_96] : memref<10240xi32, #tpu.memory_space<hbm>> -> memref<128xi32, #tpu.memory_space<hbm>>
      tpu.wait_dma2 semaphore(%run_scoped3A : memref<!tpu.dma_semaphore, #tpu.memory_space<semaphore_mem>>) src(%dma_wait3A_119 : memref<128xi32, #tpu.memory_space<hbm>>) dst(%arg12 : memref<128xi32, #tpu.memory_space<vmem>>)
      tpu.yield
    }) : () -> ()
    "tpu.region"() ({
      %run_scoped3A = tpu.sem_alloc : memref<!tpu.dma_semaphore, #tpu.memory_space<semaphore_mem>>
      %dma_start3A_116 = arith.constant 0 : i32
      %dma_start3A_117 = arith.constant 0 : i32
      %dma_start3A_118 = tpu.memref_slice %arg10[%dma_start3A_116, %dma_start3A_117] : memref<10240x128xf32, #tpu.memory_space<vmem_shared>> -> memref<10240x128xf32, #tpu.memory_space<vmem_shared>>
      tpu.enqueue_indirect_dma source(%dma_start3A_118 : memref<10240x128xf32, #tpu.memory_space<vmem_shared>>) target(%arg15 : memref<128x128xf32, #tpu.memory_space<vmem>>) offsets(%arg12 : memref<128xi32, #tpu.memory_space<vmem>>) semaphore(%run_scoped3A : memref<!tpu.dma_semaphore, #tpu.memory_space<semaphore_mem>>)
      %dma_wait3A_119 = arith.constant 0 : i32
      %dma_wait3A_120 = arith.constant 0 : i32
      %dma_wait3A_121 = tpu.memref_slice %arg10[%dma_wait3A_119, %dma_wait3A_120] : memref<10240x128xf32, #tpu.memory_space<vmem_shared>> -> memref<10240x128xf32, #tpu.memory_space<vmem_shared>>
      tpu.wait_indirect_dma semaphore(%run_scoped3A : memref<!tpu.dma_semaphore, #tpu.memory_space<semaphore_mem>>) src(%dma_wait3A_121 : memref<10240x128xf32, #tpu.memory_space<vmem_shared>>) dst(%arg15 : memref<128x128xf32, #tpu.memory_space<vmem>>)
      tpu.yield
    }) : () -> ()
    %add3A_97 = arith.constant 128 : i32
    %add3A_98 = arith.addi %add3A_90, %add3A_97 : i32
    "tpu.region"() ({
      %run_scoped3A = tpu.sem_alloc : memref<!tpu.dma_semaphore, #tpu.memory_space<semaphore_mem>>
      %dma_start3A_116 = arith.constant 0 : i32
      %dma_start3A_117 = tpu.memref_slice %arg8[%add3A_98, %dma_start3A_116] : memref<20480x128xf32, #tpu.memory_space<hbm>> -> memref<128x128xf32, #tpu.memory_space<hbm>>
      %dma_start3A_118 = arith.constant 0 : i32
      %dma_start3A_119 = tpu.memref_slice %arg8[%add3A_98, %dma_start3A_118] : memref<20480x128xf32, #tpu.memory_space<hbm>> -> memref<128x128xf32, #tpu.memory_space<hbm>>
      tpu.enqueue_dma source(%arg15 : memref<128x128xf32, #tpu.memory_space<vmem>>) target(%dma_start3A_119 : memref<128x128xf32, #tpu.memory_space<hbm>>) target_semaphore(%run_scoped3A : memref<!tpu.dma_semaphore, #tpu.memory_space<semaphore_mem>>)
      %dma_wait3A_120 = arith.constant 0 : i32
      %dma_wait3A_121 = tpu.memref_slice %arg8[%add3A_98, %dma_wait3A_120] : memref<20480x128xf32, #tpu.memory_space<hbm>> -> memref<128x128xf32, #tpu.memory_space<hbm>>
      %dma_wait3A_122 = arith.constant 0 : i32
      %dma_wait3A_123 = tpu.memref_slice %arg8[%add3A_98, %dma_wait3A_122] : memref<20480x128xf32, #tpu.memory_space<hbm>> -> memref<128x128xf32, #tpu.memory_space<hbm>>
      tpu.wait_dma2 semaphore(%run_scoped3A : memref<!tpu.dma_semaphore, #tpu.memory_space<semaphore_mem>>) src(%arg15 : memref<128x128xf32, #tpu.memory_space<vmem>>) dst(%dma_wait3A_123 : memref<128x128xf32, #tpu.memory_space<hbm>>)
      tpu.yield
    }) : () -> ()
    %add3A_99 = arith.constant 256 : i32
    %add3A_100 = arith.addi %mul3A_2, %add3A_99 : i32
    "tpu.region"() ({
      %run_scoped3A = tpu.sem_alloc : memref<!tpu.dma_semaphore, #tpu.memory_space<semaphore_mem>>
      %dma_start3A_116 = tpu.memref_slice %arg5[%add3A_100] : memref<10240xi32, #tpu.memory_space<hbm>> -> memref<128xi32, #tpu.memory_space<hbm>>
      %dma_start3A_117 = tpu.memref_slice %arg5[%add3A_100] : memref<10240xi32, #tpu.memory_space<hbm>> -> memref<128xi32, #tpu.memory_space<hbm>>
      tpu.enqueue_dma source(%dma_start3A_117 : memref<128xi32, #tpu.memory_space<hbm>>) target(%arg12 : memref<128xi32, #tpu.memory_space<vmem>>) target_semaphore(%run_scoped3A : memref<!tpu.dma_semaphore, #tpu.memory_space<semaphore_mem>>)
      %dma_wait3A_118 = tpu.memref_slice %arg5[%add3A_100] : memref<10240xi32, #tpu.memory_space<hbm>> -> memref<128xi32, #tpu.memory_space<hbm>>
      %dma_wait3A_119 = tpu.memref_slice %arg5[%add3A_100] : memref<10240xi32, #tpu.memory_space<hbm>> -> memref<128xi32, #tpu.memory_space<hbm>>
      tpu.wait_dma2 semaphore(%run_scoped3A : memref<!tpu.dma_semaphore, #tpu.memory_space<semaphore_mem>>) src(%dma_wait3A_119 : memref<128xi32, #tpu.memory_space<hbm>>) dst(%arg12 : memref<128xi32, #tpu.memory_space<vmem>>)
      tpu.yield
    }) : () -> ()
    "tpu.region"() ({
      %run_scoped3A = tpu.sem_alloc : memref<!tpu.dma_semaphore, #tpu.memory_space<semaphore_mem>>
      %dma_start3A_116 = arith.constant 0 : i32
      %dma_start3A_117 = arith.constant 0 : i32
      %dma_start3A_118 = tpu.memref_slice %arg10[%dma_start3A_116, %dma_start3A_117] : memref<10240x128xf32, #tpu.memory_space<vmem_shared>> -> memref<10240x128xf32, #tpu.memory_space<vmem_shared>>
      tpu.enqueue_indirect_dma source(%dma_start3A_118 : memref<10240x128xf32, #tpu.memory_space<vmem_shared>>) target(%arg15 : memref<128x128xf32, #tpu.memory_space<vmem>>) offsets(%arg12 : memref<128xi32, #tpu.memory_space<vmem>>) semaphore(%run_scoped3A : memref<!tpu.dma_semaphore, #tpu.memory_space<semaphore_mem>>)
      %dma_wait3A_119 = arith.constant 0 : i32
      %dma_wait3A_120 = arith.constant 0 : i32
      %dma_wait3A_121 = tpu.memref_slice %arg10[%dma_wait3A_119, %dma_wait3A_120] : memref<10240x128xf32, #tpu.memory_space<vmem_shared>> -> memref<10240x128xf32, #tpu.memory_space<vmem_shared>>
      tpu.wait_indirect_dma semaphore(%run_scoped3A : memref<!tpu.dma_semaphore, #tpu.memory_space<semaphore_mem>>) src(%dma_wait3A_121 : memref<10240x128xf32, #tpu.memory_space<vmem_shared>>) dst(%arg15 : memref<128x128xf32, #tpu.memory_space<vmem>>)
      tpu.yield
    }) : () -> ()
    %add3A_101 = arith.constant 256 : i32
    %add3A_102 = arith.addi %add3A_90, %add3A_101 : i32
    "tpu.region"() ({
      %run_scoped3A = tpu.sem_alloc : memref<!tpu.dma_semaphore, #tpu.memory_space<semaphore_mem>>
      %dma_start3A_116 = arith.constant 0 : i32
      %dma_start3A_117 = tpu.memref_slice %arg8[%add3A_102, %dma_start3A_116] : memref<20480x128xf32, #tpu.memory_space<hbm>> -> memref<128x128xf32, #tpu.memory_space<hbm>>
      %dma_start3A_118 = arith.constant 0 : i32
      %dma_start3A_119 = tpu.memref_slice %arg8[%add3A_102, %dma_start3A_118] : memref<20480x128xf32, #tpu.memory_space<hbm>> -> memref<128x128xf32, #tpu.memory_space<hbm>>
      tpu.enqueue_dma source(%arg15 : memref<128x128xf32, #tpu.memory_space<vmem>>) target(%dma_start3A_119 : memref<128x128xf32, #tpu.memory_space<hbm>>) target_semaphore(%run_scoped3A : memref<!tpu.dma_semaphore, #tpu.memory_space<semaphore_mem>>)
      %dma_wait3A_120 = arith.constant 0 : i32
      %dma_wait3A_121 = tpu.memref_slice %arg8[%add3A_102, %dma_wait3A_120] : memref<20480x128xf32, #tpu.memory_space<hbm>> -> memref<128x128xf32, #tpu.memory_space<hbm>>
      %dma_wait3A_122 = arith.constant 0 : i32
      %dma_wait3A_123 = tpu.memref_slice %arg8[%add3A_102, %dma_wait3A_122] : memref<20480x128xf32, #tpu.memory_space<hbm>> -> memref<128x128xf32, #tpu.memory_space<hbm>>
      tpu.wait_dma2 semaphore(%run_scoped3A : memref<!tpu.dma_semaphore, #tpu.memory_space<semaphore_mem>>) src(%arg15 : memref<128x128xf32, #tpu.memory_space<vmem>>) dst(%dma_wait3A_123 : memref<128x128xf32, #tpu.memory_space<hbm>>)
      tpu.yield
    }) : () -> ()
    %add3A_103 = arith.constant 384 : i32
    %add3A_104 = arith.addi %mul3A_2, %add3A_103 : i32
    "tpu.region"() ({
      %run_scoped3A = tpu.sem_alloc : memref<!tpu.dma_semaphore, #tpu.memory_space<semaphore_mem>>
      %dma_start3A_116 = tpu.memref_slice %arg5[%add3A_104] : memref<10240xi32, #tpu.memory_space<hbm>> -> memref<128xi32, #tpu.memory_space<hbm>>
      %dma_start3A_117 = tpu.memref_slice %arg5[%add3A_104] : memref<10240xi32, #tpu.memory_space<hbm>> -> memref<128xi32, #tpu.memory_space<hbm>>
      tpu.enqueue_dma source(%dma_start3A_117 : memref<128xi32, #tpu.memory_space<hbm>>) target(%arg12 : memref<128xi32, #tpu.memory_space<vmem>>) target_semaphore(%run_scoped3A : memref<!tpu.dma_semaphore, #tpu.memory_space<semaphore_mem>>)
      %dma_wait3A_118 = tpu.memref_slice %arg5[%add3A_104] : memref<10240xi32, #tpu.memory_space<hbm>> -> memref<128xi32, #tpu.memory_space<hbm>>
      %dma_wait3A_119 = tpu.memref_slice %arg5[%add3A_104] : memref<10240xi32, #tpu.memory_space<hbm>> -> memref<128xi32, #tpu.memory_space<hbm>>
      tpu.wait_dma2 semaphore(%run_scoped3A : memref<!tpu.dma_semaphore, #tpu.memory_space<semaphore_mem>>) src(%dma_wait3A_119 : memref<128xi32, #tpu.memory_space<hbm>>) dst(%arg12 : memref<128xi32, #tpu.memory_space<vmem>>)
      tpu.yield
    }) : () -> ()
    "tpu.region"() ({
      %run_scoped3A = tpu.sem_alloc : memref<!tpu.dma_semaphore, #tpu.memory_space<semaphore_mem>>
      %dma_start3A_116 = arith.constant 0 : i32
      %dma_start3A_117 = arith.constant 0 : i32
      %dma_start3A_118 = tpu.memref_slice %arg10[%dma_start3A_116, %dma_start3A_117] : memref<10240x128xf32, #tpu.memory_space<vmem_shared>> -> memref<10240x128xf32, #tpu.memory_space<vmem_shared>>
      tpu.enqueue_indirect_dma source(%dma_start3A_118 : memref<10240x128xf32, #tpu.memory_space<vmem_shared>>) target(%arg15 : memref<128x128xf32, #tpu.memory_space<vmem>>) offsets(%arg12 : memref<128xi32, #tpu.memory_space<vmem>>) semaphore(%run_scoped3A : memref<!tpu.dma_semaphore, #tpu.memory_space<semaphore_mem>>)
      %dma_wait3A_119 = arith.constant 0 : i32
      %dma_wait3A_120 = arith.constant 0 : i32
      %dma_wait3A_121 = tpu.memref_slice %arg10[%dma_wait3A_119, %dma_wait3A_120] : memref<10240x128xf32, #tpu.memory_space<vmem_shared>> -> memref<10240x128xf32, #tpu.memory_space<vmem_shared>>
      tpu.wait_indirect_dma semaphore(%run_scoped3A : memref<!tpu.dma_semaphore, #tpu.memory_space<semaphore_mem>>) src(%dma_wait3A_121 : memref<10240x128xf32, #tpu.memory_space<vmem_shared>>) dst(%arg15 : memref<128x128xf32, #tpu.memory_space<vmem>>)
      tpu.yield
    }) : () -> ()
    %add3A_105 = arith.constant 384 : i32
    %add3A_106 = arith.addi %add3A_90, %add3A_105 : i32
    "tpu.region"() ({
      %run_scoped3A = tpu.sem_alloc : memref<!tpu.dma_semaphore, #tpu.memory_space<semaphore_mem>>
      %dma_start3A_116 = arith.constant 0 : i32
      %dma_start3A_117 = tpu.memref_slice %arg8[%add3A_106, %dma_start3A_116] : memref<20480x128xf32, #tpu.memory_space<hbm>> -> memref<128x128xf32, #tpu.memory_space<hbm>>
      %dma_start3A_118 = arith.constant 0 : i32
      %dma_start3A_119 = tpu.memref_slice %arg8[%add3A_106, %dma_start3A_118] : memref<20480x128xf32, #tpu.memory_space<hbm>> -> memref<128x128xf32, #tpu.memory_space<hbm>>
      tpu.enqueue_dma source(%arg15 : memref<128x128xf32, #tpu.memory_space<vmem>>) target(%dma_start3A_119 : memref<128x128xf32, #tpu.memory_space<hbm>>) target_semaphore(%run_scoped3A : memref<!tpu.dma_semaphore, #tpu.memory_space<semaphore_mem>>)
      %dma_wait3A_120 = arith.constant 0 : i32
      %dma_wait3A_121 = tpu.memref_slice %arg8[%add3A_106, %dma_wait3A_120] : memref<20480x128xf32, #tpu.memory_space<hbm>> -> memref<128x128xf32, #tpu.memory_space<hbm>>
      %dma_wait3A_122 = arith.constant 0 : i32
      %dma_wait3A_123 = tpu.memref_slice %arg8[%add3A_106, %dma_wait3A_122] : memref<20480x128xf32, #tpu.memory_space<hbm>> -> memref<128x128xf32, #tpu.memory_space<hbm>>
      tpu.wait_dma2 semaphore(%run_scoped3A : memref<!tpu.dma_semaphore, #tpu.memory_space<semaphore_mem>>) src(%arg15 : memref<128x128xf32, #tpu.memory_space<vmem>>) dst(%dma_wait3A_123 : memref<128x128xf32, #tpu.memory_space<hbm>>)
      tpu.yield
    }) : () -> ()
    %add3A_107 = arith.constant 512 : i32
    %add3A_108 = arith.addi %mul3A_2, %add3A_107 : i32
    "tpu.region"() ({
      %run_scoped3A = tpu.sem_alloc : memref<!tpu.dma_semaphore, #tpu.memory_space<semaphore_mem>>
      %dma_start3A_116 = tpu.memref_slice %arg5[%add3A_108] : memref<10240xi32, #tpu.memory_space<hbm>> -> memref<128xi32, #tpu.memory_space<hbm>>
      %dma_start3A_117 = tpu.memref_slice %arg5[%add3A_108] : memref<10240xi32, #tpu.memory_space<hbm>> -> memref<128xi32, #tpu.memory_space<hbm>>
      tpu.enqueue_dma source(%dma_start3A_117 : memref<128xi32, #tpu.memory_space<hbm>>) target(%arg12 : memref<128xi32, #tpu.memory_space<vmem>>) target_semaphore(%run_scoped3A : memref<!tpu.dma_semaphore, #tpu.memory_space<semaphore_mem>>)
      %dma_wait3A_118 = tpu.memref_slice %arg5[%add3A_108] : memref<10240xi32, #tpu.memory_space<hbm>> -> memref<128xi32, #tpu.memory_space<hbm>>
      %dma_wait3A_119 = tpu.memref_slice %arg5[%add3A_108] : memref<10240xi32, #tpu.memory_space<hbm>> -> memref<128xi32, #tpu.memory_space<hbm>>
      tpu.wait_dma2 semaphore(%run_scoped3A : memref<!tpu.dma_semaphore, #tpu.memory_space<semaphore_mem>>) src(%dma_wait3A_119 : memref<128xi32, #tpu.memory_space<hbm>>) dst(%arg12 : memref<128xi32, #tpu.memory_space<vmem>>)
      tpu.yield
    }) : () -> ()
    "tpu.region"() ({
      %run_scoped3A = tpu.sem_alloc : memref<!tpu.dma_semaphore, #tpu.memory_space<semaphore_mem>>
      %dma_start3A_116 = arith.constant 0 : i32
      %dma_start3A_117 = arith.constant 0 : i32
      %dma_start3A_118 = tpu.memref_slice %arg10[%dma_start3A_116, %dma_start3A_117] : memref<10240x128xf32, #tpu.memory_space<vmem_shared>> -> memref<10240x128xf32, #tpu.memory_space<vmem_shared>>
      tpu.enqueue_indirect_dma source(%dma_start3A_118 : memref<10240x128xf32, #tpu.memory_space<vmem_shared>>) target(%arg15 : memref<128x128xf32, #tpu.memory_space<vmem>>) offsets(%arg12 : memref<128xi32, #tpu.memory_space<vmem>>) semaphore(%run_scoped3A : memref<!tpu.dma_semaphore, #tpu.memory_space<semaphore_mem>>)
      %dma_wait3A_119 = arith.constant 0 : i32
      %dma_wait3A_120 = arith.constant 0 : i32
      %dma_wait3A_121 = tpu.memref_slice %arg10[%dma_wait3A_119, %dma_wait3A_120] : memref<10240x128xf32, #tpu.memory_space<vmem_shared>> -> memref<10240x128xf32, #tpu.memory_space<vmem_shared>>
      tpu.wait_indirect_dma semaphore(%run_scoped3A : memref<!tpu.dma_semaphore, #tpu.memory_space<semaphore_mem>>) src(%dma_wait3A_121 : memref<10240x128xf32, #tpu.memory_space<vmem_shared>>) dst(%arg15 : memref<128x128xf32, #tpu.memory_space<vmem>>)
      tpu.yield
    }) : () -> ()
    %add3A_109 = arith.constant 512 : i32
    %add3A_110 = arith.addi %add3A_90, %add3A_109 : i32
    "tpu.region"() ({
      %run_scoped3A = tpu.sem_alloc : memref<!tpu.dma_semaphore, #tpu.memory_space<semaphore_mem>>
      %dma_start3A_116 = arith.constant 0 : i32
      %dma_start3A_117 = tpu.memref_slice %arg8[%add3A_110, %dma_start3A_116] : memref<20480x128xf32, #tpu.memory_space<hbm>> -> memref<128x128xf32, #tpu.memory_space<hbm>>
      %dma_start3A_118 = arith.constant 0 : i32
      %dma_start3A_119 = tpu.memref_slice %arg8[%add3A_110, %dma_start3A_118] : memref<20480x128xf32, #tpu.memory_space<hbm>> -> memref<128x128xf32, #tpu.memory_space<hbm>>
      tpu.enqueue_dma source(%arg15 : memref<128x128xf32, #tpu.memory_space<vmem>>) target(%dma_start3A_119 : memref<128x128xf32, #tpu.memory_space<hbm>>) target_semaphore(%run_scoped3A : memref<!tpu.dma_semaphore, #tpu.memory_space<semaphore_mem>>)
      %dma_wait3A_120 = arith.constant 0 : i32
      %dma_wait3A_121 = tpu.memref_slice %arg8[%add3A_110, %dma_wait3A_120] : memref<20480x128xf32, #tpu.memory_space<hbm>> -> memref<128x128xf32, #tpu.memory_space<hbm>>
      %dma_wait3A_122 = arith.constant 0 : i32
      %dma_wait3A_123 = tpu.memref_slice %arg8[%add3A_110, %dma_wait3A_122] : memref<20480x128xf32, #tpu.memory_space<hbm>> -> memref<128x128xf32, #tpu.memory_space<hbm>>
      tpu.wait_dma2 semaphore(%run_scoped3A : memref<!tpu.dma_semaphore, #tpu.memory_space<semaphore_mem>>) src(%arg15 : memref<128x128xf32, #tpu.memory_space<vmem>>) dst(%dma_wait3A_123 : memref<128x128xf32, #tpu.memory_space<hbm>>)
      tpu.yield
    }) : () -> ()
    %eq3A_111 = arith.constant 0 : i32
    %eq3A_112 = arith.cmpi eq, %arg1, %eq3A_111 : i32
    %convert_element_type3A_113 = arith.extui %eq3A_112 : i1 to i32
    %cond3A_114 = arith.constant 0 : i32
    %cond3A_115 = arith.cmpi ne, %convert_element_type3A_113, %cond3A_114 : i32
    scf.if %cond3A_115 {
      "tpu.region"() ({
        %run_scoped3A = tpu.sem_alloc : memref<!tpu.dma_semaphore, #tpu.memory_space<semaphore_mem>>
        %dma_start3A_118 = arith.constant 0 : i32
        %dma_start3A_119 = tpu.memref_slice %arg5[%dma_start3A_118] : memref<10240xi32, #tpu.memory_space<hbm>> -> memref<128xi32, #tpu.memory_space<hbm>>
        %dma_start3A_120 = arith.constant 0 : i32
        %dma_start3A_121 = tpu.memref_slice %arg5[%dma_start3A_120] : memref<10240xi32, #tpu.memory_space<hbm>> -> memref<128xi32, #tpu.memory_space<hbm>>
        tpu.enqueue_dma source(%dma_start3A_121 : memref<128xi32, #tpu.memory_space<hbm>>) target(%arg12 : memref<128xi32, #tpu.memory_space<vmem>>) target_semaphore(%run_scoped3A : memref<!tpu.dma_semaphore, #tpu.memory_space<semaphore_mem>>)
        %dma_wait3A_122 = arith.constant 0 : i32
        %dma_wait3A_123 = tpu.memref_slice %arg5[%dma_wait3A_122] : memref<10240xi32, #tpu.memory_space<hbm>> -> memref<128xi32, #tpu.memory_space<hbm>>
        %dma_wait3A_124 = arith.constant 0 : i32
        %dma_wait3A_125 = tpu.memref_slice %arg5[%dma_wait3A_124] : memref<10240xi32, #tpu.memory_space<hbm>> -> memref<128xi32, #tpu.memory_space<hbm>>
        tpu.wait_dma2 semaphore(%run_scoped3A : memref<!tpu.dma_semaphore, #tpu.memory_space<semaphore_mem>>) src(%dma_wait3A_125 : memref<128xi32, #tpu.memory_space<hbm>>) dst(%arg12 : memref<128xi32, #tpu.memory_space<vmem>>)
        tpu.yield
      }) : () -> ()
      "tpu.region"() ({
        %run_scoped3A = tpu.sem_alloc : memref<!tpu.dma_semaphore, #tpu.memory_space<semaphore_mem>>
        %dma_start3A_118 = arith.constant 0 : i32
        %dma_start3A_119 = arith.constant 0 : i32
        %dma_start3A_120 = tpu.memref_slice %arg21[%dma_start3A_118, %dma_start3A_119] : memref<128x128xf32, #tpu.memory_space<vmem_shared>> -> memref<128x128xf32, #tpu.memory_space<vmem_shared>>
        tpu.enqueue_indirect_dma source(%dma_start3A_120 : memref<128x128xf32, #tpu.memory_space<vmem_shared>>) target(%arg15 : memref<128x128xf32, #tpu.memory_space<vmem>>) offsets(%arg12 : memref<128xi32, #tpu.memory_space<vmem>>) semaphore(%run_scoped3A : memref<!tpu.dma_semaphore, #tpu.memory_space<semaphore_mem>>)
        %dma_wait3A_121 = arith.constant 0 : i32
        %dma_wait3A_122 = arith.constant 0 : i32
        %dma_wait3A_123 = tpu.memref_slice %arg21[%dma_wait3A_121, %dma_wait3A_122] : memref<128x128xf32, #tpu.memory_space<vmem_shared>> -> memref<128x128xf32, #tpu.memory_space<vmem_shared>>
        tpu.wait_indirect_dma semaphore(%run_scoped3A : memref<!tpu.dma_semaphore, #tpu.memory_space<semaphore_mem>>) src(%dma_wait3A_123 : memref<128x128xf32, #tpu.memory_space<vmem_shared>>) dst(%arg15 : memref<128x128xf32, #tpu.memory_space<vmem>>)
        tpu.yield
      }) : () -> ()
      %mul3A_116 = arith.constant 128 : i32
      %mul3A_117 = arith.muli %arg0, %mul3A_116 : i32
      "tpu.region"() ({
        %run_scoped3A = tpu.sem_alloc : memref<!tpu.dma_semaphore, #tpu.memory_space<semaphore_mem>>
        %dma_start3A_118 = arith.constant 0 : i32
        %dma_start3A_119 = tpu.memref_slice %arg9[%mul3A_117, %dma_start3A_118] : memref<256x128xf32, #tpu.memory_space<hbm>> -> memref<128x128xf32, #tpu.memory_space<hbm>>
        %dma_start3A_120 = arith.constant 0 : i32
        %dma_start3A_121 = tpu.memref_slice %arg9[%mul3A_117, %dma_start3A_120] : memref<256x128xf32, #tpu.memory_space<hbm>> -> memref<128x128xf32, #tpu.memory_space<hbm>>
        tpu.enqueue_dma source(%arg15 : memref<128x128xf32, #tpu.memory_space<vmem>>) target(%dma_start3A_121 : memref<128x128xf32, #tpu.memory_space<hbm>>) target_semaphore(%run_scoped3A : memref<!tpu.dma_semaphore, #tpu.memory_space<semaphore_mem>>)
        %dma_wait3A_122 = arith.constant 0 : i32
        %dma_wait3A_123 = tpu.memref_slice %arg9[%mul3A_117, %dma_wait3A_122] : memref<256x128xf32, #tpu.memory_space<hbm>> -> memref<128x128xf32, #tpu.memory_space<hbm>>
        %dma_wait3A_124 = arith.constant 0 : i32
        %dma_wait3A_125 = tpu.memref_slice %arg9[%mul3A_117, %dma_wait3A_124] : memref<256x128xf32, #tpu.memory_space<hbm>> -> memref<128x128xf32, #tpu.memory_space<hbm>>
        tpu.wait_dma2 semaphore(%run_scoped3A : memref<!tpu.dma_semaphore, #tpu.memory_space<semaphore_mem>>) src(%arg15 : memref<128x128xf32, #tpu.memory_space<vmem>>) dst(%dma_wait3A_125 : memref<128x128xf32, #tpu.memory_space<hbm>>)
        tpu.yield
      }) : () -> ()
    } else {
    }
    return
  }
}

#map = affine_map<(d0, d1) -> (0, 0)>
#map1 = affine_map<(d0, d1) -> (0)>
module attributes {stable_mosaic.version = 14 : i64} {
  func.func @body(%arg0: i32, %arg1: i32, %arg2: memref<10240x128xf32, #tpu.memory_space<hbm>>, %arg3: memref<327680xi32, #tpu.memory_space<hbm>>, %arg4: memref<327680xi32, #tpu.memory_space<hbm>>, %arg5: memref<10240xi32, #tpu.memory_space<hbm>>, %arg6: memref<128x128xf32, #tpu.memory_space<hbm>>, %arg7: memref<20480x128xf32, #tpu.memory_space<hbm>>, %arg8: memref<10240x128xf32, #tpu.memory_space<vmem_shared>>, %arg9: memref<128xi32, #tpu.memory_space<vmem>>, %arg10: memref<128xi32, #tpu.memory_space<vmem>>, %arg11: memref<128xi32, #tpu.memory_space<vmem>>, %arg12: memref<128xi32, #tpu.memory_space<vmem>>, %arg13: memref<128x128xf32, #tpu.memory_space<vmem>>, %arg14: memref<128x128xf32, #tpu.memory_space<vmem>>, %arg15: memref<!tpu.dma_semaphore, #tpu.memory_space<semaphore_mem>>, %arg16: memref<!tpu.dma_semaphore, #tpu.memory_space<semaphore_mem>>, %arg17: memref<!tpu.dma_semaphore, #tpu.memory_space<semaphore_mem>>, %arg18: memref<!tpu.dma_semaphore, #tpu.memory_space<semaphore_mem>>) attributes {dimension_semantics = [#tpu.dimension_semantics<core_parallel>, #tpu.dimension_semantics<subcore_parallel>], iteration_bounds = array<i64: 2, 16>, scalar_prefetch = 0 : i64, scratch_operands = 11 : i64, tpu.core_type = #tpu.core_type<sc_vector_subcore>, window_params = [{transform_indices = #map}, {transform_indices = #map1}, {transform_indices = #map1}, {transform_indices = #map1}, {transform_indices = #map}, {transform_indices = #map}]} {
    %mul3A = arith.constant 16 : i32
    %mul3A_0 = arith.muli %arg0, %mul3A : i32
    %add3A = arith.addi %mul3A_0, %arg1 : i32
    %mul3A_1 = arith.constant 640 : i32
    %mul3A_2 = arith.muli %arg1, %mul3A_1 : i32
    "tpu.region"() ({
      %run_scoped3A = tpu.sem_alloc : memref<!tpu.dma_semaphore, #tpu.memory_space<semaphore_mem>>
      tpu.enqueue_dma source(%arg6 : memref<128x128xf32, #tpu.memory_space<hbm>>) target(%arg13 : memref<128x128xf32, #tpu.memory_space<vmem>>) target_semaphore(%run_scoped3A : memref<!tpu.dma_semaphore, #tpu.memory_space<semaphore_mem>>)
      tpu.wait_dma2 semaphore(%run_scoped3A : memref<!tpu.dma_semaphore, #tpu.memory_space<semaphore_mem>>) src(%arg6 : memref<128x128xf32, #tpu.memory_space<hbm>>) dst(%arg13 : memref<128x128xf32, #tpu.memory_space<vmem>>)
      tpu.yield
    }) : () -> ()
    %add3A_3 = arith.constant 0 : i32
    %add3A_4 = arith.addi %mul3A_2, %add3A_3 : i32
    "tpu.region"() ({
      %run_scoped3A = tpu.sem_alloc : memref<!tpu.dma_semaphore, #tpu.memory_space<semaphore_mem>>
      %dma_start3A_72 = tpu.memref_slice %arg5[%add3A_4] : memref<10240xi32, #tpu.memory_space<hbm>> -> memref<128xi32, #tpu.memory_space<hbm>>
      %dma_start3A_73 = tpu.memref_slice %arg5[%add3A_4] : memref<10240xi32, #tpu.memory_space<hbm>> -> memref<128xi32, #tpu.memory_space<hbm>>
      tpu.enqueue_dma source(%dma_start3A_73 : memref<128xi32, #tpu.memory_space<hbm>>) target(%arg10 : memref<128xi32, #tpu.memory_space<vmem>>) target_semaphore(%run_scoped3A : memref<!tpu.dma_semaphore, #tpu.memory_space<semaphore_mem>>)
      %dma_wait3A_74 = tpu.memref_slice %arg5[%add3A_4] : memref<10240xi32, #tpu.memory_space<hbm>> -> memref<128xi32, #tpu.memory_space<hbm>>
      %dma_wait3A_75 = tpu.memref_slice %arg5[%add3A_4] : memref<10240xi32, #tpu.memory_space<hbm>> -> memref<128xi32, #tpu.memory_space<hbm>>
      tpu.wait_dma2 semaphore(%run_scoped3A : memref<!tpu.dma_semaphore, #tpu.memory_space<semaphore_mem>>) src(%dma_wait3A_75 : memref<128xi32, #tpu.memory_space<hbm>>) dst(%arg10 : memref<128xi32, #tpu.memory_space<vmem>>)
      tpu.yield
    }) : () -> ()
    "tpu.region"() ({
      %run_scoped3A = tpu.sem_alloc : memref<!tpu.dma_semaphore, #tpu.memory_space<semaphore_mem>>
      %dma_start3A_72 = arith.constant 0 : i32
      %dma_start3A_73 = arith.constant 0 : i32
      %dma_start3A_74 = tpu.memref_slice %arg8[%dma_start3A_72, %dma_start3A_73] : memref<10240x128xf32, #tpu.memory_space<vmem_shared>> -> memref<10240x128xf32, #tpu.memory_space<vmem_shared>>
      tpu.enqueue_indirect_dma source(%arg13 : memref<128x128xf32, #tpu.memory_space<vmem>>) target(%dma_start3A_74 : memref<10240x128xf32, #tpu.memory_space<vmem_shared>>) offsets(%arg10 : memref<128xi32, #tpu.memory_space<vmem>>) semaphore(%run_scoped3A : memref<!tpu.dma_semaphore, #tpu.memory_space<semaphore_mem>>)
      %dma_wait3A_75 = arith.constant 0 : i32
      %dma_wait3A_76 = arith.constant 0 : i32
      %dma_wait3A_77 = tpu.memref_slice %arg8[%dma_wait3A_75, %dma_wait3A_76] : memref<10240x128xf32, #tpu.memory_space<vmem_shared>> -> memref<10240x128xf32, #tpu.memory_space<vmem_shared>>
      tpu.wait_indirect_dma semaphore(%run_scoped3A : memref<!tpu.dma_semaphore, #tpu.memory_space<semaphore_mem>>) src(%arg13 : memref<128x128xf32, #tpu.memory_space<vmem>>) dst(%dma_wait3A_77 : memref<10240x128xf32, #tpu.memory_space<vmem_shared>>)
      tpu.yield
    }) : () -> ()
    %add3A_5 = arith.constant 128 : i32
    %add3A_6 = arith.addi %mul3A_2, %add3A_5 : i32
    "tpu.region"() ({
      %run_scoped3A = tpu.sem_alloc : memref<!tpu.dma_semaphore, #tpu.memory_space<semaphore_mem>>
      %dma_start3A_72 = tpu.memref_slice %arg5[%add3A_6] : memref<10240xi32, #tpu.memory_space<hbm>> -> memref<128xi32, #tpu.memory_space<hbm>>
      %dma_start3A_73 = tpu.memref_slice %arg5[%add3A_6] : memref<10240xi32, #tpu.memory_space<hbm>> -> memref<128xi32, #tpu.memory_space<hbm>>
      tpu.enqueue_dma source(%dma_start3A_73 : memref<128xi32, #tpu.memory_space<hbm>>) target(%arg10 : memref<128xi32, #tpu.memory_space<vmem>>) target_semaphore(%run_scoped3A : memref<!tpu.dma_semaphore, #tpu.memory_space<semaphore_mem>>)
      %dma_wait3A_74 = tpu.memref_slice %arg5[%add3A_6] : memref<10240xi32, #tpu.memory_space<hbm>> -> memref<128xi32, #tpu.memory_space<hbm>>
      %dma_wait3A_75 = tpu.memref_slice %arg5[%add3A_6] : memref<10240xi32, #tpu.memory_space<hbm>> -> memref<128xi32, #tpu.memory_space<hbm>>
      tpu.wait_dma2 semaphore(%run_scoped3A : memref<!tpu.dma_semaphore, #tpu.memory_space<semaphore_mem>>) src(%dma_wait3A_75 : memref<128xi32, #tpu.memory_space<hbm>>) dst(%arg10 : memref<128xi32, #tpu.memory_space<vmem>>)
      tpu.yield
    }) : () -> ()
    "tpu.region"() ({
      %run_scoped3A = tpu.sem_alloc : memref<!tpu.dma_semaphore, #tpu.memory_space<semaphore_mem>>
      %dma_start3A_72 = arith.constant 0 : i32
      %dma_start3A_73 = arith.constant 0 : i32
      %dma_start3A_74 = tpu.memref_slice %arg8[%dma_start3A_72, %dma_start3A_73] : memref<10240x128xf32, #tpu.memory_space<vmem_shared>> -> memref<10240x128xf32, #tpu.memory_space<vmem_shared>>
      tpu.enqueue_indirect_dma source(%arg13 : memref<128x128xf32, #tpu.memory_space<vmem>>) target(%dma_start3A_74 : memref<10240x128xf32, #tpu.memory_space<vmem_shared>>) offsets(%arg10 : memref<128xi32, #tpu.memory_space<vmem>>) semaphore(%run_scoped3A : memref<!tpu.dma_semaphore, #tpu.memory_space<semaphore_mem>>)
      %dma_wait3A_75 = arith.constant 0 : i32
      %dma_wait3A_76 = arith.constant 0 : i32
      %dma_wait3A_77 = tpu.memref_slice %arg8[%dma_wait3A_75, %dma_wait3A_76] : memref<10240x128xf32, #tpu.memory_space<vmem_shared>> -> memref<10240x128xf32, #tpu.memory_space<vmem_shared>>
      tpu.wait_indirect_dma semaphore(%run_scoped3A : memref<!tpu.dma_semaphore, #tpu.memory_space<semaphore_mem>>) src(%arg13 : memref<128x128xf32, #tpu.memory_space<vmem>>) dst(%dma_wait3A_77 : memref<10240x128xf32, #tpu.memory_space<vmem_shared>>)
      tpu.yield
    }) : () -> ()
    %add3A_7 = arith.constant 256 : i32
    %add3A_8 = arith.addi %mul3A_2, %add3A_7 : i32
    "tpu.region"() ({
      %run_scoped3A = tpu.sem_alloc : memref<!tpu.dma_semaphore, #tpu.memory_space<semaphore_mem>>
      %dma_start3A_72 = tpu.memref_slice %arg5[%add3A_8] : memref<10240xi32, #tpu.memory_space<hbm>> -> memref<128xi32, #tpu.memory_space<hbm>>
      %dma_start3A_73 = tpu.memref_slice %arg5[%add3A_8] : memref<10240xi32, #tpu.memory_space<hbm>> -> memref<128xi32, #tpu.memory_space<hbm>>
      tpu.enqueue_dma source(%dma_start3A_73 : memref<128xi32, #tpu.memory_space<hbm>>) target(%arg10 : memref<128xi32, #tpu.memory_space<vmem>>) target_semaphore(%run_scoped3A : memref<!tpu.dma_semaphore, #tpu.memory_space<semaphore_mem>>)
      %dma_wait3A_74 = tpu.memref_slice %arg5[%add3A_8] : memref<10240xi32, #tpu.memory_space<hbm>> -> memref<128xi32, #tpu.memory_space<hbm>>
      %dma_wait3A_75 = tpu.memref_slice %arg5[%add3A_8] : memref<10240xi32, #tpu.memory_space<hbm>> -> memref<128xi32, #tpu.memory_space<hbm>>
      tpu.wait_dma2 semaphore(%run_scoped3A : memref<!tpu.dma_semaphore, #tpu.memory_space<semaphore_mem>>) src(%dma_wait3A_75 : memref<128xi32, #tpu.memory_space<hbm>>) dst(%arg10 : memref<128xi32, #tpu.memory_space<vmem>>)
      tpu.yield
    }) : () -> ()
    "tpu.region"() ({
      %run_scoped3A = tpu.sem_alloc : memref<!tpu.dma_semaphore, #tpu.memory_space<semaphore_mem>>
      %dma_start3A_72 = arith.constant 0 : i32
      %dma_start3A_73 = arith.constant 0 : i32
      %dma_start3A_74 = tpu.memref_slice %arg8[%dma_start3A_72, %dma_start3A_73] : memref<10240x128xf32, #tpu.memory_space<vmem_shared>> -> memref<10240x128xf32, #tpu.memory_space<vmem_shared>>
      tpu.enqueue_indirect_dma source(%arg13 : memref<128x128xf32, #tpu.memory_space<vmem>>) target(%dma_start3A_74 : memref<10240x128xf32, #tpu.memory_space<vmem_shared>>) offsets(%arg10 : memref<128xi32, #tpu.memory_space<vmem>>) semaphore(%run_scoped3A : memref<!tpu.dma_semaphore, #tpu.memory_space<semaphore_mem>>)
      %dma_wait3A_75 = arith.constant 0 : i32
      %dma_wait3A_76 = arith.constant 0 : i32
      %dma_wait3A_77 = tpu.memref_slice %arg8[%dma_wait3A_75, %dma_wait3A_76] : memref<10240x128xf32, #tpu.memory_space<vmem_shared>> -> memref<10240x128xf32, #tpu.memory_space<vmem_shared>>
      tpu.wait_indirect_dma semaphore(%run_scoped3A : memref<!tpu.dma_semaphore, #tpu.memory_space<semaphore_mem>>) src(%arg13 : memref<128x128xf32, #tpu.memory_space<vmem>>) dst(%dma_wait3A_77 : memref<10240x128xf32, #tpu.memory_space<vmem_shared>>)
      tpu.yield
    }) : () -> ()
    %add3A_9 = arith.constant 384 : i32
    %add3A_10 = arith.addi %mul3A_2, %add3A_9 : i32
    "tpu.region"() ({
      %run_scoped3A = tpu.sem_alloc : memref<!tpu.dma_semaphore, #tpu.memory_space<semaphore_mem>>
      %dma_start3A_72 = tpu.memref_slice %arg5[%add3A_10] : memref<10240xi32, #tpu.memory_space<hbm>> -> memref<128xi32, #tpu.memory_space<hbm>>
      %dma_start3A_73 = tpu.memref_slice %arg5[%add3A_10] : memref<10240xi32, #tpu.memory_space<hbm>> -> memref<128xi32, #tpu.memory_space<hbm>>
      tpu.enqueue_dma source(%dma_start3A_73 : memref<128xi32, #tpu.memory_space<hbm>>) target(%arg10 : memref<128xi32, #tpu.memory_space<vmem>>) target_semaphore(%run_scoped3A : memref<!tpu.dma_semaphore, #tpu.memory_space<semaphore_mem>>)
      %dma_wait3A_74 = tpu.memref_slice %arg5[%add3A_10] : memref<10240xi32, #tpu.memory_space<hbm>> -> memref<128xi32, #tpu.memory_space<hbm>>
      %dma_wait3A_75 = tpu.memref_slice %arg5[%add3A_10] : memref<10240xi32, #tpu.memory_space<hbm>> -> memref<128xi32, #tpu.memory_space<hbm>>
      tpu.wait_dma2 semaphore(%run_scoped3A : memref<!tpu.dma_semaphore, #tpu.memory_space<semaphore_mem>>) src(%dma_wait3A_75 : memref<128xi32, #tpu.memory_space<hbm>>) dst(%arg10 : memref<128xi32, #tpu.memory_space<vmem>>)
      tpu.yield
    }) : () -> ()
    "tpu.region"() ({
      %run_scoped3A = tpu.sem_alloc : memref<!tpu.dma_semaphore, #tpu.memory_space<semaphore_mem>>
      %dma_start3A_72 = arith.constant 0 : i32
      %dma_start3A_73 = arith.constant 0 : i32
      %dma_start3A_74 = tpu.memref_slice %arg8[%dma_start3A_72, %dma_start3A_73] : memref<10240x128xf32, #tpu.memory_space<vmem_shared>> -> memref<10240x128xf32, #tpu.memory_space<vmem_shared>>
      tpu.enqueue_indirect_dma source(%arg13 : memref<128x128xf32, #tpu.memory_space<vmem>>) target(%dma_start3A_74 : memref<10240x128xf32, #tpu.memory_space<vmem_shared>>) offsets(%arg10 : memref<128xi32, #tpu.memory_space<vmem>>) semaphore(%run_scoped3A : memref<!tpu.dma_semaphore, #tpu.memory_space<semaphore_mem>>)
      %dma_wait3A_75 = arith.constant 0 : i32
      %dma_wait3A_76 = arith.constant 0 : i32
      %dma_wait3A_77 = tpu.memref_slice %arg8[%dma_wait3A_75, %dma_wait3A_76] : memref<10240x128xf32, #tpu.memory_space<vmem_shared>> -> memref<10240x128xf32, #tpu.memory_space<vmem_shared>>
      tpu.wait_indirect_dma semaphore(%run_scoped3A : memref<!tpu.dma_semaphore, #tpu.memory_space<semaphore_mem>>) src(%arg13 : memref<128x128xf32, #tpu.memory_space<vmem>>) dst(%dma_wait3A_77 : memref<10240x128xf32, #tpu.memory_space<vmem_shared>>)
      tpu.yield
    }) : () -> ()
    %add3A_11 = arith.constant 512 : i32
    %add3A_12 = arith.addi %mul3A_2, %add3A_11 : i32
    "tpu.region"() ({
      %run_scoped3A = tpu.sem_alloc : memref<!tpu.dma_semaphore, #tpu.memory_space<semaphore_mem>>
      %dma_start3A_72 = tpu.memref_slice %arg5[%add3A_12] : memref<10240xi32, #tpu.memory_space<hbm>> -> memref<128xi32, #tpu.memory_space<hbm>>
      %dma_start3A_73 = tpu.memref_slice %arg5[%add3A_12] : memref<10240xi32, #tpu.memory_space<hbm>> -> memref<128xi32, #tpu.memory_space<hbm>>
      tpu.enqueue_dma source(%dma_start3A_73 : memref<128xi32, #tpu.memory_space<hbm>>) target(%arg10 : memref<128xi32, #tpu.memory_space<vmem>>) target_semaphore(%run_scoped3A : memref<!tpu.dma_semaphore, #tpu.memory_space<semaphore_mem>>)
      %dma_wait3A_74 = tpu.memref_slice %arg5[%add3A_12] : memref<10240xi32, #tpu.memory_space<hbm>> -> memref<128xi32, #tpu.memory_space<hbm>>
      %dma_wait3A_75 = tpu.memref_slice %arg5[%add3A_12] : memref<10240xi32, #tpu.memory_space<hbm>> -> memref<128xi32, #tpu.memory_space<hbm>>
      tpu.wait_dma2 semaphore(%run_scoped3A : memref<!tpu.dma_semaphore, #tpu.memory_space<semaphore_mem>>) src(%dma_wait3A_75 : memref<128xi32, #tpu.memory_space<hbm>>) dst(%arg10 : memref<128xi32, #tpu.memory_space<vmem>>)
      tpu.yield
    }) : () -> ()
    "tpu.region"() ({
      %run_scoped3A = tpu.sem_alloc : memref<!tpu.dma_semaphore, #tpu.memory_space<semaphore_mem>>
      %dma_start3A_72 = arith.constant 0 : i32
      %dma_start3A_73 = arith.constant 0 : i32
      %dma_start3A_74 = tpu.memref_slice %arg8[%dma_start3A_72, %dma_start3A_73] : memref<10240x128xf32, #tpu.memory_space<vmem_shared>> -> memref<10240x128xf32, #tpu.memory_space<vmem_shared>>
      tpu.enqueue_indirect_dma source(%arg13 : memref<128x128xf32, #tpu.memory_space<vmem>>) target(%dma_start3A_74 : memref<10240x128xf32, #tpu.memory_space<vmem_shared>>) offsets(%arg10 : memref<128xi32, #tpu.memory_space<vmem>>) semaphore(%run_scoped3A : memref<!tpu.dma_semaphore, #tpu.memory_space<semaphore_mem>>)
      %dma_wait3A_75 = arith.constant 0 : i32
      %dma_wait3A_76 = arith.constant 0 : i32
      %dma_wait3A_77 = tpu.memref_slice %arg8[%dma_wait3A_75, %dma_wait3A_76] : memref<10240x128xf32, #tpu.memory_space<vmem_shared>> -> memref<10240x128xf32, #tpu.memory_space<vmem_shared>>
      tpu.wait_indirect_dma semaphore(%run_scoped3A : memref<!tpu.dma_semaphore, #tpu.memory_space<semaphore_mem>>) src(%arg13 : memref<128x128xf32, #tpu.memory_space<vmem>>) dst(%dma_wait3A_77 : memref<10240x128xf32, #tpu.memory_space<vmem_shared>>)
      tpu.yield
    }) : () -> ()
    %barrier3A = arith.constant 0 : index
    tpu.barrier barrier_id(%barrier3A)
    %mul3A_13 = arith.constant 10240 : i32
    %mul3A_14 = arith.muli %add3A, %mul3A_13 : i32
    %broadcast_in_dim3A = arith.constant 1.000000e+00 : f32
    %broadcast_in_dim3A_15 = vector.broadcast %broadcast_in_dim3A : f32 to vector<16xf32>
    %add3A_16 = arith.constant 0 : i32
    %add3A_17 = arith.addi %mul3A_14, %add3A_16 : i32
    %multiple_of3A = tpu.assume_multiple %add3A_17, 128 : i32
    "tpu.region"() ({
      %run_scoped3A = tpu.sem_alloc : memref<!tpu.dma_semaphore, #tpu.memory_space<semaphore_mem>>
      %dma_start3A_72 = tpu.memref_slice %arg3[%multiple_of3A] : memref<327680xi32, #tpu.memory_space<hbm>> -> memref<128xi32, #tpu.memory_space<hbm>>
      %dma_start3A_73 = tpu.memref_slice %arg3[%multiple_of3A] : memref<327680xi32, #tpu.memory_space<hbm>> -> memref<128xi32, #tpu.memory_space<hbm>>
      tpu.enqueue_dma source(%dma_start3A_73 : memref<128xi32, #tpu.memory_space<hbm>>) target(%arg9 : memref<128xi32, #tpu.memory_space<vmem>>) target_semaphore(%run_scoped3A : memref<!tpu.dma_semaphore, #tpu.memory_space<semaphore_mem>>)
      %dma_wait3A_74 = tpu.memref_slice %arg3[%multiple_of3A] : memref<327680xi32, #tpu.memory_space<hbm>> -> memref<128xi32, #tpu.memory_space<hbm>>
      %dma_wait3A_75 = tpu.memref_slice %arg3[%multiple_of3A] : memref<327680xi32, #tpu.memory_space<hbm>> -> memref<128xi32, #tpu.memory_space<hbm>>
      tpu.wait_dma2 semaphore(%run_scoped3A : memref<!tpu.dma_semaphore, #tpu.memory_space<semaphore_mem>>) src(%dma_wait3A_75 : memref<128xi32, #tpu.memory_space<hbm>>) dst(%arg9 : memref<128xi32, #tpu.memory_space<vmem>>)
      tpu.yield
    }) : () -> ()
    "tpu.region"() ({
      %run_scoped3A = tpu.sem_alloc : memref<!tpu.dma_semaphore, #tpu.memory_space<semaphore_mem>>
      %dma_start3A_72 = tpu.memref_slice %arg4[%multiple_of3A] : memref<327680xi32, #tpu.memory_space<hbm>> -> memref<128xi32, #tpu.memory_space<hbm>>
      %dma_start3A_73 = tpu.memref_slice %arg4[%multiple_of3A] : memref<327680xi32, #tpu.memory_space<hbm>> -> memref<128xi32, #tpu.memory_space<hbm>>
      tpu.enqueue_dma source(%dma_start3A_73 : memref<128xi32, #tpu.memory_space<hbm>>) target(%arg10 : memref<128xi32, #tpu.memory_space<vmem>>) target_semaphore(%run_scoped3A : memref<!tpu.dma_semaphore, #tpu.memory_space<semaphore_mem>>)
      %dma_wait3A_74 = tpu.memref_slice %arg4[%multiple_of3A] : memref<327680xi32, #tpu.memory_space<hbm>> -> memref<128xi32, #tpu.memory_space<hbm>>
      %dma_wait3A_75 = tpu.memref_slice %arg4[%multiple_of3A] : memref<327680xi32, #tpu.memory_space<hbm>> -> memref<128xi32, #tpu.memory_space<hbm>>
      tpu.wait_dma2 semaphore(%run_scoped3A : memref<!tpu.dma_semaphore, #tpu.memory_space<semaphore_mem>>) src(%dma_wait3A_75 : memref<128xi32, #tpu.memory_space<hbm>>) dst(%arg10 : memref<128xi32, #tpu.memory_space<vmem>>)
      tpu.yield
    }) : () -> ()
    %dma_start3A = arith.constant 0 : i32
    %dma_start3A_18 = arith.constant 0 : i32
    %dma_start3A_19 = tpu.memref_slice %arg2[%dma_start3A, %dma_start3A_18] : memref<10240x128xf32, #tpu.memory_space<hbm>> -> memref<10240x128xf32, #tpu.memory_space<hbm>>
    tpu.enqueue_indirect_dma source(%dma_start3A_19 : memref<10240x128xf32, #tpu.memory_space<hbm>>) target(%arg13 : memref<128x128xf32, #tpu.memory_space<vmem>>) offsets(%arg9 : memref<128xi32, #tpu.memory_space<vmem>>) semaphore(%arg15 : memref<!tpu.dma_semaphore, #tpu.memory_space<semaphore_mem>>)
    %add3A_20 = arith.constant 128 : i32
    %add3A_21 = arith.addi %mul3A_14, %add3A_20 : i32
    %multiple_of3A_22 = tpu.assume_multiple %add3A_21, 128 : i32
    "tpu.region"() ({
      %run_scoped3A = tpu.sem_alloc : memref<!tpu.dma_semaphore, #tpu.memory_space<semaphore_mem>>
      %dma_start3A_72 = tpu.memref_slice %arg3[%multiple_of3A_22] : memref<327680xi32, #tpu.memory_space<hbm>> -> memref<128xi32, #tpu.memory_space<hbm>>
      %dma_start3A_73 = tpu.memref_slice %arg3[%multiple_of3A_22] : memref<327680xi32, #tpu.memory_space<hbm>> -> memref<128xi32, #tpu.memory_space<hbm>>
      tpu.enqueue_dma source(%dma_start3A_73 : memref<128xi32, #tpu.memory_space<hbm>>) target(%arg11 : memref<128xi32, #tpu.memory_space<vmem>>) target_semaphore(%run_scoped3A : memref<!tpu.dma_semaphore, #tpu.memory_space<semaphore_mem>>)
      %dma_wait3A_74 = tpu.memref_slice %arg3[%multiple_of3A_22] : memref<327680xi32, #tpu.memory_space<hbm>> -> memref<128xi32, #tpu.memory_space<hbm>>
      %dma_wait3A_75 = tpu.memref_slice %arg3[%multiple_of3A_22] : memref<327680xi32, #tpu.memory_space<hbm>> -> memref<128xi32, #tpu.memory_space<hbm>>
      tpu.wait_dma2 semaphore(%run_scoped3A : memref<!tpu.dma_semaphore, #tpu.memory_space<semaphore_mem>>) src(%dma_wait3A_75 : memref<128xi32, #tpu.memory_space<hbm>>) dst(%arg11 : memref<128xi32, #tpu.memory_space<vmem>>)
      tpu.yield
    }) : () -> ()
    "tpu.region"() ({
      %run_scoped3A = tpu.sem_alloc : memref<!tpu.dma_semaphore, #tpu.memory_space<semaphore_mem>>
      %dma_start3A_72 = tpu.memref_slice %arg4[%multiple_of3A_22] : memref<327680xi32, #tpu.memory_space<hbm>> -> memref<128xi32, #tpu.memory_space<hbm>>
      %dma_start3A_73 = tpu.memref_slice %arg4[%multiple_of3A_22] : memref<327680xi32, #tpu.memory_space<hbm>> -> memref<128xi32, #tpu.memory_space<hbm>>
      tpu.enqueue_dma source(%dma_start3A_73 : memref<128xi32, #tpu.memory_space<hbm>>) target(%arg12 : memref<128xi32, #tpu.memory_space<vmem>>) target_semaphore(%run_scoped3A : memref<!tpu.dma_semaphore, #tpu.memory_space<semaphore_mem>>)
      %dma_wait3A_74 = tpu.memref_slice %arg4[%multiple_of3A_22] : memref<327680xi32, #tpu.memory_space<hbm>> -> memref<128xi32, #tpu.memory_space<hbm>>
      %dma_wait3A_75 = tpu.memref_slice %arg4[%multiple_of3A_22] : memref<327680xi32, #tpu.memory_space<hbm>> -> memref<128xi32, #tpu.memory_space<hbm>>
      tpu.wait_dma2 semaphore(%run_scoped3A : memref<!tpu.dma_semaphore, #tpu.memory_space<semaphore_mem>>) src(%dma_wait3A_75 : memref<128xi32, #tpu.memory_space<hbm>>) dst(%arg12 : memref<128xi32, #tpu.memory_space<vmem>>)
      tpu.yield
    }) : () -> ()
    %dma_start3A_23 = arith.constant 0 : i32
    %dma_start3A_24 = arith.constant 0 : i32
    %dma_start3A_25 = tpu.memref_slice %arg2[%dma_start3A_23, %dma_start3A_24] : memref<10240x128xf32, #tpu.memory_space<hbm>> -> memref<10240x128xf32, #tpu.memory_space<hbm>>
    tpu.enqueue_indirect_dma source(%dma_start3A_25 : memref<10240x128xf32, #tpu.memory_space<hbm>>) target(%arg14 : memref<128x128xf32, #tpu.memory_space<vmem>>) offsets(%arg11 : memref<128xi32, #tpu.memory_space<vmem>>) semaphore(%arg16 : memref<!tpu.dma_semaphore, #tpu.memory_space<semaphore_mem>>)
    %scan3A = arith.constant 0 : i32
    %scan3A_26 = arith.constant 0 : i32
    %scan3A_27 = arith.constant 39 : i32
    %scan3A_28 = arith.addi %scan3A_26, %scan3A_27 : i32
    %scan3A_29 = arith.constant 1 : i32
    scf.for %scan3A_72 = %scan3A_26 to %scan3A_28 step %scan3A_29  : i32 {
      %mul3A_73 = arith.constant 2 : i32
      %mul3A_74 = arith.muli %mul3A_73, %scan3A_72 : i32
      %dma_wait3A_75 = arith.constant 0 : i32
      %dma_wait3A_76 = arith.constant 0 : i32
      %dma_wait3A_77 = tpu.memref_slice %arg2[%dma_wait3A_75, %dma_wait3A_76] : memref<10240x128xf32, #tpu.memory_space<hbm>> -> memref<10240x128xf32, #tpu.memory_space<hbm>>
      tpu.wait_indirect_dma semaphore(%arg15 : memref<!tpu.dma_semaphore, #tpu.memory_space<semaphore_mem>>) src(%dma_wait3A_77 : memref<10240x128xf32, #tpu.memory_space<hbm>>) dst(%arg13 : memref<128x128xf32, #tpu.memory_space<vmem>>)
      %dma_start3A_78 = arith.constant 0 : i32
      %dma_start3A_79 = arith.constant 0 : i32
      %dma_start3A_80 = tpu.memref_slice %arg8[%dma_start3A_78, %dma_start3A_79] : memref<10240x128xf32, #tpu.memory_space<vmem_shared>> -> memref<10240x128xf32, #tpu.memory_space<vmem_shared>>
      tpu.enqueue_indirect_dma source(%arg13 : memref<128x128xf32, #tpu.memory_space<vmem>>) target(%dma_start3A_80 : memref<10240x128xf32, #tpu.memory_space<vmem_shared>>) offsets(%arg10 : memref<128xi32, #tpu.memory_space<vmem>>) semaphore(%arg17 : memref<!tpu.dma_semaphore, #tpu.memory_space<semaphore_mem>>) {add = true}
      %dma_wait3A_81 = arith.constant 0 : i32
      %dma_wait3A_82 = arith.constant 0 : i32
      %dma_wait3A_83 = tpu.memref_slice %arg2[%dma_wait3A_81, %dma_wait3A_82] : memref<10240x128xf32, #tpu.memory_space<hbm>> -> memref<10240x128xf32, #tpu.memory_space<hbm>>
      tpu.wait_indirect_dma semaphore(%arg16 : memref<!tpu.dma_semaphore, #tpu.memory_space<semaphore_mem>>) src(%dma_wait3A_83 : memref<10240x128xf32, #tpu.memory_space<hbm>>) dst(%arg14 : memref<128x128xf32, #tpu.memory_space<vmem>>)
      %dma_start3A_84 = arith.constant 0 : i32
      %dma_start3A_85 = arith.constant 0 : i32
      %dma_start3A_86 = tpu.memref_slice %arg8[%dma_start3A_84, %dma_start3A_85] : memref<10240x128xf32, #tpu.memory_space<vmem_shared>> -> memref<10240x128xf32, #tpu.memory_space<vmem_shared>>
      tpu.enqueue_indirect_dma source(%arg14 : memref<128x128xf32, #tpu.memory_space<vmem>>) target(%dma_start3A_86 : memref<10240x128xf32, #tpu.memory_space<vmem_shared>>) offsets(%arg12 : memref<128xi32, #tpu.memory_space<vmem>>) semaphore(%arg18 : memref<!tpu.dma_semaphore, #tpu.memory_space<semaphore_mem>>) {add = true}
      %dma_wait3A_87 = arith.constant 0 : i32
      %dma_wait3A_88 = arith.constant 0 : i32
      %dma_wait3A_89 = tpu.memref_slice %arg8[%dma_wait3A_87, %dma_wait3A_88] : memref<10240x128xf32, #tpu.memory_space<vmem_shared>> -> memref<10240x128xf32, #tpu.memory_space<vmem_shared>>
      tpu.wait_indirect_dma semaphore(%arg17 : memref<!tpu.dma_semaphore, #tpu.memory_space<semaphore_mem>>) src(%arg13 : memref<128x128xf32, #tpu.memory_space<vmem>>) dst(%dma_wait3A_89 : memref<10240x128xf32, #tpu.memory_space<vmem_shared>>)
      %add3A_90 = arith.constant 2 : i32
      %add3A_91 = arith.addi %mul3A_74, %add3A_90 : i32
      %mul3A_92 = arith.constant 128 : i32
      %mul3A_93 = arith.muli %add3A_91, %mul3A_92 : i32
      %add3A_94 = arith.addi %mul3A_14, %mul3A_93 : i32
      %multiple_of3A_95 = tpu.assume_multiple %add3A_94, 128 : i32
      "tpu.region"() ({
        %run_scoped3A = tpu.sem_alloc : memref<!tpu.dma_semaphore, #tpu.memory_space<semaphore_mem>>
        %dma_start3A_111 = tpu.memref_slice %arg3[%multiple_of3A_95] : memref<327680xi32, #tpu.memory_space<hbm>> -> memref<128xi32, #tpu.memory_space<hbm>>
        %dma_start3A_112 = tpu.memref_slice %arg3[%multiple_of3A_95] : memref<327680xi32, #tpu.memory_space<hbm>> -> memref<128xi32, #tpu.memory_space<hbm>>
        tpu.enqueue_dma source(%dma_start3A_112 : memref<128xi32, #tpu.memory_space<hbm>>) target(%arg9 : memref<128xi32, #tpu.memory_space<vmem>>) target_semaphore(%run_scoped3A : memref<!tpu.dma_semaphore, #tpu.memory_space<semaphore_mem>>)
        %dma_wait3A_113 = tpu.memref_slice %arg3[%multiple_of3A_95] : memref<327680xi32, #tpu.memory_space<hbm>> -> memref<128xi32, #tpu.memory_space<hbm>>
        %dma_wait3A_114 = tpu.memref_slice %arg3[%multiple_of3A_95] : memref<327680xi32, #tpu.memory_space<hbm>> -> memref<128xi32, #tpu.memory_space<hbm>>
        tpu.wait_dma2 semaphore(%run_scoped3A : memref<!tpu.dma_semaphore, #tpu.memory_space<semaphore_mem>>) src(%dma_wait3A_114 : memref<128xi32, #tpu.memory_space<hbm>>) dst(%arg9 : memref<128xi32, #tpu.memory_space<vmem>>)
        tpu.yield
      }) : () -> ()
      "tpu.region"() ({
        %run_scoped3A = tpu.sem_alloc : memref<!tpu.dma_semaphore, #tpu.memory_space<semaphore_mem>>
        %dma_start3A_111 = tpu.memref_slice %arg4[%multiple_of3A_95] : memref<327680xi32, #tpu.memory_space<hbm>> -> memref<128xi32, #tpu.memory_space<hbm>>
        %dma_start3A_112 = tpu.memref_slice %arg4[%multiple_of3A_95] : memref<327680xi32, #tpu.memory_space<hbm>> -> memref<128xi32, #tpu.memory_space<hbm>>
        tpu.enqueue_dma source(%dma_start3A_112 : memref<128xi32, #tpu.memory_space<hbm>>) target(%arg10 : memref<128xi32, #tpu.memory_space<vmem>>) target_semaphore(%run_scoped3A : memref<!tpu.dma_semaphore, #tpu.memory_space<semaphore_mem>>)
        %dma_wait3A_113 = tpu.memref_slice %arg4[%multiple_of3A_95] : memref<327680xi32, #tpu.memory_space<hbm>> -> memref<128xi32, #tpu.memory_space<hbm>>
        %dma_wait3A_114 = tpu.memref_slice %arg4[%multiple_of3A_95] : memref<327680xi32, #tpu.memory_space<hbm>> -> memref<128xi32, #tpu.memory_space<hbm>>
        tpu.wait_dma2 semaphore(%run_scoped3A : memref<!tpu.dma_semaphore, #tpu.memory_space<semaphore_mem>>) src(%dma_wait3A_114 : memref<128xi32, #tpu.memory_space<hbm>>) dst(%arg10 : memref<128xi32, #tpu.memory_space<vmem>>)
        tpu.yield
      }) : () -> ()
      %dma_start3A_96 = arith.constant 0 : i32
      %dma_start3A_97 = arith.constant 0 : i32
      %dma_start3A_98 = tpu.memref_slice %arg2[%dma_start3A_96, %dma_start3A_97] : memref<10240x128xf32, #tpu.memory_space<hbm>> -> memref<10240x128xf32, #tpu.memory_space<hbm>>
      tpu.enqueue_indirect_dma source(%dma_start3A_98 : memref<10240x128xf32, #tpu.memory_space<hbm>>) target(%arg13 : memref<128x128xf32, #tpu.memory_space<vmem>>) offsets(%arg9 : memref<128xi32, #tpu.memory_space<vmem>>) semaphore(%arg15 : memref<!tpu.dma_semaphore, #tpu.memory_space<semaphore_mem>>)
      %dma_wait3A_99 = arith.constant 0 : i32
      %dma_wait3A_100 = arith.constant 0 : i32
      %dma_wait3A_101 = tpu.memref_slice %arg8[%dma_wait3A_99, %dma_wait3A_100] : memref<10240x128xf32, #tpu.memory_space<vmem_shared>> -> memref<10240x128xf32, #tpu.memory_space<vmem_shared>>
      tpu.wait_indirect_dma semaphore(%arg18 : memref<!tpu.dma_semaphore, #tpu.memory_space<semaphore_mem>>) src(%arg14 : memref<128x128xf32, #tpu.memory_space<vmem>>) dst(%dma_wait3A_101 : memref<10240x128xf32, #tpu.memory_space<vmem_shared>>)
      %add3A_102 = arith.constant 3 : i32
      %add3A_103 = arith.addi %mul3A_74, %add3A_102 : i32
      %mul3A_104 = arith.constant 128 : i32
      %mul3A_105 = arith.muli %add3A_103, %mul3A_104 : i32
      %add3A_106 = arith.addi %mul3A_14, %mul3A_105 : i32
      %multiple_of3A_107 = tpu.assume_multiple %add3A_106, 128 : i32
      "tpu.region"() ({
        %run_scoped3A = tpu.sem_alloc : memref<!tpu.dma_semaphore, #tpu.memory_space<semaphore_mem>>
        %dma_start3A_111 = tpu.memref_slice %arg3[%multiple_of3A_107] : memref<327680xi32, #tpu.memory_space<hbm>> -> memref<128xi32, #tpu.memory_space<hbm>>
        %dma_start3A_112 = tpu.memref_slice %arg3[%multiple_of3A_107] : memref<327680xi32, #tpu.memory_space<hbm>> -> memref<128xi32, #tpu.memory_space<hbm>>
        tpu.enqueue_dma source(%dma_start3A_112 : memref<128xi32, #tpu.memory_space<hbm>>) target(%arg11 : memref<128xi32, #tpu.memory_space<vmem>>) target_semaphore(%run_scoped3A : memref<!tpu.dma_semaphore, #tpu.memory_space<semaphore_mem>>)
        %dma_wait3A_113 = tpu.memref_slice %arg3[%multiple_of3A_107] : memref<327680xi32, #tpu.memory_space<hbm>> -> memref<128xi32, #tpu.memory_space<hbm>>
        %dma_wait3A_114 = tpu.memref_slice %arg3[%multiple_of3A_107] : memref<327680xi32, #tpu.memory_space<hbm>> -> memref<128xi32, #tpu.memory_space<hbm>>
        tpu.wait_dma2 semaphore(%run_scoped3A : memref<!tpu.dma_semaphore, #tpu.memory_space<semaphore_mem>>) src(%dma_wait3A_114 : memref<128xi32, #tpu.memory_space<hbm>>) dst(%arg11 : memref<128xi32, #tpu.memory_space<vmem>>)
        tpu.yield
      }) : () -> ()
      "tpu.region"() ({
        %run_scoped3A = tpu.sem_alloc : memref<!tpu.dma_semaphore, #tpu.memory_space<semaphore_mem>>
        %dma_start3A_111 = tpu.memref_slice %arg4[%multiple_of3A_107] : memref<327680xi32, #tpu.memory_space<hbm>> -> memref<128xi32, #tpu.memory_space<hbm>>
        %dma_start3A_112 = tpu.memref_slice %arg4[%multiple_of3A_107] : memref<327680xi32, #tpu.memory_space<hbm>> -> memref<128xi32, #tpu.memory_space<hbm>>
        tpu.enqueue_dma source(%dma_start3A_112 : memref<128xi32, #tpu.memory_space<hbm>>) target(%arg12 : memref<128xi32, #tpu.memory_space<vmem>>) target_semaphore(%run_scoped3A : memref<!tpu.dma_semaphore, #tpu.memory_space<semaphore_mem>>)
        %dma_wait3A_113 = tpu.memref_slice %arg4[%multiple_of3A_107] : memref<327680xi32, #tpu.memory_space<hbm>> -> memref<128xi32, #tpu.memory_space<hbm>>
        %dma_wait3A_114 = tpu.memref_slice %arg4[%multiple_of3A_107] : memref<327680xi32, #tpu.memory_space<hbm>> -> memref<128xi32, #tpu.memory_space<hbm>>
        tpu.wait_dma2 semaphore(%run_scoped3A : memref<!tpu.dma_semaphore, #tpu.memory_space<semaphore_mem>>) src(%dma_wait3A_114 : memref<128xi32, #tpu.memory_space<hbm>>) dst(%arg12 : memref<128xi32, #tpu.memory_space<vmem>>)
        tpu.yield
      }) : () -> ()
      %dma_start3A_108 = arith.constant 0 : i32
      %dma_start3A_109 = arith.constant 0 : i32
      %dma_start3A_110 = tpu.memref_slice %arg2[%dma_start3A_108, %dma_start3A_109] : memref<10240x128xf32, #tpu.memory_space<hbm>> -> memref<10240x128xf32, #tpu.memory_space<hbm>>
      tpu.enqueue_indirect_dma source(%dma_start3A_110 : memref<10240x128xf32, #tpu.memory_space<hbm>>) target(%arg14 : memref<128x128xf32, #tpu.memory_space<vmem>>) offsets(%arg11 : memref<128xi32, #tpu.memory_space<vmem>>) semaphore(%arg16 : memref<!tpu.dma_semaphore, #tpu.memory_space<semaphore_mem>>)
    }
    %scan3A_30 = arith.constant 39 : i32
    %dma_wait3A = arith.constant 0 : i32
    %dma_wait3A_31 = arith.constant 0 : i32
    %dma_wait3A_32 = tpu.memref_slice %arg2[%dma_wait3A, %dma_wait3A_31] : memref<10240x128xf32, #tpu.memory_space<hbm>> -> memref<10240x128xf32, #tpu.memory_space<hbm>>
    tpu.wait_indirect_dma semaphore(%arg15 : memref<!tpu.dma_semaphore, #tpu.memory_space<semaphore_mem>>) src(%dma_wait3A_32 : memref<10240x128xf32, #tpu.memory_space<hbm>>) dst(%arg13 : memref<128x128xf32, #tpu.memory_space<vmem>>)
    %dma_start3A_33 = arith.constant 0 : i32
    %dma_start3A_34 = arith.constant 0 : i32
    %dma_start3A_35 = tpu.memref_slice %arg8[%dma_start3A_33, %dma_start3A_34] : memref<10240x128xf32, #tpu.memory_space<vmem_shared>> -> memref<10240x128xf32, #tpu.memory_space<vmem_shared>>
    tpu.enqueue_indirect_dma source(%arg13 : memref<128x128xf32, #tpu.memory_space<vmem>>) target(%dma_start3A_35 : memref<10240x128xf32, #tpu.memory_space<vmem_shared>>) offsets(%arg10 : memref<128xi32, #tpu.memory_space<vmem>>) semaphore(%arg17 : memref<!tpu.dma_semaphore, #tpu.memory_space<semaphore_mem>>) {add = true}
    %dma_wait3A_36 = arith.constant 0 : i32
    %dma_wait3A_37 = arith.constant 0 : i32
    %dma_wait3A_38 = tpu.memref_slice %arg2[%dma_wait3A_36, %dma_wait3A_37] : memref<10240x128xf32, #tpu.memory_space<hbm>> -> memref<10240x128xf32, #tpu.memory_space<hbm>>
    tpu.wait_indirect_dma semaphore(%arg16 : memref<!tpu.dma_semaphore, #tpu.memory_space<semaphore_mem>>) src(%dma_wait3A_38 : memref<10240x128xf32, #tpu.memory_space<hbm>>) dst(%arg14 : memref<128x128xf32, #tpu.memory_space<vmem>>)
    %dma_start3A_39 = arith.constant 0 : i32
    %dma_start3A_40 = arith.constant 0 : i32
    %dma_start3A_41 = tpu.memref_slice %arg8[%dma_start3A_39, %dma_start3A_40] : memref<10240x128xf32, #tpu.memory_space<vmem_shared>> -> memref<10240x128xf32, #tpu.memory_space<vmem_shared>>
    tpu.enqueue_indirect_dma source(%arg14 : memref<128x128xf32, #tpu.memory_space<vmem>>) target(%dma_start3A_41 : memref<10240x128xf32, #tpu.memory_space<vmem_shared>>) offsets(%arg12 : memref<128xi32, #tpu.memory_space<vmem>>) semaphore(%arg18 : memref<!tpu.dma_semaphore, #tpu.memory_space<semaphore_mem>>) {add = true}
    %dma_wait3A_42 = arith.constant 0 : i32
    %dma_wait3A_43 = arith.constant 0 : i32
    %dma_wait3A_44 = tpu.memref_slice %arg8[%dma_wait3A_42, %dma_wait3A_43] : memref<10240x128xf32, #tpu.memory_space<vmem_shared>> -> memref<10240x128xf32, #tpu.memory_space<vmem_shared>>
    tpu.wait_indirect_dma semaphore(%arg17 : memref<!tpu.dma_semaphore, #tpu.memory_space<semaphore_mem>>) src(%arg13 : memref<128x128xf32, #tpu.memory_space<vmem>>) dst(%dma_wait3A_44 : memref<10240x128xf32, #tpu.memory_space<vmem_shared>>)
    %dma_wait3A_45 = arith.constant 0 : i32
    %dma_wait3A_46 = arith.constant 0 : i32
    %dma_wait3A_47 = tpu.memref_slice %arg8[%dma_wait3A_45, %dma_wait3A_46] : memref<10240x128xf32, #tpu.memory_space<vmem_shared>> -> memref<10240x128xf32, #tpu.memory_space<vmem_shared>>
    tpu.wait_indirect_dma semaphore(%arg18 : memref<!tpu.dma_semaphore, #tpu.memory_space<semaphore_mem>>) src(%arg14 : memref<128x128xf32, #tpu.memory_space<vmem>>) dst(%dma_wait3A_47 : memref<10240x128xf32, #tpu.memory_space<vmem_shared>>)
    %barrier3A_48 = arith.constant 0 : index
    tpu.barrier barrier_id(%barrier3A_48)
    %mul3A_49 = arith.constant 10240 : i32
    %mul3A_50 = arith.muli %arg0, %mul3A_49 : i32
    %add3A_51 = arith.addi %mul3A_50, %mul3A_2 : i32
    %add3A_52 = arith.constant 0 : i32
    %add3A_53 = arith.addi %mul3A_2, %add3A_52 : i32
    "tpu.region"() ({
      %run_scoped3A = tpu.sem_alloc : memref<!tpu.dma_semaphore, #tpu.memory_space<semaphore_mem>>
      %dma_start3A_72 = tpu.memref_slice %arg5[%add3A_53] : memref<10240xi32, #tpu.memory_space<hbm>> -> memref<128xi32, #tpu.memory_space<hbm>>
      %dma_start3A_73 = tpu.memref_slice %arg5[%add3A_53] : memref<10240xi32, #tpu.memory_space<hbm>> -> memref<128xi32, #tpu.memory_space<hbm>>
      tpu.enqueue_dma source(%dma_start3A_73 : memref<128xi32, #tpu.memory_space<hbm>>) target(%arg10 : memref<128xi32, #tpu.memory_space<vmem>>) target_semaphore(%run_scoped3A : memref<!tpu.dma_semaphore, #tpu.memory_space<semaphore_mem>>)
      %dma_wait3A_74 = tpu.memref_slice %arg5[%add3A_53] : memref<10240xi32, #tpu.memory_space<hbm>> -> memref<128xi32, #tpu.memory_space<hbm>>
      %dma_wait3A_75 = tpu.memref_slice %arg5[%add3A_53] : memref<10240xi32, #tpu.memory_space<hbm>> -> memref<128xi32, #tpu.memory_space<hbm>>
      tpu.wait_dma2 semaphore(%run_scoped3A : memref<!tpu.dma_semaphore, #tpu.memory_space<semaphore_mem>>) src(%dma_wait3A_75 : memref<128xi32, #tpu.memory_space<hbm>>) dst(%arg10 : memref<128xi32, #tpu.memory_space<vmem>>)
      tpu.yield
    }) : () -> ()
    "tpu.region"() ({
      %run_scoped3A = tpu.sem_alloc : memref<!tpu.dma_semaphore, #tpu.memory_space<semaphore_mem>>
      %dma_start3A_72 = arith.constant 0 : i32
      %dma_start3A_73 = arith.constant 0 : i32
      %dma_start3A_74 = tpu.memref_slice %arg8[%dma_start3A_72, %dma_start3A_73] : memref<10240x128xf32, #tpu.memory_space<vmem_shared>> -> memref<10240x128xf32, #tpu.memory_space<vmem_shared>>
      tpu.enqueue_indirect_dma source(%dma_start3A_74 : memref<10240x128xf32, #tpu.memory_space<vmem_shared>>) target(%arg13 : memref<128x128xf32, #tpu.memory_space<vmem>>) offsets(%arg10 : memref<128xi32, #tpu.memory_space<vmem>>) semaphore(%run_scoped3A : memref<!tpu.dma_semaphore, #tpu.memory_space<semaphore_mem>>)
      %dma_wait3A_75 = arith.constant 0 : i32
      %dma_wait3A_76 = arith.constant 0 : i32
      %dma_wait3A_77 = tpu.memref_slice %arg8[%dma_wait3A_75, %dma_wait3A_76] : memref<10240x128xf32, #tpu.memory_space<vmem_shared>> -> memref<10240x128xf32, #tpu.memory_space<vmem_shared>>
      tpu.wait_indirect_dma semaphore(%run_scoped3A : memref<!tpu.dma_semaphore, #tpu.memory_space<semaphore_mem>>) src(%dma_wait3A_77 : memref<10240x128xf32, #tpu.memory_space<vmem_shared>>) dst(%arg13 : memref<128x128xf32, #tpu.memory_space<vmem>>)
      tpu.yield
    }) : () -> ()
    %add3A_54 = arith.constant 0 : i32
    %add3A_55 = arith.addi %add3A_51, %add3A_54 : i32
    "tpu.region"() ({
      %run_scoped3A = tpu.sem_alloc : memref<!tpu.dma_semaphore, #tpu.memory_space<semaphore_mem>>
      %dma_start3A_72 = arith.constant 0 : i32
      %dma_start3A_73 = tpu.memref_slice %arg7[%add3A_55, %dma_start3A_72] : memref<20480x128xf32, #tpu.memory_space<hbm>> -> memref<128x128xf32, #tpu.memory_space<hbm>>
      %dma_start3A_74 = arith.constant 0 : i32
      %dma_start3A_75 = tpu.memref_slice %arg7[%add3A_55, %dma_start3A_74] : memref<20480x128xf32, #tpu.memory_space<hbm>> -> memref<128x128xf32, #tpu.memory_space<hbm>>
      tpu.enqueue_dma source(%arg13 : memref<128x128xf32, #tpu.memory_space<vmem>>) target(%dma_start3A_75 : memref<128x128xf32, #tpu.memory_space<hbm>>) target_semaphore(%run_scoped3A : memref<!tpu.dma_semaphore, #tpu.memory_space<semaphore_mem>>)
      %dma_wait3A_76 = arith.constant 0 : i32
      %dma_wait3A_77 = tpu.memref_slice %arg7[%add3A_55, %dma_wait3A_76] : memref<20480x128xf32, #tpu.memory_space<hbm>> -> memref<128x128xf32, #tpu.memory_space<hbm>>
      %dma_wait3A_78 = arith.constant 0 : i32
      %dma_wait3A_79 = tpu.memref_slice %arg7[%add3A_55, %dma_wait3A_78] : memref<20480x128xf32, #tpu.memory_space<hbm>> -> memref<128x128xf32, #tpu.memory_space<hbm>>
      tpu.wait_dma2 semaphore(%run_scoped3A : memref<!tpu.dma_semaphore, #tpu.memory_space<semaphore_mem>>) src(%arg13 : memref<128x128xf32, #tpu.memory_space<vmem>>) dst(%dma_wait3A_79 : memref<128x128xf32, #tpu.memory_space<hbm>>)
      tpu.yield
    }) : () -> ()
    %add3A_56 = arith.constant 128 : i32
    %add3A_57 = arith.addi %mul3A_2, %add3A_56 : i32
    "tpu.region"() ({
      %run_scoped3A = tpu.sem_alloc : memref<!tpu.dma_semaphore, #tpu.memory_space<semaphore_mem>>
      %dma_start3A_72 = tpu.memref_slice %arg5[%add3A_57] : memref<10240xi32, #tpu.memory_space<hbm>> -> memref<128xi32, #tpu.memory_space<hbm>>
      %dma_start3A_73 = tpu.memref_slice %arg5[%add3A_57] : memref<10240xi32, #tpu.memory_space<hbm>> -> memref<128xi32, #tpu.memory_space<hbm>>
      tpu.enqueue_dma source(%dma_start3A_73 : memref<128xi32, #tpu.memory_space<hbm>>) target(%arg10 : memref<128xi32, #tpu.memory_space<vmem>>) target_semaphore(%run_scoped3A : memref<!tpu.dma_semaphore, #tpu.memory_space<semaphore_mem>>)
      %dma_wait3A_74 = tpu.memref_slice %arg5[%add3A_57] : memref<10240xi32, #tpu.memory_space<hbm>> -> memref<128xi32, #tpu.memory_space<hbm>>
      %dma_wait3A_75 = tpu.memref_slice %arg5[%add3A_57] : memref<10240xi32, #tpu.memory_space<hbm>> -> memref<128xi32, #tpu.memory_space<hbm>>
      tpu.wait_dma2 semaphore(%run_scoped3A : memref<!tpu.dma_semaphore, #tpu.memory_space<semaphore_mem>>) src(%dma_wait3A_75 : memref<128xi32, #tpu.memory_space<hbm>>) dst(%arg10 : memref<128xi32, #tpu.memory_space<vmem>>)
      tpu.yield
    }) : () -> ()
    "tpu.region"() ({
      %run_scoped3A = tpu.sem_alloc : memref<!tpu.dma_semaphore, #tpu.memory_space<semaphore_mem>>
      %dma_start3A_72 = arith.constant 0 : i32
      %dma_start3A_73 = arith.constant 0 : i32
      %dma_start3A_74 = tpu.memref_slice %arg8[%dma_start3A_72, %dma_start3A_73] : memref<10240x128xf32, #tpu.memory_space<vmem_shared>> -> memref<10240x128xf32, #tpu.memory_space<vmem_shared>>
      tpu.enqueue_indirect_dma source(%dma_start3A_74 : memref<10240x128xf32, #tpu.memory_space<vmem_shared>>) target(%arg13 : memref<128x128xf32, #tpu.memory_space<vmem>>) offsets(%arg10 : memref<128xi32, #tpu.memory_space<vmem>>) semaphore(%run_scoped3A : memref<!tpu.dma_semaphore, #tpu.memory_space<semaphore_mem>>)
      %dma_wait3A_75 = arith.constant 0 : i32
      %dma_wait3A_76 = arith.constant 0 : i32
      %dma_wait3A_77 = tpu.memref_slice %arg8[%dma_wait3A_75, %dma_wait3A_76] : memref<10240x128xf32, #tpu.memory_space<vmem_shared>> -> memref<10240x128xf32, #tpu.memory_space<vmem_shared>>
      tpu.wait_indirect_dma semaphore(%run_scoped3A : memref<!tpu.dma_semaphore, #tpu.memory_space<semaphore_mem>>) src(%dma_wait3A_77 : memref<10240x128xf32, #tpu.memory_space<vmem_shared>>) dst(%arg13 : memref<128x128xf32, #tpu.memory_space<vmem>>)
      tpu.yield
    }) : () -> ()
    %add3A_58 = arith.constant 128 : i32
    %add3A_59 = arith.addi %add3A_51, %add3A_58 : i32
    "tpu.region"() ({
      %run_scoped3A = tpu.sem_alloc : memref<!tpu.dma_semaphore, #tpu.memory_space<semaphore_mem>>
      %dma_start3A_72 = arith.constant 0 : i32
      %dma_start3A_73 = tpu.memref_slice %arg7[%add3A_59, %dma_start3A_72] : memref<20480x128xf32, #tpu.memory_space<hbm>> -> memref<128x128xf32, #tpu.memory_space<hbm>>
      %dma_start3A_74 = arith.constant 0 : i32
      %dma_start3A_75 = tpu.memref_slice %arg7[%add3A_59, %dma_start3A_74] : memref<20480x128xf32, #tpu.memory_space<hbm>> -> memref<128x128xf32, #tpu.memory_space<hbm>>
      tpu.enqueue_dma source(%arg13 : memref<128x128xf32, #tpu.memory_space<vmem>>) target(%dma_start3A_75 : memref<128x128xf32, #tpu.memory_space<hbm>>) target_semaphore(%run_scoped3A : memref<!tpu.dma_semaphore, #tpu.memory_space<semaphore_mem>>)
      %dma_wait3A_76 = arith.constant 0 : i32
      %dma_wait3A_77 = tpu.memref_slice %arg7[%add3A_59, %dma_wait3A_76] : memref<20480x128xf32, #tpu.memory_space<hbm>> -> memref<128x128xf32, #tpu.memory_space<hbm>>
      %dma_wait3A_78 = arith.constant 0 : i32
      %dma_wait3A_79 = tpu.memref_slice %arg7[%add3A_59, %dma_wait3A_78] : memref<20480x128xf32, #tpu.memory_space<hbm>> -> memref<128x128xf32, #tpu.memory_space<hbm>>
      tpu.wait_dma2 semaphore(%run_scoped3A : memref<!tpu.dma_semaphore, #tpu.memory_space<semaphore_mem>>) src(%arg13 : memref<128x128xf32, #tpu.memory_space<vmem>>) dst(%dma_wait3A_79 : memref<128x128xf32, #tpu.memory_space<hbm>>)
      tpu.yield
    }) : () -> ()
    %add3A_60 = arith.constant 256 : i32
    %add3A_61 = arith.addi %mul3A_2, %add3A_60 : i32
    "tpu.region"() ({
      %run_scoped3A = tpu.sem_alloc : memref<!tpu.dma_semaphore, #tpu.memory_space<semaphore_mem>>
      %dma_start3A_72 = tpu.memref_slice %arg5[%add3A_61] : memref<10240xi32, #tpu.memory_space<hbm>> -> memref<128xi32, #tpu.memory_space<hbm>>
      %dma_start3A_73 = tpu.memref_slice %arg5[%add3A_61] : memref<10240xi32, #tpu.memory_space<hbm>> -> memref<128xi32, #tpu.memory_space<hbm>>
      tpu.enqueue_dma source(%dma_start3A_73 : memref<128xi32, #tpu.memory_space<hbm>>) target(%arg10 : memref<128xi32, #tpu.memory_space<vmem>>) target_semaphore(%run_scoped3A : memref<!tpu.dma_semaphore, #tpu.memory_space<semaphore_mem>>)
      %dma_wait3A_74 = tpu.memref_slice %arg5[%add3A_61] : memref<10240xi32, #tpu.memory_space<hbm>> -> memref<128xi32, #tpu.memory_space<hbm>>
      %dma_wait3A_75 = tpu.memref_slice %arg5[%add3A_61] : memref<10240xi32, #tpu.memory_space<hbm>> -> memref<128xi32, #tpu.memory_space<hbm>>
      tpu.wait_dma2 semaphore(%run_scoped3A : memref<!tpu.dma_semaphore, #tpu.memory_space<semaphore_mem>>) src(%dma_wait3A_75 : memref<128xi32, #tpu.memory_space<hbm>>) dst(%arg10 : memref<128xi32, #tpu.memory_space<vmem>>)
      tpu.yield
    }) : () -> ()
    "tpu.region"() ({
      %run_scoped3A = tpu.sem_alloc : memref<!tpu.dma_semaphore, #tpu.memory_space<semaphore_mem>>
      %dma_start3A_72 = arith.constant 0 : i32
      %dma_start3A_73 = arith.constant 0 : i32
      %dma_start3A_74 = tpu.memref_slice %arg8[%dma_start3A_72, %dma_start3A_73] : memref<10240x128xf32, #tpu.memory_space<vmem_shared>> -> memref<10240x128xf32, #tpu.memory_space<vmem_shared>>
      tpu.enqueue_indirect_dma source(%dma_start3A_74 : memref<10240x128xf32, #tpu.memory_space<vmem_shared>>) target(%arg13 : memref<128x128xf32, #tpu.memory_space<vmem>>) offsets(%arg10 : memref<128xi32, #tpu.memory_space<vmem>>) semaphore(%run_scoped3A : memref<!tpu.dma_semaphore, #tpu.memory_space<semaphore_mem>>)
      %dma_wait3A_75 = arith.constant 0 : i32
      %dma_wait3A_76 = arith.constant 0 : i32
      %dma_wait3A_77 = tpu.memref_slice %arg8[%dma_wait3A_75, %dma_wait3A_76] : memref<10240x128xf32, #tpu.memory_space<vmem_shared>> -> memref<10240x128xf32, #tpu.memory_space<vmem_shared>>
      tpu.wait_indirect_dma semaphore(%run_scoped3A : memref<!tpu.dma_semaphore, #tpu.memory_space<semaphore_mem>>) src(%dma_wait3A_77 : memref<10240x128xf32, #tpu.memory_space<vmem_shared>>) dst(%arg13 : memref<128x128xf32, #tpu.memory_space<vmem>>)
      tpu.yield
    }) : () -> ()
    %add3A_62 = arith.constant 256 : i32
    %add3A_63 = arith.addi %add3A_51, %add3A_62 : i32
    "tpu.region"() ({
      %run_scoped3A = tpu.sem_alloc : memref<!tpu.dma_semaphore, #tpu.memory_space<semaphore_mem>>
      %dma_start3A_72 = arith.constant 0 : i32
      %dma_start3A_73 = tpu.memref_slice %arg7[%add3A_63, %dma_start3A_72] : memref<20480x128xf32, #tpu.memory_space<hbm>> -> memref<128x128xf32, #tpu.memory_space<hbm>>
      %dma_start3A_74 = arith.constant 0 : i32
      %dma_start3A_75 = tpu.memref_slice %arg7[%add3A_63, %dma_start3A_74] : memref<20480x128xf32, #tpu.memory_space<hbm>> -> memref<128x128xf32, #tpu.memory_space<hbm>>
      tpu.enqueue_dma source(%arg13 : memref<128x128xf32, #tpu.memory_space<vmem>>) target(%dma_start3A_75 : memref<128x128xf32, #tpu.memory_space<hbm>>) target_semaphore(%run_scoped3A : memref<!tpu.dma_semaphore, #tpu.memory_space<semaphore_mem>>)
      %dma_wait3A_76 = arith.constant 0 : i32
      %dma_wait3A_77 = tpu.memref_slice %arg7[%add3A_63, %dma_wait3A_76] : memref<20480x128xf32, #tpu.memory_space<hbm>> -> memref<128x128xf32, #tpu.memory_space<hbm>>
      %dma_wait3A_78 = arith.constant 0 : i32
      %dma_wait3A_79 = tpu.memref_slice %arg7[%add3A_63, %dma_wait3A_78] : memref<20480x128xf32, #tpu.memory_space<hbm>> -> memref<128x128xf32, #tpu.memory_space<hbm>>
      tpu.wait_dma2 semaphore(%run_scoped3A : memref<!tpu.dma_semaphore, #tpu.memory_space<semaphore_mem>>) src(%arg13 : memref<128x128xf32, #tpu.memory_space<vmem>>) dst(%dma_wait3A_79 : memref<128x128xf32, #tpu.memory_space<hbm>>)
      tpu.yield
    }) : () -> ()
    %add3A_64 = arith.constant 384 : i32
    %add3A_65 = arith.addi %mul3A_2, %add3A_64 : i32
    "tpu.region"() ({
      %run_scoped3A = tpu.sem_alloc : memref<!tpu.dma_semaphore, #tpu.memory_space<semaphore_mem>>
      %dma_start3A_72 = tpu.memref_slice %arg5[%add3A_65] : memref<10240xi32, #tpu.memory_space<hbm>> -> memref<128xi32, #tpu.memory_space<hbm>>
      %dma_start3A_73 = tpu.memref_slice %arg5[%add3A_65] : memref<10240xi32, #tpu.memory_space<hbm>> -> memref<128xi32, #tpu.memory_space<hbm>>
      tpu.enqueue_dma source(%dma_start3A_73 : memref<128xi32, #tpu.memory_space<hbm>>) target(%arg10 : memref<128xi32, #tpu.memory_space<vmem>>) target_semaphore(%run_scoped3A : memref<!tpu.dma_semaphore, #tpu.memory_space<semaphore_mem>>)
      %dma_wait3A_74 = tpu.memref_slice %arg5[%add3A_65] : memref<10240xi32, #tpu.memory_space<hbm>> -> memref<128xi32, #tpu.memory_space<hbm>>
      %dma_wait3A_75 = tpu.memref_slice %arg5[%add3A_65] : memref<10240xi32, #tpu.memory_space<hbm>> -> memref<128xi32, #tpu.memory_space<hbm>>
      tpu.wait_dma2 semaphore(%run_scoped3A : memref<!tpu.dma_semaphore, #tpu.memory_space<semaphore_mem>>) src(%dma_wait3A_75 : memref<128xi32, #tpu.memory_space<hbm>>) dst(%arg10 : memref<128xi32, #tpu.memory_space<vmem>>)
      tpu.yield
    }) : () -> ()
    "tpu.region"() ({
      %run_scoped3A = tpu.sem_alloc : memref<!tpu.dma_semaphore, #tpu.memory_space<semaphore_mem>>
      %dma_start3A_72 = arith.constant 0 : i32
      %dma_start3A_73 = arith.constant 0 : i32
      %dma_start3A_74 = tpu.memref_slice %arg8[%dma_start3A_72, %dma_start3A_73] : memref<10240x128xf32, #tpu.memory_space<vmem_shared>> -> memref<10240x128xf32, #tpu.memory_space<vmem_shared>>
      tpu.enqueue_indirect_dma source(%dma_start3A_74 : memref<10240x128xf32, #tpu.memory_space<vmem_shared>>) target(%arg13 : memref<128x128xf32, #tpu.memory_space<vmem>>) offsets(%arg10 : memref<128xi32, #tpu.memory_space<vmem>>) semaphore(%run_scoped3A : memref<!tpu.dma_semaphore, #tpu.memory_space<semaphore_mem>>)
      %dma_wait3A_75 = arith.constant 0 : i32
      %dma_wait3A_76 = arith.constant 0 : i32
      %dma_wait3A_77 = tpu.memref_slice %arg8[%dma_wait3A_75, %dma_wait3A_76] : memref<10240x128xf32, #tpu.memory_space<vmem_shared>> -> memref<10240x128xf32, #tpu.memory_space<vmem_shared>>
      tpu.wait_indirect_dma semaphore(%run_scoped3A : memref<!tpu.dma_semaphore, #tpu.memory_space<semaphore_mem>>) src(%dma_wait3A_77 : memref<10240x128xf32, #tpu.memory_space<vmem_shared>>) dst(%arg13 : memref<128x128xf32, #tpu.memory_space<vmem>>)
      tpu.yield
    }) : () -> ()
    %add3A_66 = arith.constant 384 : i32
    %add3A_67 = arith.addi %add3A_51, %add3A_66 : i32
    "tpu.region"() ({
      %run_scoped3A = tpu.sem_alloc : memref<!tpu.dma_semaphore, #tpu.memory_space<semaphore_mem>>
      %dma_start3A_72 = arith.constant 0 : i32
      %dma_start3A_73 = tpu.memref_slice %arg7[%add3A_67, %dma_start3A_72] : memref<20480x128xf32, #tpu.memory_space<hbm>> -> memref<128x128xf32, #tpu.memory_space<hbm>>
      %dma_start3A_74 = arith.constant 0 : i32
      %dma_start3A_75 = tpu.memref_slice %arg7[%add3A_67, %dma_start3A_74] : memref<20480x128xf32, #tpu.memory_space<hbm>> -> memref<128x128xf32, #tpu.memory_space<hbm>>
      tpu.enqueue_dma source(%arg13 : memref<128x128xf32, #tpu.memory_space<vmem>>) target(%dma_start3A_75 : memref<128x128xf32, #tpu.memory_space<hbm>>) target_semaphore(%run_scoped3A : memref<!tpu.dma_semaphore, #tpu.memory_space<semaphore_mem>>)
      %dma_wait3A_76 = arith.constant 0 : i32
      %dma_wait3A_77 = tpu.memref_slice %arg7[%add3A_67, %dma_wait3A_76] : memref<20480x128xf32, #tpu.memory_space<hbm>> -> memref<128x128xf32, #tpu.memory_space<hbm>>
      %dma_wait3A_78 = arith.constant 0 : i32
      %dma_wait3A_79 = tpu.memref_slice %arg7[%add3A_67, %dma_wait3A_78] : memref<20480x128xf32, #tpu.memory_space<hbm>> -> memref<128x128xf32, #tpu.memory_space<hbm>>
      tpu.wait_dma2 semaphore(%run_scoped3A : memref<!tpu.dma_semaphore, #tpu.memory_space<semaphore_mem>>) src(%arg13 : memref<128x128xf32, #tpu.memory_space<vmem>>) dst(%dma_wait3A_79 : memref<128x128xf32, #tpu.memory_space<hbm>>)
      tpu.yield
    }) : () -> ()
    %add3A_68 = arith.constant 512 : i32
    %add3A_69 = arith.addi %mul3A_2, %add3A_68 : i32
    "tpu.region"() ({
      %run_scoped3A = tpu.sem_alloc : memref<!tpu.dma_semaphore, #tpu.memory_space<semaphore_mem>>
      %dma_start3A_72 = tpu.memref_slice %arg5[%add3A_69] : memref<10240xi32, #tpu.memory_space<hbm>> -> memref<128xi32, #tpu.memory_space<hbm>>
      %dma_start3A_73 = tpu.memref_slice %arg5[%add3A_69] : memref<10240xi32, #tpu.memory_space<hbm>> -> memref<128xi32, #tpu.memory_space<hbm>>
      tpu.enqueue_dma source(%dma_start3A_73 : memref<128xi32, #tpu.memory_space<hbm>>) target(%arg10 : memref<128xi32, #tpu.memory_space<vmem>>) target_semaphore(%run_scoped3A : memref<!tpu.dma_semaphore, #tpu.memory_space<semaphore_mem>>)
      %dma_wait3A_74 = tpu.memref_slice %arg5[%add3A_69] : memref<10240xi32, #tpu.memory_space<hbm>> -> memref<128xi32, #tpu.memory_space<hbm>>
      %dma_wait3A_75 = tpu.memref_slice %arg5[%add3A_69] : memref<10240xi32, #tpu.memory_space<hbm>> -> memref<128xi32, #tpu.memory_space<hbm>>
      tpu.wait_dma2 semaphore(%run_scoped3A : memref<!tpu.dma_semaphore, #tpu.memory_space<semaphore_mem>>) src(%dma_wait3A_75 : memref<128xi32, #tpu.memory_space<hbm>>) dst(%arg10 : memref<128xi32, #tpu.memory_space<vmem>>)
      tpu.yield
    }) : () -> ()
    "tpu.region"() ({
      %run_scoped3A = tpu.sem_alloc : memref<!tpu.dma_semaphore, #tpu.memory_space<semaphore_mem>>
      %dma_start3A_72 = arith.constant 0 : i32
      %dma_start3A_73 = arith.constant 0 : i32
      %dma_start3A_74 = tpu.memref_slice %arg8[%dma_start3A_72, %dma_start3A_73] : memref<10240x128xf32, #tpu.memory_space<vmem_shared>> -> memref<10240x128xf32, #tpu.memory_space<vmem_shared>>
      tpu.enqueue_indirect_dma source(%dma_start3A_74 : memref<10240x128xf32, #tpu.memory_space<vmem_shared>>) target(%arg13 : memref<128x128xf32, #tpu.memory_space<vmem>>) offsets(%arg10 : memref<128xi32, #tpu.memory_space<vmem>>) semaphore(%run_scoped3A : memref<!tpu.dma_semaphore, #tpu.memory_space<semaphore_mem>>)
      %dma_wait3A_75 = arith.constant 0 : i32
      %dma_wait3A_76 = arith.constant 0 : i32
      %dma_wait3A_77 = tpu.memref_slice %arg8[%dma_wait3A_75, %dma_wait3A_76] : memref<10240x128xf32, #tpu.memory_space<vmem_shared>> -> memref<10240x128xf32, #tpu.memory_space<vmem_shared>>
      tpu.wait_indirect_dma semaphore(%run_scoped3A : memref<!tpu.dma_semaphore, #tpu.memory_space<semaphore_mem>>) src(%dma_wait3A_77 : memref<10240x128xf32, #tpu.memory_space<vmem_shared>>) dst(%arg13 : memref<128x128xf32, #tpu.memory_space<vmem>>)
      tpu.yield
    }) : () -> ()
    %add3A_70 = arith.constant 512 : i32
    %add3A_71 = arith.addi %add3A_51, %add3A_70 : i32
    "tpu.region"() ({
      %run_scoped3A = tpu.sem_alloc : memref<!tpu.dma_semaphore, #tpu.memory_space<semaphore_mem>>
      %dma_start3A_72 = arith.constant 0 : i32
      %dma_start3A_73 = tpu.memref_slice %arg7[%add3A_71, %dma_start3A_72] : memref<20480x128xf32, #tpu.memory_space<hbm>> -> memref<128x128xf32, #tpu.memory_space<hbm>>
      %dma_start3A_74 = arith.constant 0 : i32
      %dma_start3A_75 = tpu.memref_slice %arg7[%add3A_71, %dma_start3A_74] : memref<20480x128xf32, #tpu.memory_space<hbm>> -> memref<128x128xf32, #tpu.memory_space<hbm>>
      tpu.enqueue_dma source(%arg13 : memref<128x128xf32, #tpu.memory_space<vmem>>) target(%dma_start3A_75 : memref<128x128xf32, #tpu.memory_space<hbm>>) target_semaphore(%run_scoped3A : memref<!tpu.dma_semaphore, #tpu.memory_space<semaphore_mem>>)
      %dma_wait3A_76 = arith.constant 0 : i32
      %dma_wait3A_77 = tpu.memref_slice %arg7[%add3A_71, %dma_wait3A_76] : memref<20480x128xf32, #tpu.memory_space<hbm>> -> memref<128x128xf32, #tpu.memory_space<hbm>>
      %dma_wait3A_78 = arith.constant 0 : i32
      %dma_wait3A_79 = tpu.memref_slice %arg7[%add3A_71, %dma_wait3A_78] : memref<20480x128xf32, #tpu.memory_space<hbm>> -> memref<128x128xf32, #tpu.memory_space<hbm>>
      tpu.wait_dma2 semaphore(%run_scoped3A : memref<!tpu.dma_semaphore, #tpu.memory_space<semaphore_mem>>) src(%arg13 : memref<128x128xf32, #tpu.memory_space<vmem>>) dst(%dma_wait3A_79 : memref<128x128xf32, #tpu.memory_space<hbm>>)
      tpu.yield
    }) : () -> ()
    return
  }
}

module attributes {stable_mosaic.version = 14 : i64} {
  func.func @_tc_prep_body(%arg0: i32, %arg1: memref<1280x128xf32, #tpu.memory_space<vmem>>, %arg2: memref<128x128xf32, #tpu.memory_space<vmem>>, %arg3: memref<128x128xf32, #tpu.memory_space<vmem>>, %arg4: memref<1x128xf32, #tpu.memory_space<vmem>>, %arg5: memref<1280x128xf32, #tpu.memory_space<vmem>>, %arg6: memref<1280x128xf32, #tpu.memory_space<vmem>>) attributes {dimension_semantics = [#tpu.dimension_semantics<arbitrary>], iteration_bounds = array<i64: 8>, scalar_prefetch = 0 : i64, scratch_operands = 0 : i64, tpu.core_type = #tpu.core_type<tc>, window_params = [{transform_indices = @transform_0, window_bounds = array<i64: 1280, 128>}, {pipeline_mode = #tpu.pipeline_mode<synchronous>, transform_indices = @transform_1, window_bounds = array<i64: 128, 128>}, {pipeline_mode = #tpu.pipeline_mode<synchronous>, transform_indices = @transform_2, window_bounds = array<i64: 128, 128>}, {pipeline_mode = #tpu.pipeline_mode<synchronous>, transform_indices = @transform_3, window_bounds = array<i64: 1, 128>}, {transform_indices = @transform_4, window_bounds = array<i64: 1280, 128>}, {transform_indices = @transform_5, window_bounds = array<i64: 1280, 128>}]} {
    %get3A = arith.constant 0 : index
    %get3A_0 = arith.constant 0 : index
    %get3A_1 = vector.load %arg1[%get3A, %get3A_0] : memref<1280x128xf32, #tpu.memory_space<vmem>>, vector<1280x128xf32>
    %get3A_2 = arith.constant 0 : index
    %get3A_3 = arith.constant 0 : index
    %get3A_4 = vector.load %arg2[%get3A_2, %get3A_3] : memref<128x128xf32, #tpu.memory_space<vmem>>, vector<128x128xf32>
    %dot_general3A = arith.constant dense<0.000000e+00> : vector<1280x128xf32>
    %dot_general3A_5 = tpu.matmul %get3A_1, %get3A_4, %dot_general3A {dimension_numbers = #tpu.dot_dimension_numbers<[1], [1], [0], [0], [0, 0, 1, 0], [], []>, precision = #tpu.contract_precision<fp32>, transpose_lhs_hint = false} : vector<1280x128xf32>, vector<128x128xf32>, vector<1280x128xf32> -> vector<1280x128xf32>
    %swap3A = arith.constant 0 : index
    %swap3A_6 = arith.constant 0 : index
    %swap3A_7 = vector.load %arg5[%swap3A, %swap3A_6] : memref<1280x128xf32, #tpu.memory_space<vmem>>, vector<1280x128xf32>
    tpu.vector_store %arg5[%swap3A, %swap3A_6], %dot_general3A_5 {strides = array<i32>} : memref<1280x128xf32, #tpu.memory_space<vmem>>, vector<1280x128xf32>,
    %get3A_8 = arith.constant 0 : index
    %get3A_9 = arith.constant 0 : index
    %get3A_10 = vector.load %arg3[%get3A_8, %get3A_9] : memref<128x128xf32, #tpu.memory_space<vmem>>, vector<128x128xf32>
    %dot_general3A_11 = arith.constant dense<0.000000e+00> : vector<1280x128xf32>
    %dot_general3A_12 = tpu.matmul %get3A_1, %get3A_10, %dot_general3A_11 {dimension_numbers = #tpu.dot_dimension_numbers<[1], [1], [0], [0], [0, 0, 1, 0], [], []>, precision = #tpu.contract_precision<fp32>, transpose_lhs_hint = false} : vector<1280x128xf32>, vector<128x128xf32>, vector<1280x128xf32> -> vector<1280x128xf32>
    %get3A_13 = arith.constant 0 : index
    %get3A_14 = arith.constant 0 : index
    %get3A_15 = vector.load %arg4[%get3A_13, %get3A_14] : memref<1x128xf32, #tpu.memory_space<vmem>>, vector<1x128xf32>
    %add3A = vector.broadcast %get3A_15 : vector<1x128xf32> to vector<1280x128xf32>
    %add3A_16 = arith.addf %dot_general3A_12, %add3A : vector<1280x128xf32>
    %swap3A_17 = arith.constant 0 : index
    %swap3A_18 = arith.constant 0 : index
    %swap3A_19 = vector.load %arg6[%swap3A_17, %swap3A_18] : memref<1280x128xf32, #tpu.memory_space<vmem>>, vector<1280x128xf32>
    tpu.vector_store %arg6[%swap3A_17, %swap3A_18], %add3A_16 {strides = array<i32>} : memref<1280x128xf32, #tpu.memory_space<vmem>>, vector<1280x128xf32>,
    return
  }
  func.func @transform_0(%arg0: i32) -> (i32, i32) {
    %c0_i32 = arith.constant 0 : i32
    %c0_i32_0 = arith.constant 0 : i32
    return %arg0, %c0_i32 : i32, i32
  }
  func.func @transform_1(%arg0: i32) -> (i32, i32) {
    %c0_i32 = arith.constant 0 : i32
    %c0_i32_0 = arith.constant 0 : i32
    %c0_i32_1 = arith.constant 0 : i32
    return %c0_i32, %c0_i32_0 : i32, i32
  }
  func.func @transform_2(%arg0: i32) -> (i32, i32) {
    %c0_i32 = arith.constant 0 : i32
    %c0_i32_0 = arith.constant 0 : i32
    %c0_i32_1 = arith.constant 0 : i32
    return %c0_i32, %c0_i32_0 : i32, i32
  }
  func.func @transform_3(%arg0: i32) -> (i32, i32) {
    %c0_i32 = arith.constant 0 : i32
    %c0_i32_0 = arith.constant 0 : i32
    %c0_i32_1 = arith.constant 0 : i32
    return %c0_i32, %c0_i32_0 : i32, i32
  }
  func.func @transform_4(%arg0: i32) -> (i32, i32) {
    %c0_i32 = arith.constant 0 : i32
    %c0_i32_0 = arith.constant 0 : i32
    return %arg0, %c0_i32 : i32, i32
  }
  func.func @transform_5(%arg0: i32) -> (i32, i32) {
    %c0_i32 = arith.constant 0 : i32
    %c0_i32_0 = arith.constant 0 : i32
    return %arg0, %c0_i32 : i32, i32
  }
}

module attributes {stable_mosaic.version = 14 : i64} {
  func.func @_tc_mid_body(%arg0: i32, %arg1: memref<1280x128xf32, #tpu.memory_space<vmem>>, %arg2: memref<1280x128xf32, #tpu.memory_space<vmem>>, %arg3: memref<80x128xf32, #tpu.memory_space<vmem>>, %arg4: memref<80x128xf32, #tpu.memory_space<vmem>>, %arg5: memref<1280x128xf32, #tpu.memory_space<vmem>>, %arg6: memref<1280x80xf32, #tpu.memory_space<vmem>>, %arg7: memref<1280x128xf32, #tpu.memory_space<vmem>>, %arg8: memref<128x128xf32, #tpu.memory_space<vmem>>, %arg9: memref<128x128xf32, #tpu.memory_space<vmem>>, %arg10: memref<1x128xf32, #tpu.memory_space<vmem>>, %arg11: memref<1280x128xf32, #tpu.memory_space<vmem>>, %arg12: memref<1280x128xf32, #tpu.memory_space<vmem>>) attributes {dimension_semantics = [#tpu.dimension_semantics<arbitrary>], iteration_bounds = array<i64: 8>, scalar_prefetch = 0 : i64, scratch_operands = 0 : i64, tpu.core_type = #tpu.core_type<tc>, window_params = [{transform_indices = @transform_0, window_bounds = array<i64: 1280, 128>}, {transform_indices = @transform_1, window_bounds = array<i64: 1280, 128>}, {pipeline_mode = #tpu.pipeline_mode<synchronous>, transform_indices = @transform_2, window_bounds = array<i64: 80, 128>}, {pipeline_mode = #tpu.pipeline_mode<synchronous>, transform_indices = @transform_3, window_bounds = array<i64: 80, 128>}, {transform_indices = @transform_4, window_bounds = array<i64: 1280, 128>}, {transform_indices = @transform_5, window_bounds = array<i64: 1280, 80>}, {transform_indices = @transform_6, window_bounds = array<i64: 1280, 128>}, {pipeline_mode = #tpu.pipeline_mode<synchronous>, transform_indices = @transform_7, window_bounds = array<i64: 128, 128>}, {pipeline_mode = #tpu.pipeline_mode<synchronous>, transform_indices = @transform_8, window_bounds = array<i64: 128, 128>}, {pipeline_mode = #tpu.pipeline_mode<synchronous>, transform_indices = @transform_9, window_bounds = array<i64: 1, 128>}, {transform_indices = @transform_10, window_bounds = array<i64: 1280, 128>}, {transform_indices = @transform_11, window_bounds = array<i64: 1280, 128>}]} {
    %get3A = arith.constant 0 : index
    %get3A_0 = arith.constant 0 : index
    %get3A_1 = vector.load %arg3[%get3A, %get3A_0] : memref<80x128xf32, #tpu.memory_space<vmem>>, vector<80x128xf32>
    %get3A_2 = arith.constant 0 : index
    %get3A_3 = arith.constant 0 : index
    %get3A_4 = vector.load %arg4[%get3A_2, %get3A_3] : memref<80x128xf32, #tpu.memory_space<vmem>>, vector<80x128xf32>
    %get3A_5 = arith.constant 0 : index
    %get3A_6 = arith.constant 0 : index
    %get3A_7 = vector.load %arg6[%get3A_5, %get3A_6] : memref<1280x80xf32, #tpu.memory_space<vmem>>, vector<1280x80xf32>
    %get3A_8 = arith.constant 0 : index
    %get3A_9 = arith.constant 0 : index
    %get3A_10 = vector.load %arg7[%get3A_8, %get3A_9] : memref<1280x128xf32, #tpu.memory_space<vmem>>, vector<1280x128xf32>
    %add3A = arith.addf %get3A_1, %get3A_4 : vector<80x128xf32>
    %dot_general3A = arith.constant dense<0.000000e+00> : vector<1280x128xf32>
    %dot_general3A_11 = tpu.matmul %get3A_7, %add3A, %dot_general3A {dimension_numbers = #tpu.dot_dimension_numbers<[1], [0], [0], [1], [0, 0, 1, 1], [], []>, precision = #tpu.contract_precision<fp32>, transpose_lhs_hint = false} : vector<1280x80xf32>, vector<80x128xf32>, vector<1280x128xf32> -> vector<1280x128xf32>
    %mul3A = arith.mulf %dot_general3A_11, %get3A_10 : vector<1280x128xf32>
    %reduce_sum3A = arith.constant dense<0.000000e+00> : vector<1280xf32>
    %reduce_sum3A_12 = vector.multi_reduction <add>, %mul3A, %reduce_sum3A [1] : vector<1280x128xf32> to vector<1280xf32>
    %broadcast_in_dim3A = vector.shape_cast %reduce_sum3A_12 : vector<1280xf32> to vector<1280x1xf32>
    %max3A = arith.constant 1.000000e+00 : f32
    %max3A_13 = vector.broadcast %max3A : f32 to vector<1280x1xf32>
    %max3A_14 = arith.maximumf %broadcast_in_dim3A, %max3A_13 : vector<1280x1xf32>
    %get3A_15 = arith.constant 0 : index
    %get3A_16 = arith.constant 0 : index
    %get3A_17 = vector.load %arg1[%get3A_15, %get3A_16] : memref<1280x128xf32, #tpu.memory_space<vmem>>, vector<1280x128xf32>
    %get3A_18 = arith.constant 0 : index
    %get3A_19 = arith.constant 0 : index
    %get3A_20 = vector.load %arg2[%get3A_18, %get3A_19] : memref<1280x128xf32, #tpu.memory_space<vmem>>, vector<1280x128xf32>
    %add3A_21 = arith.addf %get3A_17, %get3A_20 : vector<1280x128xf32>
    %div3A = vector.broadcast %max3A_14 : vector<1280x1xf32> to vector<1280x128xf32>
    %div3A_22 = arith.divf %add3A_21, %div3A : vector<1280x128xf32>
    %get3A_23 = arith.constant 0 : index
    %get3A_24 = arith.constant 0 : index
    %get3A_25 = vector.load %arg5[%get3A_23, %get3A_24] : memref<1280x128xf32, #tpu.memory_space<vmem>>, vector<1280x128xf32>
    %add3A_26 = arith.addf %div3A_22, %get3A_25 : vector<1280x128xf32>
    %max3A_27 = arith.constant 0.000000e+00 : f32
    %max3A_28 = vector.broadcast %max3A_27 : f32 to vector<1280x128xf32>
    %max3A_29 = arith.maximumf %add3A_26, %max3A_28 : vector<1280x128xf32>
    %get3A_30 = arith.constant 0 : index
    %get3A_31 = arith.constant 0 : index
    %get3A_32 = vector.load %arg8[%get3A_30, %get3A_31] : memref<128x128xf32, #tpu.memory_space<vmem>>, vector<128x128xf32>
    %dot_general3A_33 = arith.constant dense<0.000000e+00> : vector<1280x128xf32>
    %dot_general3A_34 = tpu.matmul %max3A_29, %get3A_32, %dot_general3A_33 {dimension_numbers = #tpu.dot_dimension_numbers<[1], [1], [0], [0], [0, 0, 1, 0], [], []>, precision = #tpu.contract_precision<fp32>, transpose_lhs_hint = false} : vector<1280x128xf32>, vector<128x128xf32>, vector<1280x128xf32> -> vector<1280x128xf32>
    %swap3A = arith.constant 0 : index
    %swap3A_35 = arith.constant 0 : index
    %swap3A_36 = vector.load %arg11[%swap3A, %swap3A_35] : memref<1280x128xf32, #tpu.memory_space<vmem>>, vector<1280x128xf32>
    tpu.vector_store %arg11[%swap3A, %swap3A_35], %dot_general3A_34 {strides = array<i32>} : memref<1280x128xf32, #tpu.memory_space<vmem>>, vector<1280x128xf32>,
    %get3A_37 = arith.constant 0 : index
    %get3A_38 = arith.constant 0 : index
    %get3A_39 = vector.load %arg9[%get3A_37, %get3A_38] : memref<128x128xf32, #tpu.memory_space<vmem>>, vector<128x128xf32>
    %dot_general3A_40 = arith.constant dense<0.000000e+00> : vector<1280x128xf32>
    %dot_general3A_41 = tpu.matmul %max3A_29, %get3A_39, %dot_general3A_40 {dimension_numbers = #tpu.dot_dimension_numbers<[1], [1], [0], [0], [0, 0, 1, 0], [], []>, precision = #tpu.contract_precision<fp32>, transpose_lhs_hint = false} : vector<1280x128xf32>, vector<128x128xf32>, vector<1280x128xf32> -> vector<1280x128xf32>
    %get3A_42 = arith.constant 0 : index
    %get3A_43 = arith.constant 0 : index
    %get3A_44 = vector.load %arg10[%get3A_42, %get3A_43] : memref<1x128xf32, #tpu.memory_space<vmem>>, vector<1x128xf32>
    %add3A_45 = vector.broadcast %get3A_44 : vector<1x128xf32> to vector<1280x128xf32>
    %add3A_46 = arith.addf %dot_general3A_41, %add3A_45 : vector<1280x128xf32>
    %swap3A_47 = arith.constant 0 : index
    %swap3A_48 = arith.constant 0 : index
    %swap3A_49 = vector.load %arg12[%swap3A_47, %swap3A_48] : memref<1280x128xf32, #tpu.memory_space<vmem>>, vector<1280x128xf32>
    tpu.vector_store %arg12[%swap3A_47, %swap3A_48], %add3A_46 {strides = array<i32>} : memref<1280x128xf32, #tpu.memory_space<vmem>>, vector<1280x128xf32>,
    return
  }
  func.func @transform_0(%arg0: i32) -> (i32, i32) {
    %c0_i32 = arith.constant 0 : i32
    %c0_i32_0 = arith.constant 0 : i32
    return %arg0, %c0_i32 : i32, i32
  }
  func.func @transform_1(%arg0: i32) -> (i32, i32) {
    %c0_i32 = arith.constant 0 : i32
    %c0_i32_0 = arith.constant 0 : i32
    return %arg0, %c0_i32 : i32, i32
  }
  func.func @transform_2(%arg0: i32) -> (i32, i32) {
    %c0_i32 = arith.constant 0 : i32
    %c0_i32_0 = arith.constant 0 : i32
    %c0_i32_1 = arith.constant 0 : i32
    return %c0_i32, %c0_i32_0 : i32, i32
  }
  func.func @transform_3(%arg0: i32) -> (i32, i32) {
    %c0_i32 = arith.constant 0 : i32
    %c0_i32_0 = arith.constant 0 : i32
    %c0_i32_1 = arith.constant 0 : i32
    return %c0_i32, %c0_i32_0 : i32, i32
  }
  func.func @transform_4(%arg0: i32) -> (i32, i32) {
    %c0_i32 = arith.constant 0 : i32
    %c0_i32_0 = arith.constant 0 : i32
    return %arg0, %c0_i32 : i32, i32
  }
  func.func @transform_5(%arg0: i32) -> (i32, i32) {
    %c0_i32 = arith.constant 0 : i32
    %c0_i32_0 = arith.constant 0 : i32
    return %arg0, %c0_i32 : i32, i32
  }
  func.func @transform_6(%arg0: i32) -> (i32, i32) {
    %c0_i32 = arith.constant 0 : i32
    %c0_i32_0 = arith.constant 0 : i32
    return %arg0, %c0_i32 : i32, i32
  }
  func.func @transform_7(%arg0: i32) -> (i32, i32) {
    %c0_i32 = arith.constant 0 : i32
    %c0_i32_0 = arith.constant 0 : i32
    %c0_i32_1 = arith.constant 0 : i32
    return %c0_i32, %c0_i32_0 : i32, i32
  }
  func.func @transform_8(%arg0: i32) -> (i32, i32) {
    %c0_i32 = arith.constant 0 : i32
    %c0_i32_0 = arith.constant 0 : i32
    %c0_i32_1 = arith.constant 0 : i32
    return %c0_i32, %c0_i32_0 : i32, i32
  }
  func.func @transform_9(%arg0: i32) -> (i32, i32) {
    %c0_i32 = arith.constant 0 : i32
    %c0_i32_0 = arith.constant 0 : i32
    %c0_i32_1 = arith.constant 0 : i32
    return %c0_i32, %c0_i32_0 : i32, i32
  }
  func.func @transform_10(%arg0: i32) -> (i32, i32) {
    %c0_i32 = arith.constant 0 : i32
    %c0_i32_0 = arith.constant 0 : i32
    return %arg0, %c0_i32 : i32, i32
  }
  func.func @transform_11(%arg0: i32) -> (i32, i32) {
    %c0_i32 = arith.constant 0 : i32
    %c0_i32_0 = arith.constant 0 : i32
    return %arg0, %c0_i32 : i32, i32
  }
}

module attributes {stable_mosaic.version = 14 : i64} {
  func.func @_tc_fin_body(%arg0: i32, %arg1: memref<1280x128xf32, #tpu.memory_space<vmem>>, %arg2: memref<1280x128xf32, #tpu.memory_space<vmem>>, %arg3: memref<80x128xf32, #tpu.memory_space<vmem>>, %arg4: memref<80x128xf32, #tpu.memory_space<vmem>>, %arg5: memref<1280x128xf32, #tpu.memory_space<vmem>>, %arg6: memref<1280x80xf32, #tpu.memory_space<vmem>>, %arg7: memref<1280x128xf32, #tpu.memory_space<vmem>>, %arg8: memref<1280x128xf32, #tpu.memory_space<vmem>>) attributes {dimension_semantics = [#tpu.dimension_semantics<arbitrary>], iteration_bounds = array<i64: 8>, scalar_prefetch = 0 : i64, scratch_operands = 0 : i64, tpu.core_type = #tpu.core_type<tc>, window_params = [{transform_indices = @transform_0, window_bounds = array<i64: 1280, 128>}, {transform_indices = @transform_1, window_bounds = array<i64: 1280, 128>}, {pipeline_mode = #tpu.pipeline_mode<synchronous>, transform_indices = @transform_2, window_bounds = array<i64: 80, 128>}, {pipeline_mode = #tpu.pipeline_mode<synchronous>, transform_indices = @transform_3, window_bounds = array<i64: 80, 128>}, {transform_indices = @transform_4, window_bounds = array<i64: 1280, 128>}, {transform_indices = @transform_5, window_bounds = array<i64: 1280, 80>}, {transform_indices = @transform_6, window_bounds = array<i64: 1280, 128>}, {transform_indices = @transform_7, window_bounds = array<i64: 1280, 128>}]} {
    %get3A = arith.constant 0 : index
    %get3A_0 = arith.constant 0 : index
    %get3A_1 = vector.load %arg3[%get3A, %get3A_0] : memref<80x128xf32, #tpu.memory_space<vmem>>, vector<80x128xf32>
    %get3A_2 = arith.constant 0 : index
    %get3A_3 = arith.constant 0 : index
    %get3A_4 = vector.load %arg4[%get3A_2, %get3A_3] : memref<80x128xf32, #tpu.memory_space<vmem>>, vector<80x128xf32>
    %get3A_5 = arith.constant 0 : index
    %get3A_6 = arith.constant 0 : index
    %get3A_7 = vector.load %arg6[%get3A_5, %get3A_6] : memref<1280x80xf32, #tpu.memory_space<vmem>>, vector<1280x80xf32>
    %get3A_8 = arith.constant 0 : index
    %get3A_9 = arith.constant 0 : index
    %get3A_10 = vector.load %arg7[%get3A_8, %get3A_9] : memref<1280x128xf32, #tpu.memory_space<vmem>>, vector<1280x128xf32>
    %add3A = arith.addf %get3A_1, %get3A_4 : vector<80x128xf32>
    %dot_general3A = arith.constant dense<0.000000e+00> : vector<1280x128xf32>
    %dot_general3A_11 = tpu.matmul %get3A_7, %add3A, %dot_general3A {dimension_numbers = #tpu.dot_dimension_numbers<[1], [0], [0], [1], [0, 0, 1, 1], [], []>, precision = #tpu.contract_precision<fp32>, transpose_lhs_hint = false} : vector<1280x80xf32>, vector<80x128xf32>, vector<1280x128xf32> -> vector<1280x128xf32>
    %mul3A = arith.mulf %dot_general3A_11, %get3A_10 : vector<1280x128xf32>
    %reduce_sum3A = arith.constant dense<0.000000e+00> : vector<1280xf32>
    %reduce_sum3A_12 = vector.multi_reduction <add>, %mul3A, %reduce_sum3A [1] : vector<1280x128xf32> to vector<1280xf32>
    %broadcast_in_dim3A = vector.shape_cast %reduce_sum3A_12 : vector<1280xf32> to vector<1280x1xf32>
    %max3A = arith.constant 1.000000e+00 : f32
    %max3A_13 = vector.broadcast %max3A : f32 to vector<1280x1xf32>
    %max3A_14 = arith.maximumf %broadcast_in_dim3A, %max3A_13 : vector<1280x1xf32>
    %get3A_15 = arith.constant 0 : index
    %get3A_16 = arith.constant 0 : index
    %get3A_17 = vector.load %arg1[%get3A_15, %get3A_16] : memref<1280x128xf32, #tpu.memory_space<vmem>>, vector<1280x128xf32>
    %get3A_18 = arith.constant 0 : index
    %get3A_19 = arith.constant 0 : index
    %get3A_20 = vector.load %arg2[%get3A_18, %get3A_19] : memref<1280x128xf32, #tpu.memory_space<vmem>>, vector<1280x128xf32>
    %add3A_21 = arith.addf %get3A_17, %get3A_20 : vector<1280x128xf32>
    %div3A = vector.broadcast %max3A_14 : vector<1280x1xf32> to vector<1280x128xf32>
    %div3A_22 = arith.divf %add3A_21, %div3A : vector<1280x128xf32>
    %get3A_23 = arith.constant 0 : index
    %get3A_24 = arith.constant 0 : index
    %get3A_25 = vector.load %arg5[%get3A_23, %get3A_24] : memref<1280x128xf32, #tpu.memory_space<vmem>>, vector<1280x128xf32>
    %add3A_26 = arith.addf %div3A_22, %get3A_25 : vector<1280x128xf32>
    %swap3A = arith.constant 0 : index
    %swap3A_27 = arith.constant 0 : index
    %swap3A_28 = vector.load %arg8[%swap3A, %swap3A_27] : memref<1280x128xf32, #tpu.memory_space<vmem>>, vector<1280x128xf32>
    tpu.vector_store %arg8[%swap3A, %swap3A_27], %add3A_26 {strides = array<i32>} : memref<1280x128xf32, #tpu.memory_space<vmem>>, vector<1280x128xf32>,
    return
  }
  func.func @transform_0(%arg0: i32) -> (i32, i32) {
    %c0_i32 = arith.constant 0 : i32
    %c0_i32_0 = arith.constant 0 : i32
    return %arg0, %c0_i32 : i32, i32
  }
  func.func @transform_1(%arg0: i32) -> (i32, i32) {
    %c0_i32 = arith.constant 0 : i32
    %c0_i32_0 = arith.constant 0 : i32
    return %arg0, %c0_i32 : i32, i32
  }
  func.func @transform_2(%arg0: i32) -> (i32, i32) {
    %c0_i32 = arith.constant 0 : i32
    %c0_i32_0 = arith.constant 0 : i32
    %c0_i32_1 = arith.constant 0 : i32
    return %c0_i32, %c0_i32_0 : i32, i32
  }
  func.func @transform_3(%arg0: i32) -> (i32, i32) {
    %c0_i32 = arith.constant 0 : i32
    %c0_i32_0 = arith.constant 0 : i32
    %c0_i32_1 = arith.constant 0 : i32
    return %c0_i32, %c0_i32_0 : i32, i32
  }
  func.func @transform_4(%arg0: i32) -> (i32, i32) {
    %c0_i32 = arith.constant 0 : i32
    %c0_i32_0 = arith.constant 0 : i32
    return %arg0, %c0_i32 : i32, i32
  }
  func.func @transform_5(%arg0: i32) -> (i32, i32) {
    %c0_i32 = arith.constant 0 : i32
    %c0_i32_0 = arith.constant 0 : i32
    return %arg0, %c0_i32 : i32, i32
  }
  func.func @transform_6(%arg0: i32) -> (i32, i32) {
    %c0_i32 = arith.constant 0 : i32
    %c0_i32_0 = arith.constant 0 : i32
    return %arg0, %c0_i32 : i32, i32
  }
  func.func @transform_7(%arg0: i32) -> (i32, i32) {
    %c0_i32 = arith.constant 0 : i32
    %c0_i32_0 = arith.constant 0 : i32
    return %arg0, %c0_i32 : i32, i32
  }
}

</mosaic_0001>

<sc_bundles>
// kernel: kernel.10.cloned.1.call-start
scs
__scs_entry_jumppad:
0x0: {  	(pc) =	sbr.rel $0x88, $3  }
0x1: {  	(tag) =	ssettag $0x0;
	lr =	simm.s32 $0x1  }
0x2: {  	[smem:$0x3F99] =	sst lr;
	_ =	strace $0xD0000000  }
0x3: {  	_ = 	snop  }
0x4: {  	_ = 	snop  }
0x5: {  	_ = 	snop  }
0x6: {  	_ = 	snop  }
0x7: {  	_ = 	snop  }
__scs_overlays_trampoline_lowered:
0x8: {  	[smem:$0x3FA8] =	sst s0  }
0x9: {  	[smem:$0x3FA9] =	sst s1  }
0xa: {  	[smem:$0x3FAA] =	sst s2  }
0xb: {  	[smem:$0x3FAB] =	sst s3  }
0xc: {  	[smem:$0x3FAC] =	sst s4  }
0xd: {  	[smem:$0x3FAD] =	sst s5  }
0xe: {  	[smem:$0x3FAE] =	sst s6  }
0xf: {  	[smem:$0x3FAF] =	sst s7  }
0x10: {  	[smem:$0x3FB0] =	sst s8  }
0x11: {  	[smem:$0x3FB1] =	sst s9;
	s0 =	simm.s32 @!p0 $0x0  }
0x12: {  	s1 =	sld [smem:$0x3F97];
	s0 =	simm.s32 @p0 $0x1  }
0x13: {  	[smem:$0x3FB2] =	sst s0;
	s0 =	simm.s32 @!p1 $0x0  }
0x14: {  	s2 =	sld [smem:$0x3F96];
	s0 =	simm.s32 @p1 $0x1  }
0x15: {  	[smem:$0x3FB3] =	sst s0;
	s0 =	simm.s32 @!p2 $0x0  }
0x16: {  	s3 =	sld [smem:$0x3FDB];
	s0 =	simm.s32 @p2 $0x1  }
0x17: {  	s4 =	simm.s32 $0x1BF5;
	[smem:$0x3FB5] =	sst s0  }
0x18: {  	s0 =	sld [smem:$0x3F98];
	_ =	swait.ge [sflag:s4], $0x0  }
0x19: {  	s7 =	sld [smem:$0x3F99]  }
0x1a: {  	s8 =	sadd.s32 $0xFFFFE003, lr  }
0x1b: {  	s9 =	sadd.s32 $0xFFFFFEF7, lr;
	s5 =	simm.s32 $0xFFFFFFFF;
	p2 =	slt.u32 s8, $0xFFFFF086  }
0x1c: {  	p1 =	slt.u32 s9, $0xF7A;
	s5 =	simm.s32 @!p2 $0x0  }
0x1d: {  	s5 =	simm.s32 @p1 $0x1;
	p0 =	seq.s32 s7, s2  }
0x1e: {  	s7 =	smul.u32 @!p0 $0xF7A, s2;
	p2 =	seq.s32 @!p0 s5, $0x0  }
0x1f: {  	s9 =	smul.u32 $0xF7A, s1;
	s8 =	simm.s32 @!p0 $0x1BF5;
	p2 =	por !p2, p0  }
0x20: {  	[sflag:s8] =	ssyncset.s32 @!p0 $0xFFFFF086;
	s6 =	sadd.s32 @!p0 s3, s7;
	s7 =	simm.s32 @!p0 $0x108  }
0x21: {  	s3 =	sadd.s32 s3, s9;
	s6 =	sadd.s32 @!p0 $0x88, s6;
	s7 =	simm.s32 @p2 $0x1082  }
0x22: {  	[simem:s7], [sflag:s8] =	dma.local @!p0 [hbm:s6], $0xF7A  }
0x23: {  	s9 =	sor.u32 $0xD0000000, s2;
	s6 =	simm.s32 $0x108;
	_ =	swait.ge @!p0 [sflag:s8], $0x0  }
0x24: {  	s3 =	sadd.s32 $0x88, s3;
	s6 =	simm.s32 @!p1 $0x1082;
	[sflag:s4] =	ssyncset.s32 $0xFFFFF086  }
0x25: {  	[simem:s6], [sflag:s4] =	dma.local [hbm:s3], $0xF7A  }
0x26: {  	[smem:$0x3F99] =	sst s1;
	(tag) =	ssettag s2;
	_ =	strace s9  }
0x27: {  	s1 =	sld [smem:$0x3FA9]  }
0x28: {  	s2 =	sld [smem:$0x3FAA]  }
0x29: {  	s4 =	sld [smem:$0x3FAC]  }
0x2a: {  	p0 =	seq.s32 s5, $0x0;
	s5 =	sld [smem:$0x3FAD]  }
0x2b: {  	s6 =	sld [smem:$0x3FAE]  }
0x2c: {  	s7 =	sld [smem:$0x3FAF]  }
0x2d: {  	s3 =	simm.s32 $0x108;
	s8 =	sld [smem:$0x3FB0]  }
0x2e: {  	s3 =	simm.s32 @!p0 $0x1082;
	s9 =	sld [smem:$0x3FB1]  }
0x2f: {  	lr =	sadd.s32 s0, s3;
	s0 =	sld [smem:$0x3FA8]  }
0x30: {  	s3 =	sld [smem:$0x3FAB]  }
0x31: {  	[smem:$0x3FB4] =	sst s10  }
0x32: {  	s10 =	sld [smem:$0x3FB2];
	_ =	sdelay $0x3  }
0x33: {  	p0 =	seq.s32 s10, $0x1;
	s10 =	sld [smem:$0x3FB4];
	_ =	sdelay $0x3  }
0x34: {  	[smem:$0x3FB4] =	sst s10  }
0x35: {  	s10 =	sld [smem:$0x3FB3];
	_ =	sdelay $0x3  }
0x36: {  	p1 =	seq.s32 s10, $0x1;
	s10 =	sld [smem:$0x3FB4];
	_ =	sdelay $0x3  }
0x37: {  	[smem:$0x3FB4] =	sst s10  }
0x38: {  	s10 =	sld [smem:$0x3FB5]  }
0x39: {  	_ = 	snop;
	(pc) =	sbr.ind lr, $3  }
0x3a: {  	_ = 	snop  }
0x3b: {  	_ = 	snop  }
0x3c: {  	p2 =	seq.s32 s10, $0x1;
	s10 =	sld [smem:$0x3FB4]  }
0x3d: {  	_ =	shalt  }
0x3e: {  	_ =	shalt  }
0x3f: {  	_ =	shalt  }
0x40: {  	_ =	shalt  }
0x41: {  	_ =	shalt  }
0x42: {  	_ =	shalt  }
0x43: {  	_ =	shalt  }
0x44: {  	_ =	shalt  }
0x45: {  	_ =	shalt  }
0x46: {  	_ =	shalt  }
0x47: {  	_ =	shalt  }
0x48: {  	_ =	shalt  }
0x49: {  	_ =	shalt  }
0x4a: {  	_ =	shalt  }
0x4b: {  	_ =	shalt  }
0x4c: {  	_ =	shalt  }
0x4d: {  	_ =	shalt  }
0x4e: {  	_ =	shalt  }
0x4f: {  	_ =	shalt  }
0x50: {  	_ =	shalt  }
0x51: {  	_ =	shalt  }
0x52: {  	_ =	shalt  }
0x53: {  	_ =	shalt  }
0x54: {  	_ =	shalt  }
0x55: {  	_ =	shalt  }
0x56: {  	_ =	shalt  }
0x57: {  	_ =	shalt  }
0x58: {  	_ =	shalt  }
0x59: {  	_ =	shalt  }
0x5a: {  	_ =	shalt  }
0x5b: {  	_ =	shalt  }
0x5c: {  	_ =	shalt  }
0x5d: {  	_ =	shalt  }
0x5e: {  	_ =	shalt  }
0x5f: {  	_ =	shalt  }
0x60: {  	_ =	shalt  }
0x61: {  	_ =	shalt  }
0x62: {  	_ =	shalt  }
0x63: {  	_ =	shalt  }
0x64: {  	_ =	shalt  }
0x65: {  	_ =	shalt  }
0x66: {  	_ =	shalt  }
0x67: {  	_ =	shalt  }
0x68: {  	_ =	shalt  }
0x69: {  	_ =	shalt  }
0x6a: {  	_ =	shalt  }
0x6b: {  	_ =	shalt  }
0x6c: {  	_ =	shalt  }
0x6d: {  	_ =	shalt  }
0x6e: {  	_ =	shalt  }
0x6f: {  	_ =	shalt  }
0x70: {  	_ =	shalt  }
0x71: {  	_ =	shalt  }
0x72: {  	_ =	shalt  }
0x73: {  	_ =	shalt  }
0x74: {  	_ =	shalt  }
0x75: {  	_ =	shalt  }
0x76: {  	_ =	shalt  }
0x77: {  	_ =	shalt  }
0x78: {  	_ =	shalt  }
0x79: {  	_ =	shalt  }
0x7a: {  	_ =	shalt  }
0x7b: {  	_ =	shalt  }
0x7c: {  	_ =	shalt  }
0x7d: {  	_ =	shalt  }
0x7e: {  	_ =	shalt  }
0x7f: {  	_ =	shalt  }
0x80: {  	_ =	shalt  }
0x81: {  	_ =	shalt  }
0x82: {  	_ =	shalt  }
0x83: {  	_ =	shalt  }
0x84: {  	_ =	shalt  }
0x85: {  	_ =	shalt  }
0x86: {  	_ =	shalt  }
0x87: {  	_ =	shalt  }
.Lfunc_end0:
.L_simem_size_0:
called_computation.1_lowered:
.L_overlay_start_0:
0x88: {  	s2 =	sld [smem:$0x3FD9]  }
0x89: {  	s3 =	sld [smem:$0x3FFE];
	_ =	sdelay $0x1  }
0x8a: {  	s1 =	srdreg.scid  }
0x8b: {  	s0 =	sand.u32 $0x1, s1  }
0x8c: {  	s17 =	sshll.u32 s0, $0xA;
	s2 =	sadd.s32 s3, s2  }
0x8d: {  	s2 =	sadd.s32 s2, s17  }
0x8e: {  	[smem:$0x3FC0] =	sst s2  }
0x8f: {  	_ = 	snop  }
0x90: {  	s2 =	sld [smem:$0x3FD0];
	(tm) =	ssettm $0x1  }
0x91: {  	s18 =	sld [smem:$0x3FFB];
	_ =	sdelay $0x3  }
0x92: {  	_ =	strace s18  }
0x93: {  	s3 =	sld [smem:$0x3FFC];
	_ =	sdelay $0x3  }
0x94: {  	_ =	strace s3  }
0x95: {  	s3 =	sld [smem:$0x3FFD];
	_ =	sdelay $0x3  }
0x96: {  	_ =	strace s3  }
0x97: {  	_ =	strace $0x8FFFFFFF  }
0x98: {  	s19 =	sld [smem:$0x3FDB];
	_ =	sdelay $0x1  }
0x99: {  	s4 =	simm.s32 $_scs_section_size  }
0x9a: {  	s5 =	simm.s32 $_size__tile_overlayer_lowered;
	s6 =	simm.s32 $_tile_overlayer_lowered  }
0x9b: {  	s22 =	simm.s32 $0x1BFF;
	s21 =	sshll.u32 s6, $0x1;
	s3 =	sadd.s32 s4, s19  }
0x9c: {  	s7 =	simm.s32 $0x0;
	s20 =	sshll.u32 s5, $0x1;
	s5 =	sadd.s32 s21, s3  }
0x9d: {  	[timem:s7], [sflag:s22] =	dma.local [hbm:s5], s20  }
0x9e: {  	_ =	swait.ge [sflag:s22], s20  }
0x9f: {  	s4 =	ssub.s32 $0x0, s20;
	[sflag:s22] =	ssyncset.done $0x0  }
0xa0: {  	[sflag:s22] =	ssyncadd.s32 s4;
	_ =	sdelay $0x1  }
0xa1: {  	s23 =	simm.s32 $0x1B8B  }
0xa2: {  	_ =	swait.ge [sflag:s23], $0x1  }
0xa3: {  	[sflag:s23] =	ssyncset.done $0x0  }
0xa4: {  	s25 =	simm.s32 $0x1B8E;
	s24 =	sld [smem:$0x3FFE];
	[sflag:s23] =	ssyncadd.s32 $0xFFFFFFFF  }
0xa5: {  	s26 =	simm.s32 $execute0_lowered;
	[smem:$0x3FD2] =	sst s25  }
0xa6: {  	s5 =	sshll.u32 s26, $0x1;
	_ =	strace $0x80000049;
	[dreg:$0x1] =	wrdreg $0xFFFFFFFF  }
0xa7: {  	s28 =	simm.s32 $_size_execute0_lowered;
	s3 =	sadd.s32 s3, s5;
	[dreg:$0x0] =	wrdreg $0x0  }
0xa8: {  	s5 =	sshll.u32 s28, $0x1;
	[dreg:$0x2] =	wrdreg s3  }
0xa9: {  	[dreg:$0x3] =	wrdreg s5  }
0xaa: {  	[dreg:$0x4] =	wrdreg $0xC0  }
0xab: {  	_ =	task [dreg:s7], $0x5FFFF  }
0xac: {  	[dreg:$0x1] =	wrdreg $0xFFFFFFFF  }
0xad: {  	[dreg:$0x0] =	wrdreg $0x60  }
0xae: {  	[dreg:$0x2] =	wrdreg s24  }
0xaf: {  	[dreg:$0x3] =	wrdreg s2  }
0xb0: {  	[dreg:$0x4] =	wrdreg $0x0  }
0xb1: {  	[dreg:$0x5] =	wrdreg $0x9  }
0xb2: {  	_ =	task.clear_ibuf [dreg:s7], $0x6FFFF;
	_ =	strace $0x90000049  }
0xb3: {  	s29 =	simm.s32 $0x9;
	_ =	strace $0x8000004B  }
0xb4: {  	_ =	swait.ge [sflag:s29], $0x1  }
0xb5: {  	[sflag:s29] =	ssyncadd.s32 $0xFFFFFFFF  }
0xb6: {  	_ =	strace $0x9000004B  }
0xb7: {  	_ =	sfence  }
0xb8: {  	s30 =	sld [smem:$0x0];
	_ =	sdelay $0x2  }
0xb9: {  	s31 =	sshll.u32 s1, $0xD;
	s1 =	sshrl.u32 s1, $0x2  }
0xba: {  	s3 =	sand.u32 $0x4000, s31;
	s1 =	sadd.s32 s1, s30  }
0xbb: {  	s0 =	sor.u32 s3, s0;
	s1 =	sshll.u32 s1, $0x11  }
0xbc: {  	s0 =	sor.u32 s1, s0  }
0xbd: {  	s0 =	sadd.s32 $0x8F2B, s0  }
0xbe: {  	[sflag:s0] =	ssyncadd.remote.s32 $0x1  }
0xbf: {  	_ =	sfence.sel $0xFFFF  }
0xc0: {  	[dreg:$0x0] =	wrdreg $0xFFFFFFFF;
	(pc) =	sbr.abs _section_cstart, $3  }
0xc1: {  	[dreg:$0x1] =	wrdreg $0xFFFFFFFF  }
0xc2: {  	_ =	task.clear_ibuf [dreg:s7], $0x2FFFF;
	_ =	strace $0x9FFFFFFF  }
0xc3: {  	(tm) =	ssettm $0x7FFFFFFF  }
tec
execute0_lowered:
.L_overlay_start_1:
0x0: {  	(tag) =	ssettag $0x1  }
0x1: {  	s0 =	rddreg [dreg:$0x0]  }
0x2: {  	s1 =	rddreg [dreg:$0x1]  }
0x3: {  	s2 =	rddreg [dreg:$0x2];
	s14 =	stileid.u32;
	s3 =	simm.s32 $0x0  }
0x4: {  	s4 =	srdreg.scid;
	s28 =	simm.s32 $0x14080;
	s29 =	simm.s32 $0x80  }
0x5: {  	s30 =	simm.s32 $0x14000;
	s31 =	simm.s32 $0x14100;
	s5 =	smul.u32 $0x280, s14  }
0x6: {  	[smem:$0x7FF] =	sst s3;
	s11 =	sand.u32 $0x1, s4;
	s4 =	sadd.s32 $0xC800, s0  }
0x7: {  	s12 =	sadd.s32 $0x2800, s0;
	s15 =	sadd.s32 $0x5D400, s0;
	_ =	strace $0x8000004A  }
0x8: {  	s7 =	smul.u32 $0x2800, s11;
	[dreg:$0x4] =	wrdreg s15;
	s16 =	sshll.u32 s11, $0x4  }
0x9: {  	s17 =	ssub.s32 $0x2, s11;
	s11 =	smul.u32 $0x28000, s11;
	s6 =	sshrl.u32 s5, $0x3  }
0xa: {  	s18 =	sshrl.u32 s17, $0x1;
	s10 =	sadd.s32 s6, s0;
	s5 =	sadd.s32 s5, s7  }
0xb: {  	s6 =	sor.u32 s14, s16;
	s14 =	smul.u32 $0x2800, s14;
	s5 =	sshll.u32 s5, $0x4  }
0xc: {  	s13 =	smul.u32 $0x2800, s6;
	s6 =	sadd.s32 $0x5C800, s10;
	s7 =	sadd.s32 $0x5C810, s10  }
0xd: {  	s8 =	sadd.s32 $0x5C820, s10;
	s9 =	sadd.s32 $0x5C830, s10;
	s10 =	sadd.s32 $0x5C840, s10  }
0xe: {  	s0 =	sadd.s32 s5, s0;
	s5 =	ssub.s32 s17, s18;
	s11 =	sadd.s32 s14, s11  }
0xf: {  	s14 =	simm.s32 $0x0;
	s13 =	sshrl.u32 s13, $0x3;
	s21 =	sadd.s32 $0x5DC00, s0  }
0x10: {  	s22 =	sadd.s32 $0x5E400, s0;
	s23 =	sadd.s32 $0x5EC00, s0;
	s18 =	sadd.s32 $0x5F400, s0  }
0x11: {  	s24 =	sor.u32 $0x180, s11;
	s25 =	sor.u32 $0x100, s11;
	[dreg:$0x9] =	wrdreg s21  }
0x12: {  	s11 =	simm.s32 $0x2;
	s15 =	sadd.s32 s1, s13;
	[dreg:$0xa] =	wrdreg s22  }
0x13: {  	s19 =	sadd.s32 s12, s13;
	s13 =	sor.u32 $0x10, s13;
	[dreg:$0xb] =	wrdreg s23  }
0x14: {  	s26 =	sshrl.u32 s25, $0x3;
	s25 =	simm.s32 $0x14200;
	[dreg:$0x5] =	wrdreg s15  }
0x15: {  	[dreg:$0x6] =	wrdreg s19;
	s20 =	sadd.s32 s1, s13;
	s13 =	sadd.s32 s12, s13  }
0x16: {  	s19 =	sadd.s32 $0x5FC00, s0;
	s0 =	sshrl.u32 s24, $0x3;
	s23 =	sadd.s32 s26, s12  }
0x17: {  	s24 =	sadd.s32 s26, s1;
	s26 =	simm.s32 $0x5;
	[dreg:$0x7] =	wrdreg s20  }
0x18: {  	[dreg:$0x8] =	wrdreg s13;
	s20 =	smax.u32 s5, $0x1;
	s21 =	sadd.s32 s0, s12  }
0x19: {  	s22 =	sadd.s32 s0, s1;
	s0 =	simm.s32 $0x14180;
	s1 =	simm.s32 $0x18200  }
0x1a: {  	s5 =	simm.s32 $0x1;
	s12 =	simm.s32 $0x3;
	s13 =	simm.s32 $0x4  }
.LBB2_1:
0x1b: {  	s15 =	rddreg [dreg:$0x4]  }
0x1c: {  	[tilespmem:s25], [sflag:$0x5] =	stream.linear.gather [hbm4b:s15+s3], $0x4000, $0x38;
	[tilespmem:$0x1C200] =	vst v63  }
0x1d: {  	_ =	swait.ge [sflag:s26], $0x4000  }
0x1e: {  	[sflag:s26] =	ssyncset.done $0x0  }
0x1f: {  	[sflag:s26] =	ssyncadd.s32 $0xFFFFC000  }
0x20: {  	[tilespmem:s28], [sflag:$0x5] =	stream.linear.gather [hbm4b:s6+s3], $0x80, $0x38;
	[tilespmem:$0x1C200] =	vst v63  }
0x21: {  	_ =	swait.ge [sflag:s26], $0x80  }
0x22: {  	[sflag:s26] =	ssyncset.done $0x0  }
0x23: {  	[sflag:s26] =	ssyncadd.s32 $0xFFFFFF80  }
0x24: {  	[spmem:s2] =	stream.indirect.scatter [tilespmem:s25], [sflag:$0x5], $0x80, s28, s29, $0xb8;
	[tilespmem:$0x1C200] =	vst v63  }
0x25: {  	_ =	swait.ge [sflag:s26], $0x4000  }
0x26: {  	[sflag:s26] =	ssyncset.done $0x0  }
0x27: {  	[sflag:s26] =	ssyncadd.s32 $0xFFFFC000  }
0x28: {  	[tilespmem:s28], [sflag:$0x5] =	stream.linear.gather [hbm4b:s7+s3], $0x80, $0x38;
	[tilespmem:$0x1C200] =	vst v63  }
0x29: {  	_ =	swait.ge [sflag:s26], $0x80  }
0x2a: {  	[sflag:s26] =	ssyncset.done $0x0  }
0x2b: {  	[sflag:s26] =	ssyncadd.s32 $0xFFFFFF80  }
0x2c: {  	[spmem:s2] =	stream.indirect.scatter [tilespmem:s25], [sflag:$0x5], $0x80, s28, s29, $0xb8;
	[tilespmem:$0x1C200] =	vst v63  }
0x2d: {  	_ =	swait.ge [sflag:s26], $0x4000  }
0x2e: {  	[sflag:s26] =	ssyncset.done $0x0  }
0x2f: {  	[sflag:s26] =	ssyncadd.s32 $0xFFFFC000  }
0x30: {  	[tilespmem:s28], [sflag:$0x5] =	stream.linear.gather [hbm4b:s8+s3], $0x80, $0x38;
	[tilespmem:$0x1C200] =	vst v63  }
0x31: {  	_ =	swait.ge [sflag:s26], $0x80  }
0x32: {  	[sflag:s26] =	ssyncset.done $0x0  }
0x33: {  	[sflag:s26] =	ssyncadd.s32 $0xFFFFFF80  }
0x34: {  	[spmem:s2] =	stream.indirect.scatter [tilespmem:s25], [sflag:$0x5], $0x80, s28, s29, $0xb8;
	[tilespmem:$0x1C200] =	vst v63  }
0x35: {  	_ =	swait.ge [sflag:s26], $0x4000  }
0x36: {  	[sflag:s26] =	ssyncset.done $0x0  }
0x37: {  	[sflag:s26] =	ssyncadd.s32 $0xFFFFC000  }
0x38: {  	[tilespmem:s28], [sflag:$0x5] =	stream.linear.gather [hbm4b:s9+s3], $0x80, $0x38;
	[tilespmem:$0x1C200] =	vst v63  }
0x39: {  	_ =	swait.ge [sflag:s26], $0x80  }
0x3a: {  	[sflag:s26] =	ssyncset.done $0x0  }
0x3b: {  	[sflag:s26] =	ssyncadd.s32 $0xFFFFFF80  }
0x3c: {  	[spmem:s2] =	stream.indirect.scatter [tilespmem:s25], [sflag:$0x5], $0x80, s28, s29, $0xb8;
	[tilespmem:$0x1C200] =	vst v63  }
0x3d: {  	_ =	swait.ge [sflag:s26], $0x4000  }
0x3e: {  	[sflag:s26] =	ssyncset.done $0x0  }
0x3f: {  	[sflag:s26] =	ssyncadd.s32 $0xFFFFC000  }
0x40: {  	[tilespmem:s28], [sflag:$0x5] =	stream.linear.gather [hbm4b:s10+s3], $0x80, $0x38;
	[tilespmem:$0x1C200] =	vst v63  }
0x41: {  	_ =	swait.ge [sflag:s26], $0x80  }
0x42: {  	[sflag:s26] =	ssyncset.done $0x0  }
0x43: {  	[sflag:s26] =	ssyncadd.s32 $0xFFFFFF80  }
0x44: {  	[spmem:s2] =	stream.indirect.scatter [tilespmem:s25], [sflag:$0x5], $0x80, s28, s29, $0xb8;
	[tilespmem:$0x1C200] =	vst v63  }
0x45: {  	_ =	swait.ge [sflag:s26], $0x4000  }
0x46: {  	[sflag:s26] =	ssyncset.done $0x0  }
0x47: {  	[sflag:s26] =	ssyncadd.s32 $0xFFFFC000  }
0x48: {  	[bflag:$0x0] =	sbarrier.arrive $0xFFFF  }
0x49: {  	s16 =	rddreg [dreg:$0x5]  }
0x4a: {  	[tilespmem:s30], [sflag:$0x5] =	stream.linear.gather [hbm4b:s16+s3], $0x80, $0x38;
	[tilespmem:$0x1C200] =	vst v63  }
0x4b: {  	_ =	swait.ge [sflag:s26], $0x80  }
0x4c: {  	[sflag:s26] =	ssyncset.done $0x0  }
0x4d: {  	s17 =	rddreg [dreg:$0x6];
	[sflag:s26] =	ssyncadd.s32 $0xFFFFFF80  }
0x4e: {  	[tilespmem:s28], [sflag:$0x5] =	stream.linear.gather [hbm4b:s17+s3], $0x80, $0x38;
	[tilespmem:$0x1C200] =	vst v63  }
0x4f: {  	_ =	swait.ge [sflag:s26], $0x80  }
0x50: {  	[sflag:s26] =	ssyncset.done $0x0  }
0x51: {  	[sflag:s26] =	ssyncadd.s32 $0xFFFFFF80  }
0x52: {  	[tilespmem:s25], [sflag:$0x1] =	stream.indirect.gather [hbm4b:s4+s29], $0x80, s30, s29, $0xb8;
	[tilespmem:$0x1C200] =	vst v63  }
0x53: {  	s16 =	rddreg [dreg:$0x7]  }
0x54: {  	[tilespmem:s31], [sflag:$0x5] =	stream.linear.gather [hbm4b:s16+s3], $0x80, $0x38;
	[tilespmem:$0x1C200] =	vst v63  }
0x55: {  	_ =	swait.ge [sflag:s26], $0x80  }
0x56: {  	[sflag:s26] =	ssyncset.done $0x0  }
0x57: {  	s17 =	rddreg [dreg:$0x8];
	[sflag:s26] =	ssyncadd.s32 $0xFFFFFF80  }
0x58: {  	[tilespmem:s0], [sflag:$0x5] =	stream.linear.gather [hbm4b:s17+s3], $0x80, $0x38;
	[tilespmem:$0x1C200] =	vst v63  }
0x59: {  	_ =	swait.ge [sflag:s26], $0x80  }
0x5a: {  	[sflag:s26] =	ssyncset.done $0x0  }
0x5b: {  	[sflag:s26] =	ssyncadd.s32 $0xFFFFFF80  }
0x5c: {  	[tilespmem:s1], [sflag:$0x2] =	stream.indirect.gather [hbm4b:s4+s29], $0x80, s31, s29, $0xb8;
	[tilespmem:$0x1C200] =	vst v63  }
0x5d: {  	_ =	swait.ge [sflag:s5], $0x4000  }
0x5e: {  	[sflag:s5] =	ssyncset.done $0x0  }
0x5f: {  	[sflag:s5] =	ssyncadd.s32 $0xFFFFC000  }
0x60: {  	[spmem:s2] =	stream.indirect.scatter.add.f32 [tilespmem:s25], [sflag:$0x3], $0x80, s28, s29, $0xb8;
	[tilespmem:$0x1C200] =	vst v63  }
0x61: {  	_ =	swait.ge [sflag:s11], $0x4000  }
0x62: {  	[sflag:s11] =	ssyncset.done $0x0  }
0x63: {  	[sflag:s11] =	ssyncadd.s32 $0xFFFFC000  }
0x64: {  	[spmem:s2] =	stream.indirect.scatter.add.f32 [tilespmem:s1], [sflag:$0x4], $0x80, s0, s29, $0xb8;
	[tilespmem:$0x1C200] =	vst v63  }
0x65: {  	_ =	swait.ge [sflag:s12], $0x4000  }
0x66: {  	[sflag:s12] =	ssyncset.done $0x0  }
0x67: {  	s16 =	sadd.s32 $0x0, s24;
	[sflag:s12] =	ssyncadd.s32 $0xFFFFC000  }
0x68: {  	[tilespmem:s30], [sflag:$0x5] =	stream.linear.gather [hbm4b:s16+s3], $0x80, $0x38;
	[tilespmem:$0x1C200] =	vst v63  }
0x69: {  	_ =	swait.ge [sflag:s26], $0x80  }
0x6a: {  	[sflag:s26] =	ssyncset.done $0x0  }
0x6b: {  	s17 =	sadd.s32 $0x0, s23;
	[sflag:s26] =	ssyncadd.s32 $0xFFFFFF80  }
0x6c: {  	[tilespmem:s28], [sflag:$0x5] =	stream.linear.gather [hbm4b:s17+s3], $0x80, $0x38;
	[tilespmem:$0x1C200] =	vst v63  }
0x6d: {  	_ =	swait.ge [sflag:s26], $0x80  }
0x6e: {  	[sflag:s26] =	ssyncset.done $0x0  }
0x6f: {  	[sflag:s26] =	ssyncadd.s32 $0xFFFFFF80  }
0x70: {  	[tilespmem:s25], [sflag:$0x1] =	stream.indirect.gather [hbm4b:s4+s29], $0x80, s30, s29, $0xb8;
	[tilespmem:$0x1C200] =	vst v63  }
0x71: {  	_ =	swait.ge [sflag:s13], $0x4000  }
0x72: {  	[sflag:s13] =	ssyncset.done $0x0  }
0x73: {  	s16 =	sadd.s32 $0x0, s22;
	[sflag:s13] =	ssyncadd.s32 $0xFFFFC000  }
0x74: {  	[tilespmem:s31], [sflag:$0x5] =	stream.linear.gather [hbm4b:s16+s3], $0x80, $0x38;
	[tilespmem:$0x1C200] =	vst v63  }
0x75: {  	_ =	swait.ge [sflag:s26], $0x80  }
0x76: {  	[sflag:s26] =	ssyncset.done $0x0  }
0x77: {  	s17 =	sadd.s32 $0x0, s21;
	[sflag:s26] =	ssyncadd.s32 $0xFFFFFF80  }
0x78: {  	[tilespmem:s0], [sflag:$0x5] =	stream.linear.gather [hbm4b:s17+s3], $0x80, $0x38;
	[tilespmem:$0x1C200] =	vst v63  }
0x79: {  	_ =	swait.ge [sflag:s26], $0x80  }
0x7a: {  	[sflag:s26] =	ssyncset.done $0x0  }
0x7b: {  	s15 =	simm.s32 $0x20;
	[sflag:s26] =	ssyncadd.s32 $0xFFFFFF80  }
.LBB2_2:
0x7c: {  	[tilespmem:s1], [sflag:$0x2] =	stream.indirect.gather [hbm4b:s4+s29], $0x80, s31, s29, $0xb8;
	[tilespmem:$0x1C200] =	vst v63  }
0x7d: {  	s16 =	smov.u32 s15  }
0x7e: {  	p0 =	sne.s32 s15, $0x4C0;
	s15 =	sadd.s32 $0x20, s15;
	_ =	swait.ge [sflag:s5], $0x4000  }
0x7f: {  	[sflag:s5] =	ssyncset.done $0x0  }
0x80: {  	[sflag:s5] =	ssyncadd.s32 $0xFFFFC000  }
0x81: {  	[spmem:s2] =	stream.indirect.scatter.add.f32 [tilespmem:s25], [sflag:$0x3], $0x80, s28, s29, $0xb8;
	[tilespmem:$0x1C200] =	vst v63  }
0x82: {  	_ =	swait.ge [sflag:s11], $0x4000  }
0x83: {  	[sflag:s11] =	ssyncset.done $0x0  }
0x84: {  	[sflag:s11] =	ssyncadd.s32 $0xFFFFC000  }
0x85: {  	[spmem:s2] =	stream.indirect.scatter.add.f32 [tilespmem:s1], [sflag:$0x4], $0x80, s0, s29, $0xb8;
	[tilespmem:$0x1C200] =	vst v63  }
0x86: {  	_ =	swait.ge [sflag:s12], $0x4000  }
0x87: {  	[sflag:s12] =	ssyncset.done $0x0  }
0x88: {  	s17 =	sadd.s32 s16, s24;
	[sflag:s12] =	ssyncadd.s32 $0xFFFFC000  }
0x89: {  	[tilespmem:s30], [sflag:$0x5] =	stream.linear.gather [hbm4b:s17+s3], $0x80, $0x38;
	[tilespmem:$0x1C200] =	vst v63  }
0x8a: {  	_ =	swait.ge [sflag:s26], $0x80  }
0x8b: {  	[sflag:s26] =	ssyncset.done $0x0  }
0x8c: {  	s17 =	sadd.s32 s16, s23;
	[sflag:s26] =	ssyncadd.s32 $0xFFFFFF80  }
0x8d: {  	[tilespmem:s28], [sflag:$0x5] =	stream.linear.gather [hbm4b:s17+s3], $0x80, $0x38;
	[tilespmem:$0x1C200] =	vst v63  }
0x8e: {  	_ =	swait.ge [sflag:s26], $0x80  }
0x8f: {  	[sflag:s26] =	ssyncset.done $0x0  }
0x90: {  	[sflag:s26] =	ssyncadd.s32 $0xFFFFFF80  }
0x91: {  	[tilespmem:s25], [sflag:$0x1] =	stream.indirect.gather [hbm4b:s4+s29], $0x80, s30, s29, $0xb8;
	[tilespmem:$0x1C200] =	vst v63  }
0x92: {  	_ =	swait.ge [sflag:s13], $0x4000  }
0x93: {  	[sflag:s13] =	ssyncset.done $0x0  }
0x94: {  	s17 =	sadd.s32 s16, s22;
	[sflag:s13] =	ssyncadd.s32 $0xFFFFC000  }
0x95: {  	[tilespmem:s31], [sflag:$0x5] =	stream.linear.gather [hbm4b:s17+s3], $0x80, $0x38;
	[tilespmem:$0x1C200] =	vst v63  }
0x96: {  	_ =	swait.ge [sflag:s26], $0x80  }
0x97: {  	[sflag:s26] =	ssyncset.done $0x0  }
.Ltmp0:
0x98: {  	s16 =	sadd.s32 s16, s21;
	[sflag:s26] =	ssyncadd.s32 $0xFFFFFF80;
	(pc) =	sbr.rel @p0 .LBB2_2-.Ltmp0, $4  }
0x99: {  	[tilespmem:s0], [sflag:$0x5] =	stream.linear.gather [hbm4b:s16+s3], $0x80, $0x38;
	[tilespmem:$0x1C200] =	vst v63  }
0x9a: {  	_ =	swait.ge [sflag:s26], $0x80  }
0x9b: {  	[sflag:s26] =	ssyncset.done $0x0  }
0x9c: {  	[sflag:s26] =	ssyncadd.s32 $0xFFFFFF80  }
0x9d: {  	[tilespmem:s1], [sflag:$0x2] =	stream.indirect.gather [hbm4b:s4+s29], $0x80, s31, s29, $0xb8;
	[tilespmem:$0x1C200] =	vst v63  }
0x9e: {  	_ =	swait.ge [sflag:s5], $0x4000  }
0x9f: {  	[sflag:s5] =	ssyncset.done $0x0  }
0xa0: {  	[sflag:s5] =	ssyncadd.s32 $0xFFFFC000  }
0xa1: {  	[spmem:s2] =	stream.indirect.scatter.add.f32 [tilespmem:s25], [sflag:$0x3], $0x80, s28, s29, $0xb8;
	[tilespmem:$0x1C200] =	vst v63  }
0xa2: {  	_ =	swait.ge [sflag:s11], $0x4000  }
0xa3: {  	[sflag:s11] =	ssyncset.done $0x0  }
0xa4: {  	[sflag:s11] =	ssyncadd.s32 $0xFFFFC000  }
0xa5: {  	[spmem:s2] =	stream.indirect.scatter.add.f32 [tilespmem:s1], [sflag:$0x4], $0x80, s0, s29, $0xb8;
	[tilespmem:$0x1C200] =	vst v63  }
0xa6: {  	_ =	swait.ge [sflag:s12], $0x4000  }
0xa7: {  	[sflag:s12] =	ssyncset.done $0x0  }
0xa8: {  	[sflag:s12] =	ssyncadd.s32 $0xFFFFC000  }
0xa9: {  	_ =	swait.ge [sflag:s13], $0x4000  }
0xaa: {  	[sflag:s13] =	ssyncset.done $0x0  }
0xab: {  	[sflag:s13] =	ssyncadd.s32 $0xFFFFC000  }
0xac: {  	[bflag:$0x0] =	sbarrier.arrive $0xFFFF  }
0xad: {  	[tilespmem:s28], [sflag:$0x5] =	stream.linear.gather [hbm4b:s6+s3], $0x80, $0x38;
	[tilespmem:$0x1C200] =	vst v63  }
0xae: {  	_ =	swait.ge [sflag:s26], $0x80  }
0xaf: {  	[sflag:s26] =	ssyncset.done $0x0  }
0xb0: {  	[sflag:s26] =	ssyncadd.s32 $0xFFFFFF80  }
0xb1: {  	[tilespmem:s25], [sflag:$0x5] =	stream.indirect.gather [spmem:s2], $0x80, s28, s29, $0xb8;
	[tilespmem:$0x1C200] =	vst v63  }
0xb2: {  	_ =	swait.ge [sflag:s26], $0x4000  }
0xb3: {  	[sflag:s26] =	ssyncset.done $0x0  }
0xb4: {  	s15 =	rddreg [dreg:$0x9];
	[sflag:s26] =	ssyncadd.s32 $0xFFFFC000  }
0xb5: {  	[hbm4b:s15+s3] =	stream.linear.scatter [tilespmem:s25], [sflag:$0x5], $0x4000, $0x38;
	[tilespmem:$0x1C200] =	vst v63  }
0xb6: {  	_ =	swait.ge [sflag:s26], $0x4000  }
0xb7: {  	[sflag:s26] =	ssyncset.done $0x0  }
0xb8: {  	[sflag:s26] =	ssyncadd.s32 $0xFFFFC000  }
0xb9: {  	[tilespmem:s28], [sflag:$0x5] =	stream.linear.gather [hbm4b:s7+s3], $0x80, $0x38;
	[tilespmem:$0x1C200] =	vst v63  }
0xba: {  	_ =	swait.ge [sflag:s26], $0x80  }
0xbb: {  	[sflag:s26] =	ssyncset.done $0x0  }
0xbc: {  	[sflag:s26] =	ssyncadd.s32 $0xFFFFFF80  }
0xbd: {  	[tilespmem:s25], [sflag:$0x5] =	stream.indirect.gather [spmem:s2], $0x80, s28, s29, $0xb8;
	[tilespmem:$0x1C200] =	vst v63  }
0xbe: {  	_ =	swait.ge [sflag:s26], $0x4000  }
0xbf: {  	[sflag:s26] =	ssyncset.done $0x0  }
0xc0: {  	s16 =	rddreg [dreg:$0xa];
	[sflag:s26] =	ssyncadd.s32 $0xFFFFC000  }
0xc1: {  	[hbm4b:s16+s3] =	stream.linear.scatter [tilespmem:s25], [sflag:$0x5], $0x4000, $0x38;
	[tilespmem:$0x1C200] =	vst v63  }
0xc2: {  	_ =	swait.ge [sflag:s26], $0x4000  }
0xc3: {  	[sflag:s26] =	ssyncset.done $0x0  }
0xc4: {  	[sflag:s26] =	ssyncadd.s32 $0xFFFFC000  }
0xc5: {  	[tilespmem:s28], [sflag:$0x5] =	stream.linear.gather [hbm4b:s8+s3], $0x80, $0x38;
	[tilespmem:$0x1C200] =	vst v63  }
0xc6: {  	_ =	swait.ge [sflag:s26], $0x80  }
0xc7: {  	[sflag:s26] =	ssyncset.done $0x0  }
0xc8: {  	[sflag:s26] =	ssyncadd.s32 $0xFFFFFF80  }
0xc9: {  	[tilespmem:s25], [sflag:$0x5] =	stream.indirect.gather [spmem:s2], $0x80, s28, s29, $0xb8;
	[tilespmem:$0x1C200] =	vst v63  }
0xca: {  	_ =	swait.ge [sflag:s26], $0x4000  }
0xcb: {  	[sflag:s26] =	ssyncset.done $0x0  }
0xcc: {  	s17 =	rddreg [dreg:$0xb];
	[sflag:s26] =	ssyncadd.s32 $0xFFFFC000  }
0xcd: {  	[hbm4b:s17+s3] =	stream.linear.scatter [tilespmem:s25], [sflag:$0x5], $0x4000, $0x38;
	[tilespmem:$0x1C200] =	vst v63  }
0xce: {  	_ =	swait.ge [sflag:s26], $0x4000  }
0xcf: {  	[sflag:s26] =	ssyncset.done $0x0  }
0xd0: {  	[sflag:s26] =	ssyncadd.s32 $0xFFFFC000  }
0xd1: {  	[tilespmem:s28], [sflag:$0x5] =	stream.linear.gather [hbm4b:s9+s3], $0x80, $0x38;
	[tilespmem:$0x1C200] =	vst v63  }
0xd2: {  	_ =	swait.ge [sflag:s26], $0x80  }
0xd3: {  	[sflag:s26] =	ssyncset.done $0x0  }
0xd4: {  	[sflag:s26] =	ssyncadd.s32 $0xFFFFFF80  }
0xd5: {  	[tilespmem:s25], [sflag:$0x5] =	stream.indirect.gather [spmem:s2], $0x80, s28, s29, $0xb8;
	[tilespmem:$0x1C200] =	vst v63  }
0xd6: {  	_ =	swait.ge [sflag:s26], $0x4000  }
0xd7: {  	[sflag:s26] =	ssyncset.done $0x0  }
0xd8: {  	[sflag:s26] =	ssyncadd.s32 $0xFFFFC000  }
0xd9: {  	[hbm4b:s18+s3] =	stream.linear.scatter [tilespmem:s25], [sflag:$0x5], $0x4000, $0x38;
	[tilespmem:$0x1C200] =	vst v63  }
0xda: {  	_ =	swait.ge [sflag:s26], $0x4000  }
0xdb: {  	[sflag:s26] =	ssyncset.done $0x0  }
0xdc: {  	[sflag:s26] =	ssyncadd.s32 $0xFFFFC000  }
0xdd: {  	[tilespmem:s28], [sflag:$0x5] =	stream.linear.gather [hbm4b:s10+s3], $0x80, $0x38;
	[tilespmem:$0x1C200] =	vst v63  }
0xde: {  	_ =	swait.ge [sflag:s26], $0x80  }
0xdf: {  	[sflag:s26] =	ssyncset.done $0x0  }
0xe0: {  	[sflag:s26] =	ssyncadd.s32 $0xFFFFFF80  }
0xe1: {  	[tilespmem:s25], [sflag:$0x5] =	stream.indirect.gather [spmem:s2], $0x80, s28, s29, $0xb8;
	[tilespmem:$0x1C200] =	vst v63  }
0xe2: {  	s14 =	sadd.s32 $0x1, s14;
	_ =	swait.ge [sflag:s26], $0x4000  }
0xe3: {  	p0 =	sne.s32 s14, s20;
	[sflag:s26] =	ssyncset.done $0x0  }
.Ltmp1:
0xe4: {  	[sflag:s26] =	ssyncadd.s32 $0xFFFFC000;
	(pc) =	sbr.rel @p0 .LBB2_1-.Ltmp1, $4  }
0xe5: {  	[hbm4b:s19+s3] =	stream.linear.scatter [tilespmem:s25], [sflag:$0x5], $0x4000, $0x38;
	[tilespmem:$0x1C200] =	vst v63  }
0xe6: {  	_ =	swait.ge [sflag:s26], $0x4000  }
0xe7: {  	[sflag:s26] =	ssyncset.done $0x0  }
0xe8: {  	[sflag:s26] =	ssyncadd.s32 $0xFFFFC000  }
0xe9: {  	_ =	sfence.sel $0x180000  }
0xea: {  	[bflag:$0x0] =	sbarrier.arrive $0xFFFF  }
0xeb: {  	_ =	strace $0x9000004A  }
0xec: {  	s0 =	stileid.u32;
	[bflag:$0x2] =	sbarrier.arrive $0xFFFF  }
0xed: {  	p0 =	sne.s32 s0, $0x0;
	s0 =	rddreg [dreg:$0x3]  }
0xee: {  	s0 =	sadd.s32 @!p0 $0x100000, s0  }
0xef: {  	[sflag:s0] =	ssyncadd.tile.s32 @!p0 $0x1;
	_ =	shalt  }
.Lfunc_end2:
_tile_overlayer_lowered:
.L_overlay_start_2:
0xf0: {  	(tag) =	ssettag $0x2  }
0xf1: {  	s0 =	rddreg [dreg:$0x0];
	s2 =	stileid.u32  }
0xf2: {  	s1 =	rddreg [dreg:$0x1];
	p0 =	sne.s32 s2, $0x0  }
0xf3: {  	s3 =	rddreg [dreg:$0x2];
	[bflag:$0x3] =	sbarrier.arrive $0xFFFF;
	s2 =	simm.s32 @!p0 $0x1C05  }
0xf4: {  	[timem:s3], [sflag:s2] =	dma.local @!p0 [hbm:s0], s1  }
0xf5: {  	s0 =	simm.s32 @!p0 $0x5  }
0xf6: {  	_ =	swait.ge @!p0 [sflag:s0], s1  }
0xf7: {  	s1 =	ssub.s32 @!p0 $0x0, s1;
	[sflag:s0] =	ssyncset.done @!p0 $0x0  }
0xf8: {  	[sflag:s0] =	ssyncadd.s32 @!p0 s1  }
0xf9: {  	[bflag:$0x3] =	sbarrier.arrive $0xFFFF  }
0xfa: {  	_ =	shalt  }

// kernel: kernel.7.cloned.1.call-start
scs
__scs_entry_jumppad:
0x0: {  	(pc) =	sbr.rel $0x88, $3  }
0x1: {  	(tag) =	ssettag $0x0;
	lr =	simm.s32 $0x1  }
0x2: {  	[smem:$0x3F99] =	sst lr;
	_ =	strace $0xD0000000  }
0x3: {  	_ = 	snop  }
0x4: {  	_ = 	snop  }
0x5: {  	_ = 	snop  }
0x6: {  	_ = 	snop  }
0x7: {  	_ = 	snop  }
__scs_overlays_trampoline_lowered:
0x8: {  	[smem:$0x3FA8] =	sst s0  }
0x9: {  	[smem:$0x3FA9] =	sst s1  }
0xa: {  	[smem:$0x3FAA] =	sst s2  }
0xb: {  	[smem:$0x3FAB] =	sst s3  }
0xc: {  	[smem:$0x3FAC] =	sst s4  }
0xd: {  	[smem:$0x3FAD] =	sst s5  }
0xe: {  	[smem:$0x3FAE] =	sst s6  }
0xf: {  	[smem:$0x3FAF] =	sst s7  }
0x10: {  	[smem:$0x3FB0] =	sst s8  }
0x11: {  	[smem:$0x3FB1] =	sst s9;
	s0 =	simm.s32 @!p0 $0x0  }
0x12: {  	s1 =	sld [smem:$0x3F97];
	s0 =	simm.s32 @p0 $0x1  }
0x13: {  	[smem:$0x3FB2] =	sst s0;
	s0 =	simm.s32 @!p1 $0x0  }
0x14: {  	s2 =	sld [smem:$0x3F96];
	s0 =	simm.s32 @p1 $0x1  }
0x15: {  	[smem:$0x3FB3] =	sst s0;
	s0 =	simm.s32 @!p2 $0x0  }
0x16: {  	s3 =	sld [smem:$0x3FDB];
	s0 =	simm.s32 @p2 $0x1  }
0x17: {  	s4 =	simm.s32 $0x1BF5;
	[smem:$0x3FB5] =	sst s0  }
0x18: {  	s0 =	sld [smem:$0x3F98];
	_ =	swait.ge [sflag:s4], $0x0  }
0x19: {  	s7 =	sld [smem:$0x3F99]  }
0x1a: {  	s8 =	sadd.s32 $0xFFFFE003, lr  }
0x1b: {  	s9 =	sadd.s32 $0xFFFFFEF7, lr;
	s5 =	simm.s32 $0xFFFFFFFF;
	p2 =	slt.u32 s8, $0xFFFFF086  }
0x1c: {  	p1 =	slt.u32 s9, $0xF7A;
	s5 =	simm.s32 @!p2 $0x0  }
0x1d: {  	s5 =	simm.s32 @p1 $0x1;
	p0 =	seq.s32 s7, s2  }
0x1e: {  	s7 =	smul.u32 @!p0 $0xF7A, s2;
	p2 =	seq.s32 @!p0 s5, $0x0  }
0x1f: {  	s9 =	smul.u32 $0xF7A, s1;
	s8 =	simm.s32 @!p0 $0x1BF5;
	p2 =	por !p2, p0  }
0x20: {  	[sflag:s8] =	ssyncset.s32 @!p0 $0xFFFFF086;
	s6 =	sadd.s32 @!p0 s3, s7;
	s7 =	simm.s32 @!p0 $0x108  }
0x21: {  	s3 =	sadd.s32 s3, s9;
	s6 =	sadd.s32 @!p0 $0x88, s6;
	s7 =	simm.s32 @p2 $0x1082  }
0x22: {  	[simem:s7], [sflag:s8] =	dma.local @!p0 [hbm:s6], $0xF7A  }
0x23: {  	s9 =	sor.u32 $0xD0000000, s2;
	s6 =	simm.s32 $0x108;
	_ =	swait.ge @!p0 [sflag:s8], $0x0  }
0x24: {  	s3 =	sadd.s32 $0x88, s3;
	s6 =	simm.s32 @!p1 $0x1082;
	[sflag:s4] =	ssyncset.s32 $0xFFFFF086  }
0x25: {  	[simem:s6], [sflag:s4] =	dma.local [hbm:s3], $0xF7A  }
0x26: {  	[smem:$0x3F99] =	sst s1;
	(tag) =	ssettag s2;
	_ =	strace s9  }
0x27: {  	s1 =	sld [smem:$0x3FA9]  }
0x28: {  	s2 =	sld [smem:$0x3FAA]  }
0x29: {  	s4 =	sld [smem:$0x3FAC]  }
0x2a: {  	p0 =	seq.s32 s5, $0x0;
	s5 =	sld [smem:$0x3FAD]  }
0x2b: {  	s6 =	sld [smem:$0x3FAE]  }
0x2c: {  	s7 =	sld [smem:$0x3FAF]  }
0x2d: {  	s3 =	simm.s32 $0x108;
	s8 =	sld [smem:$0x3FB0]  }
0x2e: {  	s3 =	simm.s32 @!p0 $0x1082;
	s9 =	sld [smem:$0x3FB1]  }
0x2f: {  	lr =	sadd.s32 s0, s3;
	s0 =	sld [smem:$0x3FA8]  }
0x30: {  	s3 =	sld [smem:$0x3FAB]  }
0x31: {  	[smem:$0x3FB4] =	sst s10  }
0x32: {  	s10 =	sld [smem:$0x3FB2];
	_ =	sdelay $0x3  }
0x33: {  	p0 =	seq.s32 s10, $0x1;
	s10 =	sld [smem:$0x3FB4];
	_ =	sdelay $0x3  }
0x34: {  	[smem:$0x3FB4] =	sst s10  }
0x35: {  	s10 =	sld [smem:$0x3FB3];
	_ =	sdelay $0x3  }
0x36: {  	p1 =	seq.s32 s10, $0x1;
	s10 =	sld [smem:$0x3FB4];
	_ =	sdelay $0x3  }
0x37: {  	[smem:$0x3FB4] =	sst s10  }
0x38: {  	s10 =	sld [smem:$0x3FB5]  }
0x39: {  	_ = 	snop;
	(pc) =	sbr.ind lr, $3  }
0x3a: {  	_ = 	snop  }
0x3b: {  	_ = 	snop  }
0x3c: {  	p2 =	seq.s32 s10, $0x1;
	s10 =	sld [smem:$0x3FB4]  }
0x3d: {  	_ =	shalt  }
0x3e: {  	_ =	shalt  }
0x3f: {  	_ =	shalt  }
0x40: {  	_ =	shalt  }
0x41: {  	_ =	shalt  }
0x42: {  	_ =	shalt  }
0x43: {  	_ =	shalt  }
0x44: {  	_ =	shalt  }
0x45: {  	_ =	shalt  }
0x46: {  	_ =	shalt  }
0x47: {  	_ =	shalt  }
0x48: {  	_ =	shalt  }
0x49: {  	_ =	shalt  }
0x4a: {  	_ =	shalt  }
0x4b: {  	_ =	shalt  }
0x4c: {  	_ =	shalt  }
0x4d: {  	_ =	shalt  }
0x4e: {  	_ =	shalt  }
0x4f: {  	_ =	shalt  }
0x50: {  	_ =	shalt  }
0x51: {  	_ =	shalt  }
0x52: {  	_ =	shalt  }
0x53: {  	_ =	shalt  }
0x54: {  	_ =	shalt  }
0x55: {  	_ =	shalt  }
0x56: {  	_ =	shalt  }
0x57: {  	_ =	shalt  }
0x58: {  	_ =	shalt  }
0x59: {  	_ =	shalt  }
0x5a: {  	_ =	shalt  }
0x5b: {  	_ =	shalt  }
0x5c: {  	_ =	shalt  }
0x5d: {  	_ =	shalt  }
0x5e: {  	_ =	shalt  }
0x5f: {  	_ =	shalt  }
0x60: {  	_ =	shalt  }
0x61: {  	_ =	shalt  }
0x62: {  	_ =	shalt  }
0x63: {  	_ =	shalt  }
0x64: {  	_ =	shalt  }
0x65: {  	_ =	shalt  }
0x66: {  	_ =	shalt  }
0x67: {  	_ =	shalt  }
0x68: {  	_ =	shalt  }
0x69: {  	_ =	shalt  }
0x6a: {  	_ =	shalt  }
0x6b: {  	_ =	shalt  }
0x6c: {  	_ =	shalt  }
0x6d: {  	_ =	shalt  }
0x6e: {  	_ =	shalt  }
0x6f: {  	_ =	shalt  }
0x70: {  	_ =	shalt  }
0x71: {  	_ =	shalt  }
0x72: {  	_ =	shalt  }
0x73: {  	_ =	shalt  }
0x74: {  	_ =	shalt  }
0x75: {  	_ =	shalt  }
0x76: {  	_ =	shalt  }
0x77: {  	_ =	shalt  }
0x78: {  	_ =	shalt  }
0x79: {  	_ =	shalt  }
0x7a: {  	_ =	shalt  }
0x7b: {  	_ =	shalt  }
0x7c: {  	_ =	shalt  }
0x7d: {  	_ =	shalt  }
0x7e: {  	_ =	shalt  }
0x7f: {  	_ =	shalt  }
0x80: {  	_ =	shalt  }
0x81: {  	_ =	shalt  }
0x82: {  	_ =	shalt  }
0x83: {  	_ =	shalt  }
0x84: {  	_ =	shalt  }
0x85: {  	_ =	shalt  }
0x86: {  	_ =	shalt  }
0x87: {  	_ =	shalt  }
.Lfunc_end0:
.L_simem_size_0:
called_computation_lowered:
.L_overlay_start_0:
0x88: {  	s2 =	sld [smem:$0x3FD9]  }
0x89: {  	s3 =	sld [smem:$0x3FFE];
	_ =	sdelay $0x1  }
0x8a: {  	s1 =	srdreg.scid  }
0x8b: {  	s0 =	sand.u32 $0x1, s1  }
0x8c: {  	s17 =	sshll.u32 s0, $0xA;
	s2 =	sadd.s32 s3, s2  }
0x8d: {  	s2 =	sadd.s32 s2, s17  }
0x8e: {  	[smem:$0x3FC0] =	sst s2  }
0x8f: {  	_ = 	snop  }
0x90: {  	s2 =	sld [smem:$0x3FD0];
	(tm) =	ssettm $0x1  }
0x91: {  	s18 =	sld [smem:$0x3FFB];
	_ =	sdelay $0x3  }
0x92: {  	_ =	strace s18  }
0x93: {  	s3 =	sld [smem:$0x3FFC];
	_ =	sdelay $0x3  }
0x94: {  	_ =	strace s3  }
0x95: {  	s3 =	sld [smem:$0x3FFD];
	_ =	sdelay $0x3  }
0x96: {  	_ =	strace s3  }
0x97: {  	_ =	strace $0x8FFFFFFF  }
0x98: {  	s19 =	sld [smem:$0x3FDB];
	_ =	sdelay $0x1  }
0x99: {  	s4 =	simm.s32 $_scs_section_size  }
0x9a: {  	s5 =	simm.s32 $_size__tile_overlayer_lowered;
	s6 =	simm.s32 $_tile_overlayer_lowered  }
0x9b: {  	s22 =	simm.s32 $0x1BFF;
	s21 =	sshll.u32 s6, $0x1;
	s3 =	sadd.s32 s4, s19  }
0x9c: {  	s7 =	simm.s32 $0x0;
	s20 =	sshll.u32 s5, $0x1;
	s5 =	sadd.s32 s21, s3  }
0x9d: {  	[timem:s7], [sflag:s22] =	dma.local [hbm:s5], s20  }
0x9e: {  	_ =	swait.ge [sflag:s22], s20  }
0x9f: {  	s4 =	ssub.s32 $0x0, s20;
	[sflag:s22] =	ssyncset.done $0x0  }
0xa0: {  	[sflag:s22] =	ssyncadd.s32 s4;
	_ =	sdelay $0x1  }
0xa1: {  	s23 =	simm.s32 $0x1B8B  }
0xa2: {  	_ =	swait.ge [sflag:s23], $0x1  }
0xa3: {  	[sflag:s23] =	ssyncset.done $0x0  }
0xa4: {  	s25 =	simm.s32 $0x1B8E;
	s24 =	sld [smem:$0x3FFE];
	[sflag:s23] =	ssyncadd.s32 $0xFFFFFFFF  }
0xa5: {  	s26 =	simm.s32 $execute0_lowered;
	[smem:$0x3FD2] =	sst s25  }
0xa6: {  	s5 =	sshll.u32 s26, $0x1;
	_ =	strace $0x80000046;
	[dreg:$0x1] =	wrdreg $0xFFFFFFFF  }
0xa7: {  	s28 =	simm.s32 $_size_execute0_lowered;
	s3 =	sadd.s32 s3, s5;
	[dreg:$0x0] =	wrdreg $0x0  }
0xa8: {  	s5 =	sshll.u32 s28, $0x1;
	[dreg:$0x2] =	wrdreg s3  }
0xa9: {  	[dreg:$0x3] =	wrdreg s5  }
0xaa: {  	[dreg:$0x4] =	wrdreg $0xC0  }
0xab: {  	_ =	task [dreg:s7], $0x5FFFF  }
0xac: {  	[dreg:$0x1] =	wrdreg $0xFFFFFFFF  }
0xad: {  	[dreg:$0x0] =	wrdreg $0x60  }
0xae: {  	[dreg:$0x2] =	wrdreg s24  }
0xaf: {  	[dreg:$0x3] =	wrdreg s2  }
0xb0: {  	[dreg:$0x4] =	wrdreg $0x0  }
0xb1: {  	[dreg:$0x5] =	wrdreg $0x1C2000  }
0xb2: {  	[dreg:$0x6] =	wrdreg $0x9  }
0xb3: {  	_ =	task.clear_ibuf [dreg:s7], $0x7FFFF;
	_ =	strace $0x90000046  }
0xb4: {  	s29 =	simm.s32 $0x9;
	_ =	strace $0x80000048  }
0xb5: {  	_ =	swait.ge [sflag:s29], $0x1  }
0xb6: {  	[sflag:s29] =	ssyncadd.s32 $0xFFFFFFFF  }
0xb7: {  	_ =	strace $0x90000048  }
0xb8: {  	_ =	sfence  }
0xb9: {  	s30 =	sld [smem:$0x0];
	_ =	sdelay $0x2  }
0xba: {  	s31 =	sshll.u32 s1, $0xD;
	s1 =	sshrl.u32 s1, $0x2  }
0xbb: {  	s3 =	sand.u32 $0x4000, s31;
	s1 =	sadd.s32 s1, s30  }
0xbc: {  	s0 =	sor.u32 s3, s0;
	s1 =	sshll.u32 s1, $0x11  }
0xbd: {  	s0 =	sor.u32 s1, s0  }
0xbe: {  	s0 =	sadd.s32 $0x8F2B, s0  }
0xbf: {  	[sflag:s0] =	ssyncadd.remote.s32 $0x1  }
0xc0: {  	_ =	sfence.sel $0xFFFF  }
0xc1: {  	[dreg:$0x0] =	wrdreg $0xFFFFFFFF;
	(pc) =	sbr.abs _section_cstart, $3  }
0xc2: {  	[dreg:$0x1] =	wrdreg $0xFFFFFFFF  }
0xc3: {  	_ =	task.clear_ibuf [dreg:s7], $0x2FFFF;
	_ =	strace $0x9FFFFFFF  }
0xc4: {  	(tm) =	ssettm $0x7FFFFFFF  }
0xc5: {  	_ =	shalt  }
tec
execute0_lowered:
.L_overlay_start_1:
0x0: {  	(tag) =	ssettag $0x1  }
0x1: {  	s0 =	rddreg [dreg:$0x0]  }
0x2: {  	s2 =	rddreg [dreg:$0x1]  }
0x3: {  	s1 =	rddreg [dreg:$0x2]  }
0x4: {  	s12 =	rddreg [dreg:$0x3]  }
0x5: {  	s4 =	srdreg.scid;
	s7 =	stileid.u32  }
0x6: {  	s3 =	simm.s32 $0x0;
	s29 =	simm.s32 $0x14200;
	s30 =	simm.s32 $0x5  }
0x7: {  	s31 =	simm.s32 $0x14080;
	s9 =	sand.u32 $0x1, s4;
	s8 =	smul.u32 $0x280, s7  }
0x8: {  	[smem:$0x7FF] =	sst s3;
	s4 =	sadd.s32 $0xC800, s0;
	s11 =	sadd.s32 $0x2800, s0  }
0x9: {  	s5 =	sadd.s32 $0x5C800, s0;
	s20 =	sadd.s32 $0x5D400, s0;
	s21 =	sadd.s32 $0x5CE00, s0  }
0xa: {  	s16 =	smul.u32 $0x2800, s7;
	_ =	strace $0x80000047;
	[dreg:$0x5] =	wrdreg s20  }
0xb: {  	p0 =	sne.s32 s7, $0x0;
	s6 =	smul.u32 $0x2800, s9;
	[dreg:$0x6] =	wrdreg s21  }
0xc: {  	s22 =	sshll.u32 s9, $0xB;
	s13 =	sshll.u32 s9, $0x4;
	s23 =	ssub.s32 $0x2, s9  }
0xd: {  	s15 =	smul.u32 $0x28000, s9;
	s9 =	simm.s32 $0x0;
	s13 =	sor.u32 s7, s13  }
0xe: {  	s14 =	sshrl.u32 s23, $0x1;
	s7 =	simm.s32 $0x1C600;
	s10 =	sadd.s32 s8, s6  }
0xf: {  	s6 =	smov.u32 s12;
	s8 =	sshrl.u32 s8, $0x3;
	s13 =	smul.u32 $0x2800, s13  }
0x10: {  	s14 =	ssub.s32 s23, s14;
	s18 =	sadd.s32 s16, s15;
	s16 =	simm.s32 $0x2  }
0x11: {  	s10 =	sshll.u32 s10, $0x4;
	s8 =	sadd.s32 s5, s8;
	s15 =	sor.u32 $0x180, s18  }
0x12: {  	s12 =	sadd.s32 s10, s0;
	s0 =	sadd.s32 s22, s0;
	s13 =	sshrl.u32 s13, $0x3  }
0x13: {  	s10 =	sadd.s32 $0x10, s8;
	s26 =	sadd.s32 $0x20, s8;
	s24 =	sadd.s32 s2, s13  }
0x14: {  	s15 =	sshrl.u32 s15, $0x3;
	s25 =	sadd.s32 s11, s13;
	[dreg:$0x7] =	wrdreg s24  }
0x15: {  	s28 =	sadd.s32 $0x30, s8;
	s20 =	sadd.s32 $0x5EC00, s12;
	[dreg:$0x8] =	wrdreg s25  }
0x16: {  	s17 =	sor.u32 $0x10, s13;
	s21 =	sadd.s32 $0x5F400, s12;
	[dreg:$0xb] =	wrdreg s20  }
0x17: {  	s22 =	sadd.s32 $0x5FC00, s12;
	s23 =	sadd.s32 $0x60400, s12;
	[dreg:$0xc] =	wrdreg s21  }
0x18: {  	s0 =	sadd.s32 $0x5DC00, s0;
	s13 =	sadd.s32 s2, s17;
	[dreg:$0xd] =	wrdreg s22  }
0x19: {  	s19 =	sadd.s32 s11, s17;
	s17 =	sadd.s32 s15, s11;
	[dreg:$0xe] =	wrdreg s23  }
0x1a: {  	s24 =	sadd.s32 $0x60C00, s12;
	[dreg:$0x10] =	wrdreg s0;
	s25 =	smax.u32 s14, $0x1  }
0x1b: {  	s23 =	sadd.s32 $0x40, s8;
	s0 =	simm.s32 $0x80;
	s12 =	simm.s32 $0x14100  }
0x1c: {  	s14 =	simm.s32 $0x18200;
	s21 =	simm.s32 $0x3;
	[dreg:$0x9] =	wrdreg s13  }
0x1d: {  	s22 =	simm.s32 $0x4;
	[dreg:$0xa] =	wrdreg s19;
	s13 =	sor.u32 $0x100, s18  }
0x1e: {  	s18 =	sadd.s32 s15, s2;
	[dreg:$0xf] =	wrdreg s24;
	s13 =	sshrl.u32 s13, $0x3  }
0x1f: {  	[dreg:$0x11] =	wrdreg s25;
	s15 =	simm.s32 $0x1;
	s19 =	sadd.s32 s13, s11  }
0x20: {  	v0 =	vimm.f32 $1.000000000e+00;
	s20 =	sadd.s32 s13, s2;
	s11 =	simm.s32 $0x14000;
	s13 =	simm.s32 $0x14180  }
.LBB2_1:
0x21: {  	[dreg:$0x12] =	wrdreg s9  }
0x22: {  	s2 =	rddreg [dreg:$0x5]  }
0x23: {  	[tilespmem:s29], [sflag:$0x5] =	stream.linear.gather [hbm4b:s2+s3], $0x4000, $0x38;
	[tilespmem:$0x1EE00] =	vst v63  }
0x24: {  	_ =	swait.ge [sflag:s30], $0x4000  }
0x25: {  	[sflag:s30] =	ssyncset.done $0x0  }
0x26: {  	[sflag:s30] =	ssyncadd.s32 $0xFFFFC000  }
0x27: {  	[tilespmem:s31], [sflag:$0x5] =	stream.linear.gather [hbm4b:s8+s3], $0x80, $0x38;
	[tilespmem:$0x1EE00] =	vst v63  }
0x28: {  	_ =	swait.ge [sflag:s30], $0x80  }
0x29: {  	[sflag:s30] =	ssyncset.done $0x0  }
0x2a: {  	[sflag:s30] =	ssyncadd.s32 $0xFFFFFF80  }
0x2b: {  	[spmem:s1] =	stream.indirect.scatter [tilespmem:s29], [sflag:$0x5], $0x80, s31, s0, $0xb8;
	[tilespmem:$0x1EE00] =	vst v63  }
0x2c: {  	_ =	swait.ge [sflag:s30], $0x4000  }
0x2d: {  	[sflag:s30] =	ssyncset.done $0x0  }
0x2e: {  	[sflag:s30] =	ssyncadd.s32 $0xFFFFC000  }
0x2f: {  	[tilespmem:s31], [sflag:$0x5] =	stream.linear.gather [hbm4b:s10+s3], $0x80, $0x38;
	[tilespmem:$0x1EE00] =	vst v63  }
0x30: {  	_ =	swait.ge [sflag:s30], $0x80  }
0x31: {  	[sflag:s30] =	ssyncset.done $0x0  }
0x32: {  	[sflag:s30] =	ssyncadd.s32 $0xFFFFFF80  }
0x33: {  	[spmem:s1] =	stream.indirect.scatter [tilespmem:s29], [sflag:$0x5], $0x80, s31, s0, $0xb8;
	[tilespmem:$0x1EE00] =	vst v63  }
0x34: {  	_ =	swait.ge [sflag:s30], $0x4000  }
0x35: {  	[sflag:s30] =	ssyncset.done $0x0  }
0x36: {  	[sflag:s30] =	ssyncadd.s32 $0xFFFFC000  }
0x37: {  	[tilespmem:s31], [sflag:$0x5] =	stream.linear.gather [hbm4b:s26+s3], $0x80, $0x38;
	[tilespmem:$0x1EE00] =	vst v63  }
0x38: {  	_ =	swait.ge [sflag:s30], $0x80  }
0x39: {  	[sflag:s30] =	ssyncset.done $0x0  }
0x3a: {  	[sflag:s30] =	ssyncadd.s32 $0xFFFFFF80  }
0x3b: {  	[spmem:s1] =	stream.indirect.scatter [tilespmem:s29], [sflag:$0x5], $0x80, s31, s0, $0xb8;
	[tilespmem:$0x1EE00] =	vst v63  }
0x3c: {  	_ =	swait.ge [sflag:s30], $0x4000  }
0x3d: {  	[sflag:s30] =	ssyncset.done $0x0  }
0x3e: {  	[sflag:s30] =	ssyncadd.s32 $0xFFFFC000  }
0x3f: {  	[tilespmem:s31], [sflag:$0x5] =	stream.linear.gather [hbm4b:s28+s3], $0x80, $0x38;
	[tilespmem:$0x1EE00] =	vst v63  }
0x40: {  	_ =	swait.ge [sflag:s30], $0x80  }
0x41: {  	[sflag:s30] =	ssyncset.done $0x0  }
0x42: {  	[sflag:s30] =	ssyncadd.s32 $0xFFFFFF80  }
0x43: {  	[spmem:s1] =	stream.indirect.scatter [tilespmem:s29], [sflag:$0x5], $0x80, s31, s0, $0xb8;
	[tilespmem:$0x1EE00] =	vst v63  }
0x44: {  	_ =	swait.ge [sflag:s30], $0x4000  }
0x45: {  	[sflag:s30] =	ssyncset.done $0x0  }
0x46: {  	[sflag:s30] =	ssyncadd.s32 $0xFFFFC000  }
0x47: {  	[tilespmem:s31], [sflag:$0x5] =	stream.linear.gather [hbm4b:s23+s3], $0x80, $0x38;
	[tilespmem:$0x1EE00] =	vst v63  }
0x48: {  	_ =	swait.ge [sflag:s30], $0x80  }
0x49: {  	[sflag:s30] =	ssyncset.done $0x0  }
0x4a: {  	[sflag:s30] =	ssyncadd.s32 $0xFFFFFF80  }
0x4b: {  	[spmem:s1] =	stream.indirect.scatter [tilespmem:s29], [sflag:$0x5], $0x80, s31, s0, $0xb8;
	[tilespmem:$0x1EE00] =	vst v63  }
0x4c: {  	_ =	swait.ge [sflag:s30], $0x4000  }
0x4d: {  	[sflag:s30] =	ssyncset.done $0x0  }
0x4e: {  	s24 =	rddreg [dreg:$0x6];
	[sflag:s30] =	ssyncadd.s32 $0xFFFFC000  }
0x4f: {  	[tilespmem:s7], [sflag:$0x5] =	stream.linear.gather [hbm4b:s24+s3], $0x2800, $0x38;
	[tilespmem:$0x1EE00] =	vst v63  }
0x50: {  	_ =	swait.ge [sflag:s30], $0x2800  }
0x51: {  	[sflag:s30] =	ssyncset.done $0x0  }
0x52: {  	[sflag:s30] =	ssyncadd.s32 $0xFFFFD800  }
0x53: {  	[tilespmem:s31], [sflag:$0x5] =	stream.linear.gather [hbm4b:s5+s3], $0x80, $0x38;
	[tilespmem:$0x1EE00] =	vst v63  }
0x54: {  	_ =	swait.ge [sflag:s30], $0x80  }
0x55: {  	s25 =	simm.s32 @!p0 $0x14200;
	[sflag:s30] =	ssyncset.done $0x0  }
0x56: {  	s2 =	simm.s32 @!p0 $0x80;
	s24 =	simm.s32 @!p0 $0x14080;
	[sflag:s30] =	ssyncadd.s32 $0xFFFFFF80  }
0x57: {  	[spmem:s6] =	stream.indirect.scatter @!p0 [tilespmem:s25], [sflag:$0x5], $0x80, s24, s2, $0xb8;
	[tilespmem:$0x1EE00] =	vst v63  }
0x58: {  	s2 =	simm.s32 @!p0 $0x5  }
0x59: {  	_ =	swait.ge @!p0 [sflag:s2], $0x4000  }
0x5a: {  	[sflag:s2] =	ssyncset.done @!p0 $0x0  }
0x5b: {  	[sflag:s2] =	ssyncadd.s32 @!p0 $0xFFFFC000  }
0x5c: {  	[bflag:$0x0] =	sbarrier.arrive $0xFFFF  }
0x5d: {  	s25 =	rddreg [dreg:$0x7]  }
0x5e: {  	[tilespmem:s11], [sflag:$0x5] =	stream.linear.gather [hbm4b:s25+s3], $0x80, $0x38;
	[tilespmem:$0x1EE00] =	vst v63  }
0x5f: {  	_ =	swait.ge [sflag:s30], $0x80  }
0x60: {  	[sflag:s30] =	ssyncset.done $0x0  }
0x61: {  	s9 =	rddreg [dreg:$0x8];
	[sflag:s30] =	ssyncadd.s32 $0xFFFFFF80  }
0x62: {  	[tilespmem:s31], [sflag:$0x5] =	stream.linear.gather [hbm4b:s9+s3], $0x80, $0x38;
	[tilespmem:$0x1EE00] =	vst v63  }
0x63: {  	_ =	swait.ge [sflag:s30], $0x80  }
0x64: {  	[sflag:s30] =	ssyncset.done $0x0  }
0x65: {  	[sflag:s30] =	ssyncadd.s32 $0xFFFFFF80  }
0x66: {  	[tilespmem:s29], [sflag:$0x1] =	stream.indirect.gather [hbm4b:s4+s0], $0x80, s11, s0, $0xb8;
	[tilespmem:$0x1EE00] =	vst v63  }
0x67: {  	v1 =	vld [tilespmem:$0x14080];
	_ =	sdelay $0x7  }
0x68: {  	[tilespmem:v1+s7+$0x0] =	vst.idx.add.f32.msk $0xffff, v0  }
0x69: {  	v1 =	vld [tilespmem:$0x14090];
	_ =	sdelay $0x7  }
0x6a: {  	[tilespmem:v1+s7+$0x0] =	vst.idx.add.f32.msk $0xffff, v0  }
0x6b: {  	v1 =	vld [tilespmem:$0x140A0];
	_ =	sdelay $0x7  }
0x6c: {  	[tilespmem:v1+s7+$0x0] =	vst.idx.add.f32.msk $0xffff, v0  }
0x6d: {  	v1 =	vld [tilespmem:$0x140B0];
	_ =	sdelay $0x7  }
0x6e: {  	[tilespmem:v1+s7+$0x0] =	vst.idx.add.f32.msk $0xffff, v0  }
0x6f: {  	v1 =	vld [tilespmem:$0x140C0];
	_ =	sdelay $0x7  }
0x70: {  	[tilespmem:v1+s7+$0x0] =	vst.idx.add.f32.msk $0xffff, v0  }
0x71: {  	v1 =	vld [tilespmem:$0x140D0];
	_ =	sdelay $0x7  }
0x72: {  	[tilespmem:v1+s7+$0x0] =	vst.idx.add.f32.msk $0xffff, v0  }
0x73: {  	v1 =	vld [tilespmem:$0x140E0];
	_ =	sdelay $0x7  }
0x74: {  	[tilespmem:v1+s7+$0x0] =	vst.idx.add.f32.msk $0xffff, v0  }
0x75: {  	v1 =	vld [tilespmem:$0x140F0];
	_ =	sdelay $0x7  }
0x76: {  	s24 =	rddreg [dreg:$0x9];
	[tilespmem:v1+s7+$0x0] =	vst.idx.add.f32.msk $0xffff, v0  }
0x77: {  	[tilespmem:s12], [sflag:$0x5] =	stream.linear.gather [hbm4b:s24+s3], $0x80, $0x38;
	[tilespmem:$0x1EE00] =	vst v63  }
0x78: {  	_ =	swait.ge [sflag:s30], $0x80  }
0x79: {  	[sflag:s30] =	ssyncset.done $0x0  }
0x7a: {  	s25 =	rddreg [dreg:$0xa];
	[sflag:s30] =	ssyncadd.s32 $0xFFFFFF80  }
0x7b: {  	[tilespmem:s13], [sflag:$0x5] =	stream.linear.gather [hbm4b:s25+s3], $0x80, $0x38;
	[tilespmem:$0x1EE00] =	vst v63  }
0x7c: {  	_ =	swait.ge [sflag:s30], $0x80  }
0x7d: {  	[sflag:s30] =	ssyncset.done $0x0  }
0x7e: {  	[sflag:s30] =	ssyncadd.s32 $0xFFFFFF80  }
0x7f: {  	[tilespmem:s14], [sflag:$0x2] =	stream.indirect.gather [hbm4b:s4+s0], $0x80, s12, s0, $0xb8;
	[tilespmem:$0x1EE00] =	vst v63  }
0x80: {  	v1 =	vld [tilespmem:$0x14180];
	_ =	sdelay $0x7  }
0x81: {  	[tilespmem:v1+s7+$0x0] =	vst.idx.add.f32.msk $0xffff, v0  }
0x82: {  	v1 =	vld [tilespmem:$0x14190];
	_ =	sdelay $0x7  }
0x83: {  	[tilespmem:v1+s7+$0x0] =	vst.idx.add.f32.msk $0xffff, v0  }
0x84: {  	v1 =	vld [tilespmem:$0x141A0];
	_ =	sdelay $0x7  }
0x85: {  	[tilespmem:v1+s7+$0x0] =	vst.idx.add.f32.msk $0xffff, v0  }
0x86: {  	v1 =	vld [tilespmem:$0x141B0];
	_ =	sdelay $0x7  }
0x87: {  	[tilespmem:v1+s7+$0x0] =	vst.idx.add.f32.msk $0xffff, v0  }
0x88: {  	v1 =	vld [tilespmem:$0x141C0];
	_ =	sdelay $0x7  }
0x89: {  	[tilespmem:v1+s7+$0x0] =	vst.idx.add.f32.msk $0xffff, v0  }
0x8a: {  	v1 =	vld [tilespmem:$0x141D0];
	_ =	sdelay $0x7  }
0x8b: {  	[tilespmem:v1+s7+$0x0] =	vst.idx.add.f32.msk $0xffff, v0  }
0x8c: {  	v1 =	vld [tilespmem:$0x141E0];
	_ =	sdelay $0x7  }
0x8d: {  	[tilespmem:v1+s7+$0x0] =	vst.idx.add.f32.msk $0xffff, v0  }
0x8e: {  	v1 =	vld [tilespmem:$0x141F0];
	_ =	sdelay $0x7  }
0x8f: {  	s24 =	simm.s32 $0x0;
	[tilespmem:v1+s7+$0x0] =	vst.idx.add.f32.msk $0xffff, v0  }
.LBB2_2:
0x90: {  	_ =	swait.ge [sflag:s15], $0x4000  }
0x91: {  	[sflag:s15] =	ssyncset.done $0x0  }
0x92: {  	[sflag:s15] =	ssyncadd.s32 $0xFFFFC000  }
0x93: {  	[spmem:s1] =	stream.indirect.scatter.add.f32 [tilespmem:s29], [sflag:$0x3], $0x80, s31, s0, $0xb8;
	[tilespmem:$0x1EE00] =	vst v63  }
0x94: {  	_ =	swait.ge [sflag:s16], $0x4000  }
0x95: {  	[sflag:s16] =	ssyncset.done $0x0  }
0x96: {  	[sflag:s16] =	ssyncadd.s32 $0xFFFFC000  }
0x97: {  	[spmem:s1] =	stream.indirect.scatter.add.f32 [tilespmem:s14], [sflag:$0x4], $0x80, s13, s0, $0xb8;
	[tilespmem:$0x1EE00] =	vst v63  }
0x98: {  	_ =	swait.ge [sflag:s21], $0x4000  }
0x99: {  	[sflag:s21] =	ssyncset.done $0x0  }
0x9a: {  	s2 =	sadd.s32 s24, s20;
	[sflag:s21] =	ssyncadd.s32 $0xFFFFC000  }
0x9b: {  	[tilespmem:s11], [sflag:$0x5] =	stream.linear.gather [hbm4b:s2+s3], $0x80, $0x38;
	[tilespmem:$0x1EE00] =	vst v63  }
0x9c: {  	_ =	swait.ge [sflag:s30], $0x80  }
0x9d: {  	[sflag:s30] =	ssyncset.done $0x0  }
0x9e: {  	s25 =	sadd.s32 s24, s19;
	[sflag:s30] =	ssyncadd.s32 $0xFFFFFF80  }
0x9f: {  	[tilespmem:s31], [sflag:$0x5] =	stream.linear.gather [hbm4b:s25+s3], $0x80, $0x38;
	[tilespmem:$0x1EE00] =	vst v63  }
0xa0: {  	_ =	swait.ge [sflag:s30], $0x80  }
0xa1: {  	[sflag:s30] =	ssyncset.done $0x0  }
0xa2: {  	[sflag:s30] =	ssyncadd.s32 $0xFFFFFF80  }
0xa3: {  	[tilespmem:s29], [sflag:$0x1] =	stream.indirect.gather [hbm4b:s4+s0], $0x80, s11, s0, $0xb8;
	[tilespmem:$0x1EE00] =	vst v63  }
0xa4: {  	v1 =	vld [tilespmem:$0x14080];
	_ =	sdelay $0x7  }
0xa5: {  	[tilespmem:v1+s7+$0x0] =	vst.idx.add.f32.msk $0xffff, v0  }
0xa6: {  	v1 =	vld [tilespmem:$0x14090];
	_ =	sdelay $0x7  }
0xa7: {  	[tilespmem:v1+s7+$0x0] =	vst.idx.add.f32.msk $0xffff, v0  }
0xa8: {  	v1 =	vld [tilespmem:$0x140A0];
	_ =	sdelay $0x7  }
0xa9: {  	[tilespmem:v1+s7+$0x0] =	vst.idx.add.f32.msk $0xffff, v0  }
0xaa: {  	v1 =	vld [tilespmem:$0x140B0];
	_ =	sdelay $0x7  }
0xab: {  	[tilespmem:v1+s7+$0x0] =	vst.idx.add.f32.msk $0xffff, v0  }
0xac: {  	v1 =	vld [tilespmem:$0x140C0];
	_ =	sdelay $0x7  }
0xad: {  	[tilespmem:v1+s7+$0x0] =	vst.idx.add.f32.msk $0xffff, v0  }
0xae: {  	v1 =	vld [tilespmem:$0x140D0];
	_ =	sdelay $0x7  }
0xaf: {  	[tilespmem:v1+s7+$0x0] =	vst.idx.add.f32.msk $0xffff, v0  }
0xb0: {  	v1 =	vld [tilespmem:$0x140E0];
	_ =	sdelay $0x7  }
0xb1: {  	[tilespmem:v1+s7+$0x0] =	vst.idx.add.f32.msk $0xffff, v0  }
0xb2: {  	v1 =	vld [tilespmem:$0x140F0];
	_ =	sdelay $0x7  }
0xb3: {  	[tilespmem:v1+s7+$0x0] =	vst.idx.add.f32.msk $0xffff, v0  }
0xb4: {  	_ =	swait.ge [sflag:s22], $0x4000  }
0xb5: {  	[sflag:s22] =	ssyncset.done $0x0  }
0xb6: {  	s9 =	sadd.s32 s24, s18;
	[sflag:s22] =	ssyncadd.s32 $0xFFFFC000  }
0xb7: {  	[tilespmem:s12], [sflag:$0x5] =	stream.linear.gather [hbm4b:s9+s3], $0x80, $0x38;
	[tilespmem:$0x1EE00] =	vst v63  }
0xb8: {  	_ =	swait.ge [sflag:s30], $0x80  }
0xb9: {  	[sflag:s30] =	ssyncset.done $0x0  }
0xba: {  	s25 =	sadd.s32 s24, s17;
	[sflag:s30] =	ssyncadd.s32 $0xFFFFFF80  }
0xbb: {  	[tilespmem:s13], [sflag:$0x5] =	stream.linear.gather [hbm4b:s25+s3], $0x80, $0x38;
	[tilespmem:$0x1EE00] =	vst v63  }
0xbc: {  	_ =	swait.ge [sflag:s30], $0x80  }
0xbd: {  	[sflag:s30] =	ssyncset.done $0x0  }
0xbe: {  	[sflag:s30] =	ssyncadd.s32 $0xFFFFFF80  }
0xbf: {  	[tilespmem:s14], [sflag:$0x2] =	stream.indirect.gather [hbm4b:s4+s0], $0x80, s12, s0, $0xb8;
	[tilespmem:$0x1EE00] =	vst v63  }
0xc0: {  	v1 =	vld [tilespmem:$0x14180];
	_ =	sdelay $0x7  }
0xc1: {  	[tilespmem:v1+s7+$0x0] =	vst.idx.add.f32.msk $0xffff, v0  }
0xc2: {  	v1 =	vld [tilespmem:$0x14190];
	_ =	sdelay $0x7  }
0xc3: {  	[tilespmem:v1+s7+$0x0] =	vst.idx.add.f32.msk $0xffff, v0  }
0xc4: {  	v1 =	vld [tilespmem:$0x141A0];
	_ =	sdelay $0x7  }
0xc5: {  	[tilespmem:v1+s7+$0x0] =	vst.idx.add.f32.msk $0xffff, v0  }
0xc6: {  	v1 =	vld [tilespmem:$0x141B0];
	_ =	sdelay $0x7  }
0xc7: {  	[tilespmem:v1+s7+$0x0] =	vst.idx.add.f32.msk $0xffff, v0  }
0xc8: {  	v1 =	vld [tilespmem:$0x141C0];
	_ =	sdelay $0x7  }
0xc9: {  	[tilespmem:v1+s7+$0x0] =	vst.idx.add.f32.msk $0xffff, v0  }
0xca: {  	v1 =	vld [tilespmem:$0x141D0];
	_ =	sdelay $0x7  }
0xcb: {  	[tilespmem:v1+s7+$0x0] =	vst.idx.add.f32.msk $0xffff, v0  }
0xcc: {  	v1 =	vld [tilespmem:$0x141E0];
	_ =	sdelay $0x7  }
0xcd: {  	[tilespmem:v1+s7+$0x0] =	vst.idx.add.f32.msk $0xffff, v0  }
0xce: {  	v1 =	vld [tilespmem:$0x141F0];
	_ =	sdelay $0x2  }
0xcf: {  	p1 =	sne.s32 s24, $0x4C0  }
.Ltmp0:
0xd0: {  	_ = 	snop;
	(pc) =	sbr.rel @p1 .LBB2_2-.Ltmp0, $2  }
0xd1: {  	_ =	sdelay $0x2  }
0xd2: {  	s24 =	sadd.s32 $0x20, s24;
	[tilespmem:v1+s7+$0x0] =	vst.idx.add.f32.msk $0xffff, v0  }
0xd3: {  	_ =	swait.ge [sflag:s15], $0x4000  }
0xd4: {  	[sflag:s15] =	ssyncset.done $0x0  }
0xd5: {  	[sflag:s15] =	ssyncadd.s32 $0xFFFFC000  }
0xd6: {  	[spmem:s1] =	stream.indirect.scatter.add.f32 [tilespmem:s29], [sflag:$0x3], $0x80, s31, s0, $0xb8;
	[tilespmem:$0x1EE00] =	vst v63  }
0xd7: {  	_ =	swait.ge [sflag:s16], $0x4000  }
0xd8: {  	[sflag:s16] =	ssyncset.done $0x0  }
0xd9: {  	[sflag:s16] =	ssyncadd.s32 $0xFFFFC000  }
0xda: {  	[spmem:s1] =	stream.indirect.scatter.add.f32 [tilespmem:s14], [sflag:$0x4], $0x80, s13, s0, $0xb8;
	[tilespmem:$0x1EE00] =	vst v63  }
0xdb: {  	_ =	swait.ge [sflag:s21], $0x4000  }
0xdc: {  	[sflag:s21] =	ssyncset.done $0x0  }
0xdd: {  	[sflag:s21] =	ssyncadd.s32 $0xFFFFC000  }
0xde: {  	_ =	swait.ge [sflag:s22], $0x4000  }
0xdf: {  	[sflag:s22] =	ssyncset.done $0x0  }
0xe0: {  	s2 =	simm.s32 $0x0;
	s9 =	rddreg [dreg:$0x5];
	[sflag:s22] =	ssyncadd.s32 $0xFFFFC000  }
0xe1: {  	[tilespmem:s29], [sflag:$0x5] =	stream.linear.gather [hbm4b:s9+s2], $0x4000, $0x38;
	[tilespmem:$0x1EE00] =	vst v63  }
0xe2: {  	_ =	swait.ge [sflag:s30], $0x4000  }
0xe3: {  	[sflag:s30] =	ssyncset.done $0x0  }
0xe4: {  	s24 =	simm.s32 $0x0;
	[sflag:s30] =	ssyncadd.s32 $0xFFFFC000  }
0xe5: {  	v4 =	vld [tilespmem:s24+$0x1C670]  }
0xe6: {  	v5 =	vld [tilespmem:s24+$0x1C600]  }
0xe7: {  	v6 =	vld [tilespmem:s24+$0x1C610]  }
0xe8: {  	v3 =	vld [tilespmem:s24+$0x1C620]  }
0xe9: {  	v1 =	vld [tilespmem:s24+$0x1C630]  }
0xea: {  	v2 =	vld [tilespmem:s24+$0x1C640];
	[tilespmem:s24+$0x14270] =	vst v4  }
0xeb: {  	[tilespmem:s24+$0x14200] =	vst v5;
	v4 =	vld [tilespmem:s24+$0x1C650]  }
0xec: {  	s25 =	simm.s32 $0x80;
	s2 =	simm.s32 $0x400;
	[tilespmem:s24+$0x14210] =	vst v6;
	v5 =	vld [tilespmem:s24+$0x1C660]  }
.LBB2_4:
0xed: {  	p1 =	sne.s32 s2, $0x9E00;
	v6 =	vld [tilespmem:s25+$0x1C670];
	[tilespmem:s24+$0x14220] =	vst v3  }
0xee: {  	v7 =	vld [tilespmem:s25+$0x1C600];
	[tilespmem:s24+$0x14230] =	vst v1  }
0xef: {  	v8 =	vld [tilespmem:s25+$0x1C610];
	[tilespmem:s24+$0x14240] =	vst v2  }
.Ltmp1:
0xf0: {  	v3 =	vld [tilespmem:s25+$0x1C620];
	[tilespmem:s24+$0x14250] =	vst v4;
	(pc) =	sbr.rel @p1 .LBB2_4-.Ltmp1, $4  }
0xf1: {  	v1 =	vld [tilespmem:s25+$0x1C630];
	[tilespmem:s24+$0x14260] =	vst v5;
	s24 =	smov.u32 s25  }
0xf2: {  	v2 =	vld [tilespmem:s24+$0x1C640];
	[tilespmem:s24+$0x14270] =	vst v6  }
0xf3: {  	[tilespmem:s24+$0x14200] =	vst v7;
	v4 =	vld [tilespmem:s24+$0x1C650]  }
0xf4: {  	s25 =	sshra.s32 s2, $0x2;
	s2 =	sadd.s32 $0x200, s2;
	[tilespmem:s24+$0x14210] =	vst v8;
	v5 =	vld [tilespmem:s24+$0x1C660]  }
0xf5: {  	v6 =	vld [tilespmem:s25+$0x1C670];
	[tilespmem:s24+$0x14220] =	vst v3  }
0xf6: {  	v3 =	vld [tilespmem:s25+$0x1C600];
	[tilespmem:s24+$0x14230] =	vst v1  }
0xf7: {  	v1 =	vld [tilespmem:s25+$0x1C610];
	[tilespmem:s24+$0x14240] =	vst v2  }
0xf8: {  	v2 =	vld [tilespmem:s25+$0x1C620];
	[tilespmem:s24+$0x14250] =	vst v4  }
0xf9: {  	v4 =	vld [tilespmem:s25+$0x1C630];
	[tilespmem:s24+$0x14260] =	vst v5  }
0xfa: {  	v5 =	vld [tilespmem:s25+$0x1C640];
	[tilespmem:s25+$0x14270] =	vst v6  }
0xfb: {  	[tilespmem:s25+$0x14200] =	vst v3;
	v3 =	vld [tilespmem:s25+$0x1C650]  }
0xfc: {  	[tilespmem:s25+$0x14210] =	vst v1;
	v1 =	vld [tilespmem:s25+$0x1C660]  }
0xfd: {  	[tilespmem:s25+$0x14220] =	vst v2  }
0xfe: {  	[tilespmem:s25+$0x14230] =	vst v4  }
0xff: {  	[tilespmem:s25+$0x14240] =	vst v5  }
0x100: {  	[tilespmem:s25+$0x14250] =	vst v3  }
0x101: {  	[tilespmem:s25+$0x14260] =	vst v1  }
0x102: {  	[tilespmem:s31], [sflag:$0x5] =	stream.linear.gather [hbm4b:s5+s3], $0x80, $0x38;
	[tilespmem:$0x1EE00] =	vst v63  }
0x103: {  	_ =	swait.ge [sflag:s30], $0x80  }
0x104: {  	[sflag:s30] =	ssyncset.done $0x0  }
0x105: {  	[sflag:s30] =	ssyncadd.s32 $0xFFFFFF80  }
0x106: {  	[spmem:s6] =	stream.indirect.scatter.add.f32 [tilespmem:s29], [sflag:$0x5], $0x80, s31, s0, $0xb8;
	[tilespmem:$0x1EE00] =	vst v63  }
0x107: {  	_ =	swait.ge [sflag:s30], $0x4000  }
0x108: {  	[sflag:s30] =	ssyncset.done $0x0  }
0x109: {  	[sflag:s30] =	ssyncadd.s32 $0xFFFFC000  }
0x10a: {  	[bflag:$0x0] =	sbarrier.arrive $0xFFFF  }
0x10b: {  	[tilespmem:s31], [sflag:$0x5] =	stream.linear.gather [hbm4b:s8+s3], $0x80, $0x38;
	[tilespmem:$0x1EE00] =	vst v63  }
0x10c: {  	_ =	swait.ge [sflag:s30], $0x80  }
0x10d: {  	[sflag:s30] =	ssyncset.done $0x0  }
0x10e: {  	[sflag:s30] =	ssyncadd.s32 $0xFFFFFF80  }
0x10f: {  	[tilespmem:s29], [sflag:$0x5] =	stream.indirect.gather [spmem:s1], $0x80, s31, s0, $0xb8;
	[tilespmem:$0x1EE00] =	vst v63  }
0x110: {  	_ =	swait.ge [sflag:s30], $0x4000  }
0x111: {  	[sflag:s30] =	ssyncset.done $0x0  }
0x112: {  	s2 =	rddreg [dreg:$0xb];
	[sflag:s30] =	ssyncadd.s32 $0xFFFFC000  }
0x113: {  	[hbm4b:s2+s3] =	stream.linear.scatter [tilespmem:s29], [sflag:$0x5], $0x4000, $0x38;
	[tilespmem:$0x1EE00] =	vst v63  }
0x114: {  	_ =	swait.ge [sflag:s30], $0x4000  }
0x115: {  	[sflag:s30] =	ssyncset.done $0x0  }
0x116: {  	[sflag:s30] =	ssyncadd.s32 $0xFFFFC000  }
0x117: {  	[tilespmem:s31], [sflag:$0x5] =	stream.linear.gather [hbm4b:s10+s3], $0x80, $0x38;
	[tilespmem:$0x1EE00] =	vst v63  }
0x118: {  	_ =	swait.ge [sflag:s30], $0x80  }
0x119: {  	[sflag:s30] =	ssyncset.done $0x0  }
0x11a: {  	[sflag:s30] =	ssyncadd.s32 $0xFFFFFF80  }
0x11b: {  	[tilespmem:s29], [sflag:$0x5] =	stream.indirect.gather [spmem:s1], $0x80, s31, s0, $0xb8;
	[tilespmem:$0x1EE00] =	vst v63  }
0x11c: {  	_ =	swait.ge [sflag:s30], $0x4000  }
0x11d: {  	[sflag:s30] =	ssyncset.done $0x0  }
0x11e: {  	s25 =	rddreg [dreg:$0xc];
	[sflag:s30] =	ssyncadd.s32 $0xFFFFC000  }
0x11f: {  	[hbm4b:s25+s3] =	stream.linear.scatter [tilespmem:s29], [sflag:$0x5], $0x4000, $0x38;
	[tilespmem:$0x1EE00] =	vst v63  }
0x120: {  	_ =	swait.ge [sflag:s30], $0x4000  }
0x121: {  	[sflag:s30] =	ssyncset.done $0x0  }
0x122: {  	[sflag:s30] =	ssyncadd.s32 $0xFFFFC000  }
0x123: {  	[tilespmem:s31], [sflag:$0x5] =	stream.linear.gather [hbm4b:s26+s3], $0x80, $0x38;
	[tilespmem:$0x1EE00] =	vst v63  }
0x124: {  	_ =	swait.ge [sflag:s30], $0x80  }
0x125: {  	[sflag:s30] =	ssyncset.done $0x0  }
0x126: {  	[sflag:s30] =	ssyncadd.s32 $0xFFFFFF80  }
0x127: {  	[tilespmem:s29], [sflag:$0x5] =	stream.indirect.gather [spmem:s1], $0x80, s31, s0, $0xb8;
	[tilespmem:$0x1EE00] =	vst v63  }
0x128: {  	_ =	swait.ge [sflag:s30], $0x4000  }
0x129: {  	[sflag:s30] =	ssyncset.done $0x0  }
0x12a: {  	s9 =	rddreg [dreg:$0xd];
	[sflag:s30] =	ssyncadd.s32 $0xFFFFC000  }
0x12b: {  	[hbm4b:s9+s3] =	stream.linear.scatter [tilespmem:s29], [sflag:$0x5], $0x4000, $0x38;
	[tilespmem:$0x1EE00] =	vst v63  }
0x12c: {  	_ =	swait.ge [sflag:s30], $0x4000  }
0x12d: {  	[sflag:s30] =	ssyncset.done $0x0  }
0x12e: {  	[sflag:s30] =	ssyncadd.s32 $0xFFFFC000  }
0x12f: {  	[tilespmem:s31], [sflag:$0x5] =	stream.linear.gather [hbm4b:s28+s3], $0x80, $0x38;
	[tilespmem:$0x1EE00] =	vst v63  }
0x130: {  	_ =	swait.ge [sflag:s30], $0x80  }
0x131: {  	[sflag:s30] =	ssyncset.done $0x0  }
0x132: {  	[sflag:s30] =	ssyncadd.s32 $0xFFFFFF80  }
0x133: {  	[tilespmem:s29], [sflag:$0x5] =	stream.indirect.gather [spmem:s1], $0x80, s31, s0, $0xb8;
	[tilespmem:$0x1EE00] =	vst v63  }
0x134: {  	_ =	swait.ge [sflag:s30], $0x4000  }
0x135: {  	[sflag:s30] =	ssyncset.done $0x0  }
0x136: {  	s24 =	rddreg [dreg:$0xe];
	[sflag:s30] =	ssyncadd.s32 $0xFFFFC000  }
0x137: {  	[hbm4b:s24+s3] =	stream.linear.scatter [tilespmem:s29], [sflag:$0x5], $0x4000, $0x38;
	[tilespmem:$0x1EE00] =	vst v63  }
0x138: {  	_ =	swait.ge [sflag:s30], $0x4000  }
0x139: {  	[sflag:s30] =	ssyncset.done $0x0  }
0x13a: {  	[sflag:s30] =	ssyncadd.s32 $0xFFFFC000  }
0x13b: {  	[tilespmem:s31], [sflag:$0x5] =	stream.linear.gather [hbm4b:s23+s3], $0x80, $0x38;
	[tilespmem:$0x1EE00] =	vst v63  }
0x13c: {  	_ =	swait.ge [sflag:s30], $0x80  }
0x13d: {  	[sflag:s30] =	ssyncset.done $0x0  }
0x13e: {  	[sflag:s30] =	ssyncadd.s32 $0xFFFFFF80  }
0x13f: {  	[tilespmem:s29], [sflag:$0x5] =	stream.indirect.gather [spmem:s1], $0x80, s31, s0, $0xb8;
	[tilespmem:$0x1EE00] =	vst v63  }
0x140: {  	_ =	swait.ge [sflag:s30], $0x4000  }
0x141: {  	[sflag:s30] =	ssyncset.done $0x0  }
0x142: {  	s25 =	rddreg [dreg:$0xf];
	[sflag:s30] =	ssyncadd.s32 $0xFFFFC000  }
0x143: {  	[hbm4b:s25+s3] =	stream.linear.scatter [tilespmem:s29], [sflag:$0x5], $0x4000, $0x38;
	[tilespmem:$0x1EE00] =	vst v63  }
0x144: {  	_ =	swait.ge [sflag:s30], $0x4000  }
0x145: {  	s2 =	simm.s32 @!p0 $0x0;
	[sflag:s30] =	ssyncset.done $0x0  }
0x146: {  	s24 =	simm.s32 @!p0 $0x14080;
	s25 =	simm.s32 @!p0 $0x5;
	[sflag:s30] =	ssyncadd.s32 $0xFFFFC000  }
0x147: {  	[tilespmem:s24], [sflag:$0x5] =	stream.linear.gather @!p0 [hbm4b:s5+s2], $0x80, $0x38;
	[tilespmem:$0x1EE00] =	vst v63  }
0x148: {  	_ =	swait.ge @!p0 [sflag:s25], $0x80  }
0x149: {  	[sflag:s25] =	ssyncset.done @!p0 $0x0  }
0x14a: {  	s9 =	simm.s32 @!p0 $0x14200;
	s2 =	simm.s32 @!p0 $0x80;
	[sflag:s25] =	ssyncadd.s32 @!p0 $0xFFFFFF80  }
0x14b: {  	[tilespmem:s9], [sflag:$0x5] =	stream.indirect.gather @!p0 [spmem:s6], $0x80, s24, s2, $0xb8;
	[tilespmem:$0x1EE00] =	vst v63  }
0x14c: {  	_ =	swait.ge @!p0 [sflag:s25], $0x4000  }
0x14d: {  	[sflag:s25] =	ssyncset.done @!p0 $0x0  }
0x14e: {  	s2 =	simm.s32 @!p0 $0x0;
	s24 =	rddreg [dreg:$0x10];
	[sflag:s25] =	ssyncadd.s32 @!p0 $0xFFFFC000  }
0x14f: {  	[hbm4b:s24+s2] =	stream.linear.scatter @!p0 [tilespmem:s9], [sflag:$0x5], $0x4000, $0x38;
	[tilespmem:$0x1EE00] =	vst v63  }
0x150: {  	_ =	swait.ge @!p0 [sflag:s25], $0x4000  }
0x151: {  	s2 =	rddreg [dreg:$0x12]  }
0x152: {  	s24 =	rddreg [dreg:$0x11];
	s9 =	sadd.s32 $0x1, s2  }
0x153: {  	p1 =	sne.s32 s9, s24  }
.Ltmp2:
0x154: {  	_ = 	snop;
	(pc) =	sbr.rel @p1 .LBB2_1-.Ltmp2, $3  }
0x155: {  	_ =	sdelay $0x1  }
0x156: {  	[sflag:s25] =	ssyncset.done @!p0 $0x0  }
0x157: {  	[sflag:s25] =	ssyncadd.s32 @!p0 $0xFFFFC000  }
0x158: {  	_ =	sfence.sel $0x180000  }
0x159: {  	[bflag:$0x0] =	sbarrier.arrive $0xFFFF  }
0x15a: {  	_ =	strace $0x90000047  }
0x15b: {  	[bflag:$0x2] =	sbarrier.arrive $0xFFFF  }
0x15c: {  	s0 =	rddreg [dreg:$0x4]  }
0x15d: {  	s0 =	sadd.s32 @!p0 $0x100000, s0  }
0x15e: {  	[sflag:s0] =	ssyncadd.tile.s32 @!p0 $0x1;
	_ =	shalt  }
.Lfunc_end2:
_tile_overlayer_lowered:
.L_overlay_start_2:
0x15f: {  	(tag) =	ssettag $0x2  }
0x160: {  	s0 =	rddreg [dreg:$0x0];
	s2 =	stileid.u32  }
0x161: {  	s1 =	rddreg [dreg:$0x1];
	p0 =	sne.s32 s2, $0x0  }
0x162: {  	s3 =	rddreg [dreg:$0x2];
	[bflag:$0x3] =	sbarrier.arrive $0xFFFF;
	s2 =	simm.s32 @!p0 $0x1C05  }
0x163: {  	[timem:s3], [sflag:s2] =	dma.local @!p0 [hbm:s0], s1  }
0x164: {  	s0 =	simm.s32 @!p0 $0x5  }
0x165: {  	_ =	swait.ge @!p0 [sflag:s0], s1  }
0x166: {  	s1 =	ssub.s32 @!p0 $0x0, s1;
	[sflag:s0] =	ssyncset.done @!p0 $0x0  }
0x167: {  	[sflag:s0] =	ssyncadd.s32 @!p0 s1  }
0x168: {  	[bflag:$0x3] =	sbarrier.arrive $0xFFFF  }
0x169: {  	_ =	shalt  }

</sc_bundles>
